<compile_context>
chip_gen: v7x
topology: tpu7x:2x2x1
jax: 0.10.2.dev20260603
libtpu: 0.0.44.dev20260713+nightly
codegen_flags: <defaults>
</compile_context>

<pallas_src>
import functools

import jax
import jax.numpy as jnp
from jax import lax
from jax.experimental import pallas as pl
from jax.experimental.pallas import tpu as pltpu
from jax.experimental.pallas import tpu_sc as plsc

N_NODES = 10000
N_EDGES = 10000
NNZ = 320000
D = 128

NC = 2
NS = 16
NW = NC * NS
PER_W = NNZ // NW
LANES = 16

ROW_BLK = 1000


def _sc_gather_scatter_add(nseg: int, with_cnt: bool, k: int,
                           nbuf: int = 2):
    nchunk = PER_W // k
    h1 = (nchunk + 1) // 2
    stages = [(0, h1), (h1, nchunk - h1)]
    rpt = (nseg // NS) // 8 * 8
    tail = nseg - rpt * NS
    zc = (k // 8) * 8
    zrem = rpt % zc
    mesh = plsc.VectorSubcoreMesh(
        core_axis_name="c", subcore_axis_name="s",
        num_cores=NC, num_subcores=NS)

    out_type = [jax.ShapeDtypeStruct((NC, nseg, D), jnp.float32)]
    scratch = (
        [pltpu.VMEM((h1, k), jnp.int32),
         pltpu.VMEM((h1, k), jnp.int32)]
        + [pltpu.VMEM((k, D), jnp.float32)] * nbuf
        + [pltpu.VMEM_SHARED((nseg, D), jnp.float32)]
        + [pltpu.SemaphoreType.DMA] * nbuf
        + [pltpu.SemaphoreType.DMA] * nbuf
    )
    if with_cnt:
        out_type.append(jax.ShapeDtypeStruct((NC, nseg, LANES), jnp.float32))
        scratch.append(pltpu.VMEM((k, LANES), jnp.float32))
        scratch.append(pltpu.VMEM_SHARED((nseg, LANES), jnp.float32))
        scratch.extend([pltpu.SemaphoreType.DMA] * nbuf)

    def body(table, gidx, sidx, acc_out, *rest):
        if with_cnt:
            cnt_out = rest[0]
            rest = rest[1:]
        gidx_v, sidx_v = rest[0], rest[1]
        rows = rest[2:2 + nbuf]
        acc_sh = rest[2 + nbuf]
        sems = rest[3 + nbuf:3 + 2 * nbuf]
        semss = rest[3 + 2 * nbuf:3 + 3 * nbuf]
        if with_cnt:
            ones_v, cnt_sh = rest[3 + 3 * nbuf], rest[4 + 3 * nbuf]
            semcs = rest[5 + 3 * nbuf:5 + 4 * nbuf]
        else:
            ones_v = cnt_sh = semcs = None
        rows0 = rows[0]
        c = lax.axis_index("c")
        s = lax.axis_index("s")
        wid = s * NC + c

        zeros = jnp.zeros((LANES,), jnp.float32)

        def zfill(i, _):
            for j in range(D // LANES):
                rows0[i, pl.ds(j * LANES, LANES)] = zeros
            return _

        lax.fori_loop(0, zc, zfill, None)
        for r in range(rpt // zc):
            pltpu.sync_copy(rows0.at[pl.ds(0, zc)],
                            acc_sh.at[pl.ds(s * rpt + r * zc, zc)])
        if zrem:
            pltpu.sync_copy(rows0.at[pl.ds(0, zrem)],
                            acc_sh.at[pl.ds(s * rpt + (rpt // zc) * zc,
                                            zrem)])

        @pl.when(s == 0)
        def _zero_tail():
            pltpu.sync_copy(rows0.at[pl.ds(0, tail)],
                            acc_sh.at[pl.ds(rpt * NS, tail)])

        if with_cnt:
            def c0(i, _):
                ones_v[i, :] = zeros
                return _
            lax.fori_loop(0, k, c0, None)
            for r in range(rpt // zc):
                pltpu.sync_copy(ones_v.at[pl.ds(0, zc)],
                                cnt_sh.at[pl.ds(s * rpt + r * zc, zc)])
            if zrem:
                pltpu.sync_copy(ones_v.at[pl.ds(0, zrem)],
                                cnt_sh.at[pl.ds(s * rpt + (rpt // zc) * zc,
                                                zrem)])

            @pl.when(s == 0)
            def _czero_tail():
                pltpu.sync_copy(ones_v.at[pl.ds(0, tail)],
                                cnt_sh.at[pl.ds(rpt * NS, tail)])

            ones = jnp.ones((LANES,), jnp.float32)

            def c1(i, _):
                ones_v[i, :] = ones
                return _
            lax.fori_loop(0, k, c1, None)
        plsc.subcore_barrier()

        def do_chunk(j, n_sub):
            static = isinstance(j, int)
            b = j % nbuf if static else None
            if static:
                rb, gsem, ssem = rows[b], sems[b], semss[b]
                csem = semcs[b] if with_cnt else None
            else:
                raise AssertionError
            pltpu.make_async_copy(table.at[gidx_v.at[j]], rb, gsem).wait()
            if nbuf == 2:
                pltpu.sync_copy(rb, acc_sh.at[sidx_v.at[j]], add=True)
            else:
                pltpu.async_copy(rb, acc_sh.at[sidx_v.at[j]], ssem,
                                 add=True)
            if with_cnt:
                if j >= nbuf:
                    pltpu.make_async_copy(
                        ones_v, cnt_sh.at[sidx_v.at[j]], csem).wait()
                pltpu.async_copy(ones_v, cnt_sh.at[sidx_v.at[j]], csem,
                                 add=True)
            if j + 2 < n_sub:
                bp = (j + 2) % nbuf
                if nbuf >= 3 and j >= 1:
                    pltpu.make_async_copy(
                        rows[bp], acc_sh.at[sidx_v.at[j - 1]],
                        semss[bp]).wait()
                pltpu.async_copy(table.at[gidx_v.at[j + 2]], rows[bp],
                                 sems[bp])

        def do_chunk_traced(j, u, i, n_sub, nloop):
            rb, gsem, ssem = rows[u], sems[u], semss[u]
            pltpu.make_async_copy(table.at[gidx_v.at[j]], rb, gsem).wait()
            if nbuf == 2:
                pltpu.sync_copy(rb, acc_sh.at[sidx_v.at[j]], add=True)
            else:
                pltpu.async_copy(rb, acc_sh.at[sidx_v.at[j]], ssem,
                                 add=True)
            if with_cnt:
                csem = semcs[u]

                @pl.when(i > 0)
                def _drain_cnt():
                    pltpu.make_async_copy(
                        ones_v, cnt_sh.at[sidx_v.at[j]], csem).wait()
                pltpu.async_copy(ones_v, cnt_sh.at[sidx_v.at[j]], csem,
                                 add=True)
            bp = (u + 2) % nbuf
            guard = (j + 2 < n_sub)
            if nbuf >= 3:
                guard = guard & (j >= 1)

            @pl.when(guard)
            def _prefetch():
                if nbuf >= 3:
                    pltpu.make_async_copy(
                        rows[bp], acc_sh.at[sidx_v.at[j - 1]],
                        semss[bp]).wait()
                pltpu.async_copy(table.at[gidx_v.at[j + 2]], rows[bp],
                                 sems[bp])

        for base, n_sub in stages:
            pltpu.sync_copy(gidx.at[wid, pl.ds(base, n_sub)],
                            gidx_v.at[pl.ds(0, n_sub)])
            pltpu.sync_copy(sidx.at[wid, pl.ds(base, n_sub)],
                            sidx_v.at[pl.ds(0, n_sub)])

            for t in range(2 if nbuf == 2 else 3):
                pltpu.async_copy(table.at[gidx_v.at[t]], rows[t], sems[t])

            nloop = n_sub // nbuf

            def step(i, _):
                for u in range(nbuf):
                    do_chunk_traced(nbuf * i + u, u, i, n_sub, nloop)
                return _

            lax.fori_loop(0, nloop, step, None)
            for j in range(nloop * nbuf, n_sub):
                do_chunk(j, n_sub)

            if nbuf >= 3:
                for t in range(max(0, n_sub - 3), n_sub):
                    pltpu.make_async_copy(
                        rows[t % nbuf], acc_sh.at[sidx_v.at[t]],
                        semss[t % nbuf]).wait()
            if with_cnt:
                for t in range(max(0, n_sub - nbuf), n_sub):
                    pltpu.make_async_copy(
                        ones_v, cnt_sh.at[sidx_v.at[t]],
                        semcs[t % nbuf]).wait()
        plsc.subcore_barrier()

        pltpu.sync_copy(acc_sh.at[pl.ds(s * rpt, rpt)],
                        acc_out.at[c, pl.ds(s * rpt, rpt)])

        @pl.when(s == 0)
        def _write_tail():
            pltpu.sync_copy(acc_sh.at[pl.ds(rpt * NS, tail)],
                            acc_out.at[c, pl.ds(rpt * NS, tail)])

        if with_cnt:
            pltpu.sync_copy(cnt_sh.at[pl.ds(s * rpt, rpt)],
                            cnt_out.at[c, pl.ds(s * rpt, rpt)])

            @pl.when(s == 0)
            def _cnt_tail():
                pltpu.sync_copy(cnt_sh.at[pl.ds(rpt * NS, tail)],
                                cnt_out.at[c, pl.ds(rpt * NS, tail)])

    return pl.kernel(
        body, out_type=out_type, mesh=mesh, scratch_types=scratch,
        compiler_params=pltpu.CompilerParams(
            needs_layout_passes=False, use_tc_tiling_on_sc=False))


def _tc_matmul(X, W):
    n, d_in = X.shape
    d_out = W.shape[0]

    def body(x_ref, w_ref, o_ref):
        o_ref[...] = lax.dot_general(
            x_ref[...], w_ref[...], (((1,), (1,)), ((), ())),
            preferred_element_type=jnp.float32)

    return pl.pallas_call(
        body,
        grid=(n // ROW_BLK,),
        in_specs=[
            pl.BlockSpec((ROW_BLK, d_in), lambda i: (i, 0)),
            pl.BlockSpec((d_out, d_in), lambda i: (0, 0)),
        ],
        out_specs=pl.BlockSpec((ROW_BLK, d_out), lambda i: (i, 0)),
        out_shape=jax.ShapeDtypeStruct((n, d_out), jnp.float32),
    )(X, W)


def _tc_mean_combine(esum_part, cnt_part):
    nseg = esum_part.shape[1]

    def body(e_ref, c_ref, o_ref):
        cnt = jnp.sum(c_ref[0] + c_ref[1], axis=-1) * (1.0 / LANES)
        e = e_ref[0] + e_ref[1]
        o_ref[...] = e / jnp.maximum(cnt, 1.0)[:, None]

    return pl.pallas_call(
        body,
        grid=(nseg // ROW_BLK,),
        in_specs=[
            pl.BlockSpec((NC, ROW_BLK, D), lambda i: (0, i, 0)),
            pl.BlockSpec((NC, ROW_BLK, LANES), lambda i: (0, i, 0)),
        ],
        out_specs=pl.BlockSpec((ROW_BLK, D), lambda i: (i, 0)),
        out_shape=jax.ShapeDtypeStruct((nseg, D), jnp.float32),
    )(esum_part, cnt_part)


def _tc_final(X2, xv_part, eps):
    n = X2.shape[0]

    def body(x2_ref, v_ref, eps_ref, o_ref):
        o_ref[...] = (1.0 + eps_ref[0]) * x2_ref[...] + v_ref[0] + v_ref[1]

    return pl.pallas_call(
        body,
        grid=(n // ROW_BLK,),
        in_specs=[
            pl.BlockSpec((ROW_BLK, D), lambda i: (i, 0)),
            pl.BlockSpec((NC, ROW_BLK, D), lambda i: (0, i, 0)),
            pl.BlockSpec(memory_space=pltpu.SMEM),
        ],
        out_specs=pl.BlockSpec((ROW_BLK, D), lambda i: (i, 0)),
        out_shape=jax.ShapeDtypeStruct((n, D), jnp.float32),
    )(X2, xv_part, eps)


def kernel(X, vertex, edges, W, eps):
    X2 = _tc_matmul(X, W)

    k1, k2 = 80, 80

    esum_part, cnt_part = _sc_gather_scatter_add(N_EDGES, True, k1)(
        X2, vertex.reshape(NW, PER_W // k1, k1),
        edges.reshape(NW, PER_W // k1, k1))
    Xe = _tc_mean_combine(esum_part, cnt_part)

    (xv_part,) = _sc_gather_scatter_add(N_NODES, False, k2, nbuf=3)(
        Xe, edges.reshape(NW, PER_W // k2, k2),
        vertex.reshape(NW, PER_W // k2, k2))

    Xout = _tc_final(X2, xv_part, eps)
    return (Xout, Xe)

# --- scband reference (transcript-rebuilt; emitter-appended) ---
"""Pipeline reference for scband-uni-ginconv-18081812316775 (READ-ONLY COPY).

The authoritative reference and input builder live on the scoring server;
editing this copy changes nothing except your own understanding.
"""

import jax, jax.numpy as jnp
import numpy as np

N_NODES = 10000
N_HYPEREDGES = 10000
NNZ = 320000
D_IN = 128
HEADS = 1
D_OUT = 128


def setup_inputs(seed: int = 0) -> dict:
    key = jax.random.key(seed)
    k1, k2, k3, k4, k5 = jax.random.split(key, 5)
    X = jax.random.normal(k1, (N_NODES, D_IN), dtype=jnp.float32)
    vertex = jax.random.randint(k2, (NNZ,), 0, N_NODES, dtype=jnp.int32)
    edges = jax.random.randint(k3, (NNZ,), 0, N_HYPEREDGES, dtype=jnp.int32)
    # nn.Linear(in_channels, heads*out_channels, bias=False): weight shape [out, in]
    W = jax.random.normal(k4, (HEADS * D_OUT, D_IN), dtype=jnp.float32) * (1.0 / np.sqrt(D_IN))
    eps = jnp.zeros((1,), dtype=jnp.float32)
    return {"X": X, "vertex": vertex, "edges": edges, "W": W, "eps": eps}


def reference(X, vertex, edges, W, eps):
    # args.first_aggregate = 'mean', args.use_norm = False
    N = X.shape[0]
    X2 = X @ W.T                                   # Linear, no bias
    Xve = jnp.take(X2, vertex, axis=0)             # gather node feats per incidence
    # scatter(..., reduce='mean') over hyperedge ids
    esum = jax.ops.segment_sum(Xve, edges, num_segments=N_HYPEREDGES)
    cnt = jax.ops.segment_sum(jnp.ones((Xve.shape[0], 1), dtype=X2.dtype), edges, num_segments=N_HYPEREDGES)
    Xe = esum / jnp.clip(cnt, 1.0)
    Xev = jnp.take(Xe, edges, axis=0)              # gather hyperedge feats back per incidence
    # scatter(..., reduce='sum', dim_size=N) over vertex ids
    Xv = jax.ops.segment_sum(Xev, vertex, num_segments=N)
    Xout = (1.0 + eps) * X2 + Xv
    return (Xout, Xe)


if False:  # reference __main__ guard neutralized (emitter)
    inp = setup_inputs()
    out = reference(**inp)
    print(out[0].shape, out[1].shape)

if __name__ == "__main__":
    import jax
    _d = setup_inputs()
    print(jax.jit(kernel)(*tuple(_d.values())))

</pallas_src>

<mosaic_0001>
#map = affine_map<(d0, d1) -> (0, 0)>
#map1 = affine_map<(d0, d1) -> (0, 0, 0)>
module attributes {stable_mosaic.version = 14 : i64} {
  func.func @body(%arg0: i32, %arg1: i32, %arg2: memref<10000x128xf32, #tpu.memory_space<hbm>>, %arg3: memref<32x125x80xi32, #tpu.memory_space<hbm>>, %arg4: memref<32x125x80xi32, #tpu.memory_space<hbm>>, %arg5: memref<2x10000x128xf32, #tpu.memory_space<hbm>>, %arg6: memref<63x80xi32, #tpu.memory_space<vmem>>, %arg7: memref<63x80xi32, #tpu.memory_space<vmem>>, %arg8: memref<80x128xf32, #tpu.memory_space<vmem>>, %arg9: memref<80x128xf32, #tpu.memory_space<vmem>>, %arg10: memref<80x128xf32, #tpu.memory_space<vmem>>, %arg11: memref<10000x128xf32, #tpu.memory_space<vmem_shared>>, %arg12: memref<!tpu.dma_semaphore, #tpu.memory_space<semaphore_mem>>, %arg13: memref<!tpu.dma_semaphore, #tpu.memory_space<semaphore_mem>>, %arg14: memref<!tpu.dma_semaphore, #tpu.memory_space<semaphore_mem>>, %arg15: memref<!tpu.dma_semaphore, #tpu.memory_space<semaphore_mem>>, %arg16: memref<!tpu.dma_semaphore, #tpu.memory_space<semaphore_mem>>, %arg17: memref<!tpu.dma_semaphore, #tpu.memory_space<semaphore_mem>>) attributes {dimension_semantics = [#tpu.dimension_semantics<core_parallel>, #tpu.dimension_semantics<subcore_parallel>], iteration_bounds = array<i64: 2, 16>, scalar_prefetch = 0 : i64, scratch_operands = 12 : i64, tpu.core_type = #tpu.core_type<sc_vector_subcore>, window_params = [{transform_indices = #map}, {transform_indices = #map1}, {transform_indices = #map1}, {transform_indices = #map1}]} {
    %mul3A = arith.constant 2 : i32
    %mul3A_0 = arith.muli %arg1, %mul3A : i32
    %add3A = arith.addi %mul3A_0, %arg0 : i32
    %broadcast_in_dim3A = arith.constant 0.000000e+00 : f32
    %broadcast_in_dim3A_1 = vector.broadcast %broadcast_in_dim3A : f32 to vector<16xf32>
    %scan3A = arith.constant 0 : i32
    %scan3A_2 = arith.constant 80 : i32
    %scan3A_3 = arith.addi %scan3A, %scan3A_2 : i32
    %scan3A_4 = arith.constant 1 : i32
    scf.for %scan3A_170 = %scan3A to %scan3A_3 step %scan3A_4  : i32 {
      %swap3A = arith.index_cast %scan3A_170 : i32 to index
      %swap3A_171 = arith.constant 0 : index
      %swap3A_172 = tpu.vector_load %arg8[%swap3A, %swap3A_171] {strides = array<i32>} : memref<80x128xf32, #tpu.memory_space<vmem>>, vector<16xf32>,
      tpu.vector_store %arg8[%swap3A, %swap3A_171], %broadcast_in_dim3A_1 {strides = array<i32>} : memref<80x128xf32, #tpu.memory_space<vmem>>, vector<16xf32>,
      %swap3A_173 = arith.index_cast %scan3A_170 : i32 to index
      %swap3A_174 = arith.constant 16 : index
      %swap3A_175 = tpu.vector_load %arg8[%swap3A_173, %swap3A_174] {strides = array<i32>} : memref<80x128xf32, #tpu.memory_space<vmem>>, vector<16xf32>,
      tpu.vector_store %arg8[%swap3A_173, %swap3A_174], %broadcast_in_dim3A_1 {strides = array<i32>} : memref<80x128xf32, #tpu.memory_space<vmem>>, vector<16xf32>,
      %swap3A_176 = arith.index_cast %scan3A_170 : i32 to index
      %swap3A_177 = arith.constant 32 : index
      %swap3A_178 = tpu.vector_load %arg8[%swap3A_176, %swap3A_177] {strides = array<i32>} : memref<80x128xf32, #tpu.memory_space<vmem>>, vector<16xf32>,
      tpu.vector_store %arg8[%swap3A_176, %swap3A_177], %broadcast_in_dim3A_1 {strides = array<i32>} : memref<80x128xf32, #tpu.memory_space<vmem>>, vector<16xf32>,
      %swap3A_179 = arith.index_cast %scan3A_170 : i32 to index
      %swap3A_180 = arith.constant 48 : index
      %swap3A_181 = tpu.vector_load %arg8[%swap3A_179, %swap3A_180] {strides = array<i32>} : memref<80x128xf32, #tpu.memory_space<vmem>>, vector<16xf32>,
      tpu.vector_store %arg8[%swap3A_179, %swap3A_180], %broadcast_in_dim3A_1 {strides = array<i32>} : memref<80x128xf32, #tpu.memory_space<vmem>>, vector<16xf32>,
      %swap3A_182 = arith.index_cast %scan3A_170 : i32 to index
      %swap3A_183 = arith.constant 64 : index
      %swap3A_184 = tpu.vector_load %arg8[%swap3A_182, %swap3A_183] {strides = array<i32>} : memref<80x128xf32, #tpu.memory_space<vmem>>, vector<16xf32>,
      tpu.vector_store %arg8[%swap3A_182, %swap3A_183], %broadcast_in_dim3A_1 {strides = array<i32>} : memref<80x128xf32, #tpu.memory_space<vmem>>, vector<16xf32>,
      %swap3A_185 = arith.index_cast %scan3A_170 : i32 to index
      %swap3A_186 = arith.constant 80 : index
      %swap3A_187 = tpu.vector_load %arg8[%swap3A_185, %swap3A_186] {strides = array<i32>} : memref<80x128xf32, #tpu.memory_space<vmem>>, vector<16xf32>,
      tpu.vector_store %arg8[%swap3A_185, %swap3A_186], %broadcast_in_dim3A_1 {strides = array<i32>} : memref<80x128xf32, #tpu.memory_space<vmem>>, vector<16xf32>,
      %swap3A_188 = arith.index_cast %scan3A_170 : i32 to index
      %swap3A_189 = arith.constant 96 : index
      %swap3A_190 = tpu.vector_load %arg8[%swap3A_188, %swap3A_189] {strides = array<i32>} : memref<80x128xf32, #tpu.memory_space<vmem>>, vector<16xf32>,
      tpu.vector_store %arg8[%swap3A_188, %swap3A_189], %broadcast_in_dim3A_1 {strides = array<i32>} : memref<80x128xf32, #tpu.memory_space<vmem>>, vector<16xf32>,
      %swap3A_191 = arith.index_cast %scan3A_170 : i32 to index
      %swap3A_192 = arith.constant 112 : index
      %swap3A_193 = tpu.vector_load %arg8[%swap3A_191, %swap3A_192] {strides = array<i32>} : memref<80x128xf32, #tpu.memory_space<vmem>>, vector<16xf32>,
      tpu.vector_store %arg8[%swap3A_191, %swap3A_192], %broadcast_in_dim3A_1 {strides = array<i32>} : memref<80x128xf32, #tpu.memory_space<vmem>>, vector<16xf32>,
    }
    %scan3A_5 = arith.constant 80 : i32
    %mul3A_6 = arith.constant 624 : i32
    %mul3A_7 = arith.muli %arg1, %mul3A_6 : i32
    %add3A_8 = arith.constant 0 : i32
    %add3A_9 = arith.addi %mul3A_7, %add3A_8 : i32
    "tpu.region"() ({
      %run_scoped3A = tpu.sem_alloc : memref<!tpu.dma_semaphore, #tpu.memory_space<semaphore_mem>>
      %dma_start3A_170 = arith.constant 0 : i32
      %dma_start3A_171 = arith.constant 0 : i32
      %dma_start3A_172 = tpu.memref_slice %arg8[%dma_start3A_170, %dma_start3A_171] : memref<80x128xf32, #tpu.memory_space<vmem>> -> memref<80x128xf32, #tpu.memory_space<vmem>>
      %dma_start3A_173 = arith.constant 0 : i32
      %dma_start3A_174 = tpu.memref_slice %arg11[%add3A_9, %dma_start3A_173] : memref<10000x128xf32, #tpu.memory_space<vmem_shared>> -> memref<80x128xf32, #tpu.memory_space<vmem_shared>>
      %dma_start3A_175 = arith.constant 0 : i32
      %dma_start3A_176 = tpu.memref_slice %arg11[%add3A_9, %dma_start3A_175] : memref<10000x128xf32, #tpu.memory_space<vmem_shared>> -> memref<80x128xf32, #tpu.memory_space<vmem_shared>>
      %dma_start3A_177 = arith.constant 0 : i32
      %dma_start3A_178 = arith.constant 0 : i32
      %dma_start3A_179 = tpu.memref_slice %arg8[%dma_start3A_177, %dma_start3A_178] : memref<80x128xf32, #tpu.memory_space<vmem>> -> memref<80x128xf32, #tpu.memory_space<vmem>>
      tpu.enqueue_dma source(%dma_start3A_179 : memref<80x128xf32, #tpu.memory_space<vmem>>) target(%dma_start3A_176 : memref<80x128xf32, #tpu.memory_space<vmem_shared>>) target_semaphore(%run_scoped3A : memref<!tpu.dma_semaphore, #tpu.memory_space<semaphore_mem>>)
      %dma_wait3A_180 = arith.constant 0 : i32
      %dma_wait3A_181 = arith.constant 0 : i32
      %dma_wait3A_182 = tpu.memref_slice %arg8[%dma_wait3A_180, %dma_wait3A_181] : memref<80x128xf32, #tpu.memory_space<vmem>> -> memref<80x128xf32, #tpu.memory_space<vmem>>
      %dma_wait3A_183 = arith.constant 0 : i32
      %dma_wait3A_184 = tpu.memref_slice %arg11[%add3A_9, %dma_wait3A_183] : memref<10000x128xf32, #tpu.memory_space<vmem_shared>> -> memref<80x128xf32, #tpu.memory_space<vmem_shared>>
      %dma_wait3A_185 = arith.constant 0 : i32
      %dma_wait3A_186 = tpu.memref_slice %arg11[%add3A_9, %dma_wait3A_185] : memref<10000x128xf32, #tpu.memory_space<vmem_shared>> -> memref<80x128xf32, #tpu.memory_space<vmem_shared>>
      %dma_wait3A_187 = arith.constant 0 : i32
      %dma_wait3A_188 = arith.constant 0 : i32
      %dma_wait3A_189 = tpu.memref_slice %arg8[%dma_wait3A_187, %dma_wait3A_188] : memref<80x128xf32, #tpu.memory_space<vmem>> -> memref<80x128xf32, #tpu.memory_space<vmem>>
      tpu.wait_dma2 semaphore(%run_scoped3A : memref<!tpu.dma_semaphore, #tpu.memory_space<semaphore_mem>>) src(%dma_wait3A_189 : memref<80x128xf32, #tpu.memory_space<vmem>>) dst(%dma_wait3A_186 : memref<80x128xf32, #tpu.memory_space<vmem_shared>>)
      tpu.yield
    }) : () -> ()
    %mul3A_10 = arith.constant 624 : i32
    %mul3A_11 = arith.muli %arg1, %mul3A_10 : i32
    %add3A_12 = arith.constant 80 : i32
    %add3A_13 = arith.addi %mul3A_11, %add3A_12 : i32
    "tpu.region"() ({
      %run_scoped3A = tpu.sem_alloc : memref<!tpu.dma_semaphore, #tpu.memory_space<semaphore_mem>>
      %dma_start3A_170 = arith.constant 0 : i32
      %dma_start3A_171 = arith.constant 0 : i32
      %dma_start3A_172 = tpu.memref_slice %arg8[%dma_start3A_170, %dma_start3A_171] : memref<80x128xf32, #tpu.memory_space<vmem>> -> memref<80x128xf32, #tpu.memory_space<vmem>>
      %dma_start3A_173 = arith.constant 0 : i32
      %dma_start3A_174 = tpu.memref_slice %arg11[%add3A_13, %dma_start3A_173] : memref<10000x128xf32, #tpu.memory_space<vmem_shared>> -> memref<80x128xf32, #tpu.memory_space<vmem_shared>>
      %dma_start3A_175 = arith.constant 0 : i32
      %dma_start3A_176 = tpu.memref_slice %arg11[%add3A_13, %dma_start3A_175] : memref<10000x128xf32, #tpu.memory_space<vmem_shared>> -> memref<80x128xf32, #tpu.memory_space<vmem_shared>>
      %dma_start3A_177 = arith.constant 0 : i32
      %dma_start3A_178 = arith.constant 0 : i32
      %dma_start3A_179 = tpu.memref_slice %arg8[%dma_start3A_177, %dma_start3A_178] : memref<80x128xf32, #tpu.memory_space<vmem>> -> memref<80x128xf32, #tpu.memory_space<vmem>>
      tpu.enqueue_dma source(%dma_start3A_179 : memref<80x128xf32, #tpu.memory_space<vmem>>) target(%dma_start3A_176 : memref<80x128xf32, #tpu.memory_space<vmem_shared>>) target_semaphore(%run_scoped3A : memref<!tpu.dma_semaphore, #tpu.memory_space<semaphore_mem>>)
      %dma_wait3A_180 = arith.constant 0 : i32
      %dma_wait3A_181 = arith.constant 0 : i32
      %dma_wait3A_182 = tpu.memref_slice %arg8[%dma_wait3A_180, %dma_wait3A_181] : memref<80x128xf32, #tpu.memory_space<vmem>> -> memref<80x128xf32, #tpu.memory_space<vmem>>
      %dma_wait3A_183 = arith.constant 0 : i32
      %dma_wait3A_184 = tpu.memref_slice %arg11[%add3A_13, %dma_wait3A_183] : memref<10000x128xf32, #tpu.memory_space<vmem_shared>> -> memref<80x128xf32, #tpu.memory_space<vmem_shared>>
      %dma_wait3A_185 = arith.constant 0 : i32
      %dma_wait3A_186 = tpu.memref_slice %arg11[%add3A_13, %dma_wait3A_185] : memref<10000x128xf32, #tpu.memory_space<vmem_shared>> -> memref<80x128xf32, #tpu.memory_space<vmem_shared>>
      %dma_wait3A_187 = arith.constant 0 : i32
      %dma_wait3A_188 = arith.constant 0 : i32
      %dma_wait3A_189 = tpu.memref_slice %arg8[%dma_wait3A_187, %dma_wait3A_188] : memref<80x128xf32, #tpu.memory_space<vmem>> -> memref<80x128xf32, #tpu.memory_space<vmem>>
      tpu.wait_dma2 semaphore(%run_scoped3A : memref<!tpu.dma_semaphore, #tpu.memory_space<semaphore_mem>>) src(%dma_wait3A_189 : memref<80x128xf32, #tpu.memory_space<vmem>>) dst(%dma_wait3A_186 : memref<80x128xf32, #tpu.memory_space<vmem_shared>>)
      tpu.yield
    }) : () -> ()
    %mul3A_14 = arith.constant 624 : i32
    %mul3A_15 = arith.muli %arg1, %mul3A_14 : i32
    %add3A_16 = arith.constant 160 : i32
    %add3A_17 = arith.addi %mul3A_15, %add3A_16 : i32
    "tpu.region"() ({
      %run_scoped3A = tpu.sem_alloc : memref<!tpu.dma_semaphore, #tpu.memory_space<semaphore_mem>>
      %dma_start3A_170 = arith.constant 0 : i32
      %dma_start3A_171 = arith.constant 0 : i32
      %dma_start3A_172 = tpu.memref_slice %arg8[%dma_start3A_170, %dma_start3A_171] : memref<80x128xf32, #tpu.memory_space<vmem>> -> memref<80x128xf32, #tpu.memory_space<vmem>>
      %dma_start3A_173 = arith.constant 0 : i32
      %dma_start3A_174 = tpu.memref_slice %arg11[%add3A_17, %dma_start3A_173] : memref<10000x128xf32, #tpu.memory_space<vmem_shared>> -> memref<80x128xf32, #tpu.memory_space<vmem_shared>>
      %dma_start3A_175 = arith.constant 0 : i32
      %dma_start3A_176 = tpu.memref_slice %arg11[%add3A_17, %dma_start3A_175] : memref<10000x128xf32, #tpu.memory_space<vmem_shared>> -> memref<80x128xf32, #tpu.memory_space<vmem_shared>>
      %dma_start3A_177 = arith.constant 0 : i32
      %dma_start3A_178 = arith.constant 0 : i32
      %dma_start3A_179 = tpu.memref_slice %arg8[%dma_start3A_177, %dma_start3A_178] : memref<80x128xf32, #tpu.memory_space<vmem>> -> memref<80x128xf32, #tpu.memory_space<vmem>>
      tpu.enqueue_dma source(%dma_start3A_179 : memref<80x128xf32, #tpu.memory_space<vmem>>) target(%dma_start3A_176 : memref<80x128xf32, #tpu.memory_space<vmem_shared>>) target_semaphore(%run_scoped3A : memref<!tpu.dma_semaphore, #tpu.memory_space<semaphore_mem>>)
      %dma_wait3A_180 = arith.constant 0 : i32
      %dma_wait3A_181 = arith.constant 0 : i32
      %dma_wait3A_182 = tpu.memref_slice %arg8[%dma_wait3A_180, %dma_wait3A_181] : memref<80x128xf32, #tpu.memory_space<vmem>> -> memref<80x128xf32, #tpu.memory_space<vmem>>
      %dma_wait3A_183 = arith.constant 0 : i32
      %dma_wait3A_184 = tpu.memref_slice %arg11[%add3A_17, %dma_wait3A_183] : memref<10000x128xf32, #tpu.memory_space<vmem_shared>> -> memref<80x128xf32, #tpu.memory_space<vmem_shared>>
      %dma_wait3A_185 = arith.constant 0 : i32
      %dma_wait3A_186 = tpu.memref_slice %arg11[%add3A_17, %dma_wait3A_185] : memref<10000x128xf32, #tpu.memory_space<vmem_shared>> -> memref<80x128xf32, #tpu.memory_space<vmem_shared>>
      %dma_wait3A_187 = arith.constant 0 : i32
      %dma_wait3A_188 = arith.constant 0 : i32
      %dma_wait3A_189 = tpu.memref_slice %arg8[%dma_wait3A_187, %dma_wait3A_188] : memref<80x128xf32, #tpu.memory_space<vmem>> -> memref<80x128xf32, #tpu.memory_space<vmem>>
      tpu.wait_dma2 semaphore(%run_scoped3A : memref<!tpu.dma_semaphore, #tpu.memory_space<semaphore_mem>>) src(%dma_wait3A_189 : memref<80x128xf32, #tpu.memory_space<vmem>>) dst(%dma_wait3A_186 : memref<80x128xf32, #tpu.memory_space<vmem_shared>>)
      tpu.yield
    }) : () -> ()
    %mul3A_18 = arith.constant 624 : i32
    %mul3A_19 = arith.muli %arg1, %mul3A_18 : i32
    %add3A_20 = arith.constant 240 : i32
    %add3A_21 = arith.addi %mul3A_19, %add3A_20 : i32
    "tpu.region"() ({
      %run_scoped3A = tpu.sem_alloc : memref<!tpu.dma_semaphore, #tpu.memory_space<semaphore_mem>>
      %dma_start3A_170 = arith.constant 0 : i32
      %dma_start3A_171 = arith.constant 0 : i32
      %dma_start3A_172 = tpu.memref_slice %arg8[%dma_start3A_170, %dma_start3A_171] : memref<80x128xf32, #tpu.memory_space<vmem>> -> memref<80x128xf32, #tpu.memory_space<vmem>>
      %dma_start3A_173 = arith.constant 0 : i32
      %dma_start3A_174 = tpu.memref_slice %arg11[%add3A_21, %dma_start3A_173] : memref<10000x128xf32, #tpu.memory_space<vmem_shared>> -> memref<80x128xf32, #tpu.memory_space<vmem_shared>>
      %dma_start3A_175 = arith.constant 0 : i32
      %dma_start3A_176 = tpu.memref_slice %arg11[%add3A_21, %dma_start3A_175] : memref<10000x128xf32, #tpu.memory_space<vmem_shared>> -> memref<80x128xf32, #tpu.memory_space<vmem_shared>>
      %dma_start3A_177 = arith.constant 0 : i32
      %dma_start3A_178 = arith.constant 0 : i32
      %dma_start3A_179 = tpu.memref_slice %arg8[%dma_start3A_177, %dma_start3A_178] : memref<80x128xf32, #tpu.memory_space<vmem>> -> memref<80x128xf32, #tpu.memory_space<vmem>>
      tpu.enqueue_dma source(%dma_start3A_179 : memref<80x128xf32, #tpu.memory_space<vmem>>) target(%dma_start3A_176 : memref<80x128xf32, #tpu.memory_space<vmem_shared>>) target_semaphore(%run_scoped3A : memref<!tpu.dma_semaphore, #tpu.memory_space<semaphore_mem>>)
      %dma_wait3A_180 = arith.constant 0 : i32
      %dma_wait3A_181 = arith.constant 0 : i32
      %dma_wait3A_182 = tpu.memref_slice %arg8[%dma_wait3A_180, %dma_wait3A_181] : memref<80x128xf32, #tpu.memory_space<vmem>> -> memref<80x128xf32, #tpu.memory_space<vmem>>
      %dma_wait3A_183 = arith.constant 0 : i32
      %dma_wait3A_184 = tpu.memref_slice %arg11[%add3A_21, %dma_wait3A_183] : memref<10000x128xf32, #tpu.memory_space<vmem_shared>> -> memref<80x128xf32, #tpu.memory_space<vmem_shared>>
      %dma_wait3A_185 = arith.constant 0 : i32
      %dma_wait3A_186 = tpu.memref_slice %arg11[%add3A_21, %dma_wait3A_185] : memref<10000x128xf32, #tpu.memory_space<vmem_shared>> -> memref<80x128xf32, #tpu.memory_space<vmem_shared>>
      %dma_wait3A_187 = arith.constant 0 : i32
      %dma_wait3A_188 = arith.constant 0 : i32
      %dma_wait3A_189 = tpu.memref_slice %arg8[%dma_wait3A_187, %dma_wait3A_188] : memref<80x128xf32, #tpu.memory_space<vmem>> -> memref<80x128xf32, #tpu.memory_space<vmem>>
      tpu.wait_dma2 semaphore(%run_scoped3A : memref<!tpu.dma_semaphore, #tpu.memory_space<semaphore_mem>>) src(%dma_wait3A_189 : memref<80x128xf32, #tpu.memory_space<vmem>>) dst(%dma_wait3A_186 : memref<80x128xf32, #tpu.memory_space<vmem_shared>>)
      tpu.yield
    }) : () -> ()
    %mul3A_22 = arith.constant 624 : i32
    %mul3A_23 = arith.muli %arg1, %mul3A_22 : i32
    %add3A_24 = arith.constant 320 : i32
    %add3A_25 = arith.addi %mul3A_23, %add3A_24 : i32
    "tpu.region"() ({
      %run_scoped3A = tpu.sem_alloc : memref<!tpu.dma_semaphore, #tpu.memory_space<semaphore_mem>>
      %dma_start3A_170 = arith.constant 0 : i32
      %dma_start3A_171 = arith.constant 0 : i32
      %dma_start3A_172 = tpu.memref_slice %arg8[%dma_start3A_170, %dma_start3A_171] : memref<80x128xf32, #tpu.memory_space<vmem>> -> memref<80x128xf32, #tpu.memory_space<vmem>>
      %dma_start3A_173 = arith.constant 0 : i32
      %dma_start3A_174 = tpu.memref_slice %arg11[%add3A_25, %dma_start3A_173] : memref<10000x128xf32, #tpu.memory_space<vmem_shared>> -> memref<80x128xf32, #tpu.memory_space<vmem_shared>>
      %dma_start3A_175 = arith.constant 0 : i32
      %dma_start3A_176 = tpu.memref_slice %arg11[%add3A_25, %dma_start3A_175] : memref<10000x128xf32, #tpu.memory_space<vmem_shared>> -> memref<80x128xf32, #tpu.memory_space<vmem_shared>>
      %dma_start3A_177 = arith.constant 0 : i32
      %dma_start3A_178 = arith.constant 0 : i32
      %dma_start3A_179 = tpu.memref_slice %arg8[%dma_start3A_177, %dma_start3A_178] : memref<80x128xf32, #tpu.memory_space<vmem>> -> memref<80x128xf32, #tpu.memory_space<vmem>>
      tpu.enqueue_dma source(%dma_start3A_179 : memref<80x128xf32, #tpu.memory_space<vmem>>) target(%dma_start3A_176 : memref<80x128xf32, #tpu.memory_space<vmem_shared>>) target_semaphore(%run_scoped3A : memref<!tpu.dma_semaphore, #tpu.memory_space<semaphore_mem>>)
      %dma_wait3A_180 = arith.constant 0 : i32
      %dma_wait3A_181 = arith.constant 0 : i32
      %dma_wait3A_182 = tpu.memref_slice %arg8[%dma_wait3A_180, %dma_wait3A_181] : memref<80x128xf32, #tpu.memory_space<vmem>> -> memref<80x128xf32, #tpu.memory_space<vmem>>
      %dma_wait3A_183 = arith.constant 0 : i32
      %dma_wait3A_184 = tpu.memref_slice %arg11[%add3A_25, %dma_wait3A_183] : memref<10000x128xf32, #tpu.memory_space<vmem_shared>> -> memref<80x128xf32, #tpu.memory_space<vmem_shared>>
      %dma_wait3A_185 = arith.constant 0 : i32
      %dma_wait3A_186 = tpu.memref_slice %arg11[%add3A_25, %dma_wait3A_185] : memref<10000x128xf32, #tpu.memory_space<vmem_shared>> -> memref<80x128xf32, #tpu.memory_space<vmem_shared>>
      %dma_wait3A_187 = arith.constant 0 : i32
      %dma_wait3A_188 = arith.constant 0 : i32
      %dma_wait3A_189 = tpu.memref_slice %arg8[%dma_wait3A_187, %dma_wait3A_188] : memref<80x128xf32, #tpu.memory_space<vmem>> -> memref<80x128xf32, #tpu.memory_space<vmem>>
      tpu.wait_dma2 semaphore(%run_scoped3A : memref<!tpu.dma_semaphore, #tpu.memory_space<semaphore_mem>>) src(%dma_wait3A_189 : memref<80x128xf32, #tpu.memory_space<vmem>>) dst(%dma_wait3A_186 : memref<80x128xf32, #tpu.memory_space<vmem_shared>>)
      tpu.yield
    }) : () -> ()
    %mul3A_26 = arith.constant 624 : i32
    %mul3A_27 = arith.muli %arg1, %mul3A_26 : i32
    %add3A_28 = arith.constant 400 : i32
    %add3A_29 = arith.addi %mul3A_27, %add3A_28 : i32
    "tpu.region"() ({
      %run_scoped3A = tpu.sem_alloc : memref<!tpu.dma_semaphore, #tpu.memory_space<semaphore_mem>>
      %dma_start3A_170 = arith.constant 0 : i32
      %dma_start3A_171 = arith.constant 0 : i32
      %dma_start3A_172 = tpu.memref_slice %arg8[%dma_start3A_170, %dma_start3A_171] : memref<80x128xf32, #tpu.memory_space<vmem>> -> memref<80x128xf32, #tpu.memory_space<vmem>>
      %dma_start3A_173 = arith.constant 0 : i32
      %dma_start3A_174 = tpu.memref_slice %arg11[%add3A_29, %dma_start3A_173] : memref<10000x128xf32, #tpu.memory_space<vmem_shared>> -> memref<80x128xf32, #tpu.memory_space<vmem_shared>>
      %dma_start3A_175 = arith.constant 0 : i32
      %dma_start3A_176 = tpu.memref_slice %arg11[%add3A_29, %dma_start3A_175] : memref<10000x128xf32, #tpu.memory_space<vmem_shared>> -> memref<80x128xf32, #tpu.memory_space<vmem_shared>>
      %dma_start3A_177 = arith.constant 0 : i32
      %dma_start3A_178 = arith.constant 0 : i32
      %dma_start3A_179 = tpu.memref_slice %arg8[%dma_start3A_177, %dma_start3A_178] : memref<80x128xf32, #tpu.memory_space<vmem>> -> memref<80x128xf32, #tpu.memory_space<vmem>>
      tpu.enqueue_dma source(%dma_start3A_179 : memref<80x128xf32, #tpu.memory_space<vmem>>) target(%dma_start3A_176 : memref<80x128xf32, #tpu.memory_space<vmem_shared>>) target_semaphore(%run_scoped3A : memref<!tpu.dma_semaphore, #tpu.memory_space<semaphore_mem>>)
      %dma_wait3A_180 = arith.constant 0 : i32
      %dma_wait3A_181 = arith.constant 0 : i32
      %dma_wait3A_182 = tpu.memref_slice %arg8[%dma_wait3A_180, %dma_wait3A_181] : memref<80x128xf32, #tpu.memory_space<vmem>> -> memref<80x128xf32, #tpu.memory_space<vmem>>
      %dma_wait3A_183 = arith.constant 0 : i32
      %dma_wait3A_184 = tpu.memref_slice %arg11[%add3A_29, %dma_wait3A_183] : memref<10000x128xf32, #tpu.memory_space<vmem_shared>> -> memref<80x128xf32, #tpu.memory_space<vmem_shared>>
      %dma_wait3A_185 = arith.constant 0 : i32
      %dma_wait3A_186 = tpu.memref_slice %arg11[%add3A_29, %dma_wait3A_185] : memref<10000x128xf32, #tpu.memory_space<vmem_shared>> -> memref<80x128xf32, #tpu.memory_space<vmem_shared>>
      %dma_wait3A_187 = arith.constant 0 : i32
      %dma_wait3A_188 = arith.constant 0 : i32
      %dma_wait3A_189 = tpu.memref_slice %arg8[%dma_wait3A_187, %dma_wait3A_188] : memref<80x128xf32, #tpu.memory_space<vmem>> -> memref<80x128xf32, #tpu.memory_space<vmem>>
      tpu.wait_dma2 semaphore(%run_scoped3A : memref<!tpu.dma_semaphore, #tpu.memory_space<semaphore_mem>>) src(%dma_wait3A_189 : memref<80x128xf32, #tpu.memory_space<vmem>>) dst(%dma_wait3A_186 : memref<80x128xf32, #tpu.memory_space<vmem_shared>>)
      tpu.yield
    }) : () -> ()
    %mul3A_30 = arith.constant 624 : i32
    %mul3A_31 = arith.muli %arg1, %mul3A_30 : i32
    %add3A_32 = arith.constant 480 : i32
    %add3A_33 = arith.addi %mul3A_31, %add3A_32 : i32
    "tpu.region"() ({
      %run_scoped3A = tpu.sem_alloc : memref<!tpu.dma_semaphore, #tpu.memory_space<semaphore_mem>>
      %dma_start3A_170 = arith.constant 0 : i32
      %dma_start3A_171 = arith.constant 0 : i32
      %dma_start3A_172 = tpu.memref_slice %arg8[%dma_start3A_170, %dma_start3A_171] : memref<80x128xf32, #tpu.memory_space<vmem>> -> memref<80x128xf32, #tpu.memory_space<vmem>>
      %dma_start3A_173 = arith.constant 0 : i32
      %dma_start3A_174 = tpu.memref_slice %arg11[%add3A_33, %dma_start3A_173] : memref<10000x128xf32, #tpu.memory_space<vmem_shared>> -> memref<80x128xf32, #tpu.memory_space<vmem_shared>>
      %dma_start3A_175 = arith.constant 0 : i32
      %dma_start3A_176 = tpu.memref_slice %arg11[%add3A_33, %dma_start3A_175] : memref<10000x128xf32, #tpu.memory_space<vmem_shared>> -> memref<80x128xf32, #tpu.memory_space<vmem_shared>>
      %dma_start3A_177 = arith.constant 0 : i32
      %dma_start3A_178 = arith.constant 0 : i32
      %dma_start3A_179 = tpu.memref_slice %arg8[%dma_start3A_177, %dma_start3A_178] : memref<80x128xf32, #tpu.memory_space<vmem>> -> memref<80x128xf32, #tpu.memory_space<vmem>>
      tpu.enqueue_dma source(%dma_start3A_179 : memref<80x128xf32, #tpu.memory_space<vmem>>) target(%dma_start3A_176 : memref<80x128xf32, #tpu.memory_space<vmem_shared>>) target_semaphore(%run_scoped3A : memref<!tpu.dma_semaphore, #tpu.memory_space<semaphore_mem>>)
      %dma_wait3A_180 = arith.constant 0 : i32
      %dma_wait3A_181 = arith.constant 0 : i32
      %dma_wait3A_182 = tpu.memref_slice %arg8[%dma_wait3A_180, %dma_wait3A_181] : memref<80x128xf32, #tpu.memory_space<vmem>> -> memref<80x128xf32, #tpu.memory_space<vmem>>
      %dma_wait3A_183 = arith.constant 0 : i32
      %dma_wait3A_184 = tpu.memref_slice %arg11[%add3A_33, %dma_wait3A_183] : memref<10000x128xf32, #tpu.memory_space<vmem_shared>> -> memref<80x128xf32, #tpu.memory_space<vmem_shared>>
      %dma_wait3A_185 = arith.constant 0 : i32
      %dma_wait3A_186 = tpu.memref_slice %arg11[%add3A_33, %dma_wait3A_185] : memref<10000x128xf32, #tpu.memory_space<vmem_shared>> -> memref<80x128xf32, #tpu.memory_space<vmem_shared>>
      %dma_wait3A_187 = arith.constant 0 : i32
      %dma_wait3A_188 = arith.constant 0 : i32
      %dma_wait3A_189 = tpu.memref_slice %arg8[%dma_wait3A_187, %dma_wait3A_188] : memref<80x128xf32, #tpu.memory_space<vmem>> -> memref<80x128xf32, #tpu.memory_space<vmem>>
      tpu.wait_dma2 semaphore(%run_scoped3A : memref<!tpu.dma_semaphore, #tpu.memory_space<semaphore_mem>>) src(%dma_wait3A_189 : memref<80x128xf32, #tpu.memory_space<vmem>>) dst(%dma_wait3A_186 : memref<80x128xf32, #tpu.memory_space<vmem_shared>>)
      tpu.yield
    }) : () -> ()
    %mul3A_34 = arith.constant 624 : i32
    %mul3A_35 = arith.muli %arg1, %mul3A_34 : i32
    %add3A_36 = arith.constant 560 : i32
    %add3A_37 = arith.addi %mul3A_35, %add3A_36 : i32
    "tpu.region"() ({
      %run_scoped3A = tpu.sem_alloc : memref<!tpu.dma_semaphore, #tpu.memory_space<semaphore_mem>>
      %dma_start3A_170 = arith.constant 0 : i32
      %dma_start3A_171 = arith.constant 0 : i32
      %dma_start3A_172 = tpu.memref_slice %arg8[%dma_start3A_170, %dma_start3A_171] : memref<80x128xf32, #tpu.memory_space<vmem>> -> memref<64x128xf32, #tpu.memory_space<vmem>>
      %dma_start3A_173 = arith.constant 0 : i32
      %dma_start3A_174 = tpu.memref_slice %arg11[%add3A_37, %dma_start3A_173] : memref<10000x128xf32, #tpu.memory_space<vmem_shared>> -> memref<64x128xf32, #tpu.memory_space<vmem_shared>>
      %dma_start3A_175 = arith.constant 0 : i32
      %dma_start3A_176 = tpu.memref_slice %arg11[%add3A_37, %dma_start3A_175] : memref<10000x128xf32, #tpu.memory_space<vmem_shared>> -> memref<64x128xf32, #tpu.memory_space<vmem_shared>>
      %dma_start3A_177 = arith.constant 0 : i32
      %dma_start3A_178 = arith.constant 0 : i32
      %dma_start3A_179 = tpu.memref_slice %arg8[%dma_start3A_177, %dma_start3A_178] : memref<80x128xf32, #tpu.memory_space<vmem>> -> memref<64x128xf32, #tpu.memory_space<vmem>>
      tpu.enqueue_dma source(%dma_start3A_179 : memref<64x128xf32, #tpu.memory_space<vmem>>) target(%dma_start3A_176 : memref<64x128xf32, #tpu.memory_space<vmem_shared>>) target_semaphore(%run_scoped3A : memref<!tpu.dma_semaphore, #tpu.memory_space<semaphore_mem>>)
      %dma_wait3A_180 = arith.constant 0 : i32
      %dma_wait3A_181 = arith.constant 0 : i32
      %dma_wait3A_182 = tpu.memref_slice %arg8[%dma_wait3A_180, %dma_wait3A_181] : memref<80x128xf32, #tpu.memory_space<vmem>> -> memref<64x128xf32, #tpu.memory_space<vmem>>
      %dma_wait3A_183 = arith.constant 0 : i32
      %dma_wait3A_184 = tpu.memref_slice %arg11[%add3A_37, %dma_wait3A_183] : memref<10000x128xf32, #tpu.memory_space<vmem_shared>> -> memref<64x128xf32, #tpu.memory_space<vmem_shared>>
      %dma_wait3A_185 = arith.constant 0 : i32
      %dma_wait3A_186 = tpu.memref_slice %arg11[%add3A_37, %dma_wait3A_185] : memref<10000x128xf32, #tpu.memory_space<vmem_shared>> -> memref<64x128xf32, #tpu.memory_space<vmem_shared>>
      %dma_wait3A_187 = arith.constant 0 : i32
      %dma_wait3A_188 = arith.constant 0 : i32
      %dma_wait3A_189 = tpu.memref_slice %arg8[%dma_wait3A_187, %dma_wait3A_188] : memref<80x128xf32, #tpu.memory_space<vmem>> -> memref<64x128xf32, #tpu.memory_space<vmem>>
      tpu.wait_dma2 semaphore(%run_scoped3A : memref<!tpu.dma_semaphore, #tpu.memory_space<semaphore_mem>>) src(%dma_wait3A_189 : memref<64x128xf32, #tpu.memory_space<vmem>>) dst(%dma_wait3A_186 : memref<64x128xf32, #tpu.memory_space<vmem_shared>>)
      tpu.yield
    }) : () -> ()
    %eq3A = arith.constant 0 : i32
    %eq3A_38 = arith.cmpi eq, %arg1, %eq3A : i32
    %convert_element_type3A = arith.extui %eq3A_38 : i1 to i32
    %cond3A = arith.constant 0 : i32
    %cond3A_39 = arith.cmpi ne, %convert_element_type3A, %cond3A : i32
    scf.if %cond3A_39 {
      "tpu.region"() ({
        %run_scoped3A = tpu.sem_alloc : memref<!tpu.dma_semaphore, #tpu.memory_space<semaphore_mem>>
        %dma_start3A_170 = arith.constant 0 : i32
        %dma_start3A_171 = arith.constant 0 : i32
        %dma_start3A_172 = tpu.memref_slice %arg8[%dma_start3A_170, %dma_start3A_171] : memref<80x128xf32, #tpu.memory_space<vmem>> -> memref<16x128xf32, #tpu.memory_space<vmem>>
        %dma_start3A_173 = arith.constant 9984 : i32
        %dma_start3A_174 = arith.constant 0 : i32
        %dma_start3A_175 = tpu.memref_slice %arg11[%dma_start3A_173, %dma_start3A_174] : memref<10000x128xf32, #tpu.memory_space<vmem_shared>> -> memref<16x128xf32, #tpu.memory_space<vmem_shared>>
        %dma_start3A_176 = arith.constant 9984 : i32
        %dma_start3A_177 = arith.constant 0 : i32
        %dma_start3A_178 = tpu.memref_slice %arg11[%dma_start3A_176, %dma_start3A_177] : memref<10000x128xf32, #tpu.memory_space<vmem_shared>> -> memref<16x128xf32, #tpu.memory_space<vmem_shared>>
        %dma_start3A_179 = arith.constant 0 : i32
        %dma_start3A_180 = arith.constant 0 : i32
        %dma_start3A_181 = tpu.memref_slice %arg8[%dma_start3A_179, %dma_start3A_180] : memref<80x128xf32, #tpu.memory_space<vmem>> -> memref<16x128xf32, #tpu.memory_space<vmem>>
        tpu.enqueue_dma source(%dma_start3A_181 : memref<16x128xf32, #tpu.memory_space<vmem>>) target(%dma_start3A_178 : memref<16x128xf32, #tpu.memory_space<vmem_shared>>) target_semaphore(%run_scoped3A : memref<!tpu.dma_semaphore, #tpu.memory_space<semaphore_mem>>)
        %dma_wait3A_182 = arith.constant 0 : i32
        %dma_wait3A_183 = arith.constant 0 : i32
        %dma_wait3A_184 = tpu.memref_slice %arg8[%dma_wait3A_182, %dma_wait3A_183] : memref<80x128xf32, #tpu.memory_space<vmem>> -> memref<16x128xf32, #tpu.memory_space<vmem>>
        %dma_wait3A_185 = arith.constant 9984 : i32
        %dma_wait3A_186 = arith.constant 0 : i32
        %dma_wait3A_187 = tpu.memref_slice %arg11[%dma_wait3A_185, %dma_wait3A_186] : memref<10000x128xf32, #tpu.memory_space<vmem_shared>> -> memref<16x128xf32, #tpu.memory_space<vmem_shared>>
        %dma_wait3A_188 = arith.constant 9984 : i32
        %dma_wait3A_189 = arith.constant 0 : i32
        %dma_wait3A_190 = tpu.memref_slice %arg11[%dma_wait3A_188, %dma_wait3A_189] : memref<10000x128xf32, #tpu.memory_space<vmem_shared>> -> memref<16x128xf32, #tpu.memory_space<vmem_shared>>
        %dma_wait3A_191 = arith.constant 0 : i32
        %dma_wait3A_192 = arith.constant 0 : i32
        %dma_wait3A_193 = tpu.memref_slice %arg8[%dma_wait3A_191, %dma_wait3A_192] : memref<80x128xf32, #tpu.memory_space<vmem>> -> memref<16x128xf32, #tpu.memory_space<vmem>>
        tpu.wait_dma2 semaphore(%run_scoped3A : memref<!tpu.dma_semaphore, #tpu.memory_space<semaphore_mem>>) src(%dma_wait3A_193 : memref<16x128xf32, #tpu.memory_space<vmem>>) dst(%dma_wait3A_190 : memref<16x128xf32, #tpu.memory_space<vmem_shared>>)
        tpu.yield
      }) : () -> ()
    } else {
    }
    %barrier3A = arith.constant 0 : index
    tpu.barrier barrier_id(%barrier3A)
    "tpu.region"() ({
      %run_scoped3A = tpu.sem_alloc : memref<!tpu.dma_semaphore, #tpu.memory_space<semaphore_mem>>
      %dma_start3A_170 = arith.constant 0 : i32
      %dma_start3A_171 = arith.constant 0 : i32
      %dma_start3A_172 = tpu.memref_slice %arg6[%dma_start3A_170, %dma_start3A_171] : memref<63x80xi32, #tpu.memory_space<vmem>> -> memref<63x80xi32, #tpu.memory_space<vmem>>
      %dma_start3A_173 = arith.constant 0 : i32
      %dma_start3A_174 = arith.constant 0 : i32
      %dma_start3A_175 = tpu.memref_slice %arg3[%add3A, %dma_start3A_173, %dma_start3A_174] : memref<32x125x80xi32, #tpu.memory_space<hbm>> -> memref<1x63x80xi32, #tpu.memory_space<hbm>>
      %dma_start3A_176 = tpu.memref_squeeze %dma_start3A_175 : memref<1x63x80xi32, #tpu.memory_space<hbm>> -> memref<63x80xi32, #tpu.memory_space<hbm>>
      %dma_start3A_177 = arith.constant 0 : i32
      %dma_start3A_178 = arith.constant 0 : i32
      %dma_start3A_179 = tpu.memref_slice %arg6[%dma_start3A_177, %dma_start3A_178] : memref<63x80xi32, #tpu.memory_space<vmem>> -> memref<63x80xi32, #tpu.memory_space<vmem>>
      %dma_start3A_180 = arith.constant 0 : i32
      %dma_start3A_181 = arith.constant 0 : i32
      %dma_start3A_182 = tpu.memref_slice %arg3[%add3A, %dma_start3A_180, %dma_start3A_181] : memref<32x125x80xi32, #tpu.memory_space<hbm>> -> memref<1x63x80xi32, #tpu.memory_space<hbm>>
      %dma_start3A_183 = tpu.memref_squeeze %dma_start3A_182 : memref<1x63x80xi32, #tpu.memory_space<hbm>> -> memref<63x80xi32, #tpu.memory_space<hbm>>
      tpu.enqueue_dma source(%dma_start3A_183 : memref<63x80xi32, #tpu.memory_space<hbm>>) target(%dma_start3A_179 : memref<63x80xi32, #tpu.memory_space<vmem>>) target_semaphore(%run_scoped3A : memref<!tpu.dma_semaphore, #tpu.memory_space<semaphore_mem>>)
      %dma_wait3A_184 = arith.constant 0 : i32
      %dma_wait3A_185 = arith.constant 0 : i32
      %dma_wait3A_186 = tpu.memref_slice %arg6[%dma_wait3A_184, %dma_wait3A_185] : memref<63x80xi32, #tpu.memory_space<vmem>> -> memref<63x80xi32, #tpu.memory_space<vmem>>
      %dma_wait3A_187 = arith.constant 0 : i32
      %dma_wait3A_188 = arith.constant 0 : i32
      %dma_wait3A_189 = tpu.memref_slice %arg3[%add3A, %dma_wait3A_187, %dma_wait3A_188] : memref<32x125x80xi32, #tpu.memory_space<hbm>> -> memref<1x63x80xi32, #tpu.memory_space<hbm>>
      %dma_wait3A_190 = tpu.memref_squeeze %dma_wait3A_189 : memref<1x63x80xi32, #tpu.memory_space<hbm>> -> memref<63x80xi32, #tpu.memory_space<hbm>>
      %dma_wait3A_191 = arith.constant 0 : i32
      %dma_wait3A_192 = arith.constant 0 : i32
      %dma_wait3A_193 = tpu.memref_slice %arg6[%dma_wait3A_191, %dma_wait3A_192] : memref<63x80xi32, #tpu.memory_space<vmem>> -> memref<63x80xi32, #tpu.memory_space<vmem>>
      %dma_wait3A_194 = arith.constant 0 : i32
      %dma_wait3A_195 = arith.constant 0 : i32
      %dma_wait3A_196 = tpu.memref_slice %arg3[%add3A, %dma_wait3A_194, %dma_wait3A_195] : memref<32x125x80xi32, #tpu.memory_space<hbm>> -> memref<1x63x80xi32, #tpu.memory_space<hbm>>
      %dma_wait3A_197 = tpu.memref_squeeze %dma_wait3A_196 : memref<1x63x80xi32, #tpu.memory_space<hbm>> -> memref<63x80xi32, #tpu.memory_space<hbm>>
      tpu.wait_dma2 semaphore(%run_scoped3A : memref<!tpu.dma_semaphore, #tpu.memory_space<semaphore_mem>>) src(%dma_wait3A_197 : memref<63x80xi32, #tpu.memory_space<hbm>>) dst(%dma_wait3A_193 : memref<63x80xi32, #tpu.memory_space<vmem>>)
      tpu.yield
    }) : () -> ()
    "tpu.region"() ({
      %run_scoped3A = tpu.sem_alloc : memref<!tpu.dma_semaphore, #tpu.memory_space<semaphore_mem>>
      %dma_start3A_170 = arith.constant 0 : i32
      %dma_start3A_171 = arith.constant 0 : i32
      %dma_start3A_172 = tpu.memref_slice %arg7[%dma_start3A_170, %dma_start3A_171] : memref<63x80xi32, #tpu.memory_space<vmem>> -> memref<63x80xi32, #tpu.memory_space<vmem>>
      %dma_start3A_173 = arith.constant 0 : i32
      %dma_start3A_174 = arith.constant 0 : i32
      %dma_start3A_175 = tpu.memref_slice %arg4[%add3A, %dma_start3A_173, %dma_start3A_174] : memref<32x125x80xi32, #tpu.memory_space<hbm>> -> memref<1x63x80xi32, #tpu.memory_space<hbm>>
      %dma_start3A_176 = tpu.memref_squeeze %dma_start3A_175 : memref<1x63x80xi32, #tpu.memory_space<hbm>> -> memref<63x80xi32, #tpu.memory_space<hbm>>
      %dma_start3A_177 = arith.constant 0 : i32
      %dma_start3A_178 = arith.constant 0 : i32
      %dma_start3A_179 = tpu.memref_slice %arg7[%dma_start3A_177, %dma_start3A_178] : memref<63x80xi32, #tpu.memory_space<vmem>> -> memref<63x80xi32, #tpu.memory_space<vmem>>
      %dma_start3A_180 = arith.constant 0 : i32
      %dma_start3A_181 = arith.constant 0 : i32
      %dma_start3A_182 = tpu.memref_slice %arg4[%add3A, %dma_start3A_180, %dma_start3A_181] : memref<32x125x80xi32, #tpu.memory_space<hbm>> -> memref<1x63x80xi32, #tpu.memory_space<hbm>>
      %dma_start3A_183 = tpu.memref_squeeze %dma_start3A_182 : memref<1x63x80xi32, #tpu.memory_space<hbm>> -> memref<63x80xi32, #tpu.memory_space<hbm>>
      tpu.enqueue_dma source(%dma_start3A_183 : memref<63x80xi32, #tpu.memory_space<hbm>>) target(%dma_start3A_179 : memref<63x80xi32, #tpu.memory_space<vmem>>) target_semaphore(%run_scoped3A : memref<!tpu.dma_semaphore, #tpu.memory_space<semaphore_mem>>)
      %dma_wait3A_184 = arith.constant 0 : i32
      %dma_wait3A_185 = arith.constant 0 : i32
      %dma_wait3A_186 = tpu.memref_slice %arg7[%dma_wait3A_184, %dma_wait3A_185] : memref<63x80xi32, #tpu.memory_space<vmem>> -> memref<63x80xi32, #tpu.memory_space<vmem>>
      %dma_wait3A_187 = arith.constant 0 : i32
      %dma_wait3A_188 = arith.constant 0 : i32
      %dma_wait3A_189 = tpu.memref_slice %arg4[%add3A, %dma_wait3A_187, %dma_wait3A_188] : memref<32x125x80xi32, #tpu.memory_space<hbm>> -> memref<1x63x80xi32, #tpu.memory_space<hbm>>
      %dma_wait3A_190 = tpu.memref_squeeze %dma_wait3A_189 : memref<1x63x80xi32, #tpu.memory_space<hbm>> -> memref<63x80xi32, #tpu.memory_space<hbm>>
      %dma_wait3A_191 = arith.constant 0 : i32
      %dma_wait3A_192 = arith.constant 0 : i32
      %dma_wait3A_193 = tpu.memref_slice %arg7[%dma_wait3A_191, %dma_wait3A_192] : memref<63x80xi32, #tpu.memory_space<vmem>> -> memref<63x80xi32, #tpu.memory_space<vmem>>
      %dma_wait3A_194 = arith.constant 0 : i32
      %dma_wait3A_195 = arith.constant 0 : i32
      %dma_wait3A_196 = tpu.memref_slice %arg4[%add3A, %dma_wait3A_194, %dma_wait3A_195] : memref<32x125x80xi32, #tpu.memory_space<hbm>> -> memref<1x63x80xi32, #tpu.memory_space<hbm>>
      %dma_wait3A_197 = tpu.memref_squeeze %dma_wait3A_196 : memref<1x63x80xi32, #tpu.memory_space<hbm>> -> memref<63x80xi32, #tpu.memory_space<hbm>>
      tpu.wait_dma2 semaphore(%run_scoped3A : memref<!tpu.dma_semaphore, #tpu.memory_space<semaphore_mem>>) src(%dma_wait3A_197 : memref<63x80xi32, #tpu.memory_space<hbm>>) dst(%dma_wait3A_193 : memref<63x80xi32, #tpu.memory_space<vmem>>)
      tpu.yield
    }) : () -> ()
    %dma_start3A = arith.constant 0 : i32
    %dma_start3A_40 = arith.constant 0 : i32
    %dma_start3A_41 = tpu.memref_slice %arg6[%dma_start3A, %dma_start3A_40] : memref<63x80xi32, #tpu.memory_space<vmem>> -> memref<1x80xi32, #tpu.memory_space<vmem>>
    %dma_start3A_42 = tpu.memref_squeeze %dma_start3A_41 : memref<1x80xi32, #tpu.memory_space<vmem>> -> memref<80xi32, #tpu.memory_space<vmem>>
    %dma_start3A_43 = arith.constant 0 : i32
    %dma_start3A_44 = arith.constant 0 : i32
    %dma_start3A_45 = tpu.memref_slice %arg2[%dma_start3A_43, %dma_start3A_44] : memref<10000x128xf32, #tpu.memory_space<hbm>> -> memref<10000x128xf32, #tpu.memory_space<hbm>>
    tpu.enqueue_indirect_dma source(%dma_start3A_45 : memref<10000x128xf32, #tpu.memory_space<hbm>>) target(%arg8 : memref<80x128xf32, #tpu.memory_space<vmem>>) offsets(%dma_start3A_42 : memref<80xi32, #tpu.memory_space<vmem>>) semaphore(%arg12 : memref<!tpu.dma_semaphore, #tpu.memory_space<semaphore_mem>>)
    %dma_start3A_46 = arith.constant 1 : i32
    %dma_start3A_47 = arith.constant 0 : i32
    %dma_start3A_48 = tpu.memref_slice %arg6[%dma_start3A_46, %dma_start3A_47] : memref<63x80xi32, #tpu.memory_space<vmem>> -> memref<1x80xi32, #tpu.memory_space<vmem>>
    %dma_start3A_49 = tpu.memref_squeeze %dma_start3A_48 : memref<1x80xi32, #tpu.memory_space<vmem>> -> memref<80xi32, #tpu.memory_space<vmem>>
    %dma_start3A_50 = arith.constant 0 : i32
    %dma_start3A_51 = arith.constant 0 : i32
    %dma_start3A_52 = tpu.memref_slice %arg2[%dma_start3A_50, %dma_start3A_51] : memref<10000x128xf32, #tpu.memory_space<hbm>> -> memref<10000x128xf32, #tpu.memory_space<hbm>>
    tpu.enqueue_indirect_dma source(%dma_start3A_52 : memref<10000x128xf32, #tpu.memory_space<hbm>>) target(%arg9 : memref<80x128xf32, #tpu.memory_space<vmem>>) offsets(%dma_start3A_49 : memref<80xi32, #tpu.memory_space<vmem>>) semaphore(%arg13 : memref<!tpu.dma_semaphore, #tpu.memory_space<semaphore_mem>>)
    %dma_start3A_53 = arith.constant 2 : i32
    %dma_start3A_54 = arith.constant 0 : i32
    %dma_start3A_55 = tpu.memref_slice %arg6[%dma_start3A_53, %dma_start3A_54] : memref<63x80xi32, #tpu.memory_space<vmem>> -> memref<1x80xi32, #tpu.memory_space<vmem>>
    %dma_start3A_56 = tpu.memref_squeeze %dma_start3A_55 : memref<1x80xi32, #tpu.memory_space<vmem>> -> memref<80xi32, #tpu.memory_space<vmem>>
    %dma_start3A_57 = arith.constant 0 : i32
    %dma_start3A_58 = arith.constant 0 : i32
    %dma_start3A_59 = tpu.memref_slice %arg2[%dma_start3A_57, %dma_start3A_58] : memref<10000x128xf32, #tpu.memory_space<hbm>> -> memref<10000x128xf32, #tpu.memory_space<hbm>>
    tpu.enqueue_indirect_dma source(%dma_start3A_59 : memref<10000x128xf32, #tpu.memory_space<hbm>>) target(%arg10 : memref<80x128xf32, #tpu.memory_space<vmem>>) offsets(%dma_start3A_56 : memref<80xi32, #tpu.memory_space<vmem>>) semaphore(%arg14 : memref<!tpu.dma_semaphore, #tpu.memory_space<semaphore_mem>>)
    %scan3A_60 = arith.constant 0 : i32
    %scan3A_61 = arith.constant 21 : i32
    %scan3A_62 = arith.addi %scan3A_60, %scan3A_61 : i32
    %scan3A_63 = arith.constant 1 : i32
    scf.for %scan3A_170 = %scan3A_60 to %scan3A_62 step %scan3A_63  : i32 {
      %mul3A_171 = arith.constant 3 : i32
      %mul3A_172 = arith.muli %mul3A_171, %scan3A_170 : i32
      %add3A_173 = arith.constant 0 : i32
      %add3A_174 = arith.addi %mul3A_172, %add3A_173 : i32
      %dma_wait3A_175 = arith.constant 0 : i32
      %dma_wait3A_176 = tpu.memref_slice %arg6[%add3A_174, %dma_wait3A_175] : memref<63x80xi32, #tpu.memory_space<vmem>> -> memref<1x80xi32, #tpu.memory_space<vmem>>
      %dma_wait3A_177 = tpu.memref_squeeze %dma_wait3A_176 : memref<1x80xi32, #tpu.memory_space<vmem>> -> memref<80xi32, #tpu.memory_space<vmem>>
      %dma_wait3A_178 = arith.constant 0 : i32
      %dma_wait3A_179 = arith.constant 0 : i32
      %dma_wait3A_180 = tpu.memref_slice %arg2[%dma_wait3A_178, %dma_wait3A_179] : memref<10000x128xf32, #tpu.memory_space<hbm>> -> memref<10000x128xf32, #tpu.memory_space<hbm>>
      tpu.wait_indirect_dma semaphore(%arg12 : memref<!tpu.dma_semaphore, #tpu.memory_space<semaphore_mem>>) src(%dma_wait3A_180 : memref<10000x128xf32, #tpu.memory_space<hbm>>) dst(%arg8 : memref<80x128xf32, #tpu.memory_space<vmem>>)
      %dma_start3A_181 = arith.constant 0 : i32
      %dma_start3A_182 = tpu.memref_slice %arg7[%add3A_174, %dma_start3A_181] : memref<63x80xi32, #tpu.memory_space<vmem>> -> memref<1x80xi32, #tpu.memory_space<vmem>>
      %dma_start3A_183 = tpu.memref_squeeze %dma_start3A_182 : memref<1x80xi32, #tpu.memory_space<vmem>> -> memref<80xi32, #tpu.memory_space<vmem>>
      %dma_start3A_184 = arith.constant 0 : i32
      %dma_start3A_185 = arith.constant 0 : i32
      %dma_start3A_186 = tpu.memref_slice %arg11[%dma_start3A_184, %dma_start3A_185] : memref<10000x128xf32, #tpu.memory_space<vmem_shared>> -> memref<10000x128xf32, #tpu.memory_space<vmem_shared>>
      tpu.enqueue_indirect_dma source(%arg8 : memref<80x128xf32, #tpu.memory_space<vmem>>) target(%dma_start3A_186 : memref<10000x128xf32, #tpu.memory_space<vmem_shared>>) offsets(%dma_start3A_183 : memref<80xi32, #tpu.memory_space<vmem>>) semaphore(%arg15 : memref<!tpu.dma_semaphore, #tpu.memory_space<semaphore_mem>>) {add = true}
      %add3A_187 = arith.constant 2 : i32
      %add3A_188 = arith.addi %add3A_174, %add3A_187 : i32
      %lt3A = arith.constant 63 : i32
      %lt3A_189 = arith.cmpi slt, %add3A_188, %lt3A : i32
      %ge3A = arith.constant 1 : i32
      %ge3A_190 = arith.cmpi sge, %add3A_174, %ge3A : i32
      %and3A = arith.andi %lt3A_189, %ge3A_190 : i1
      %convert_element_type3A_191 = arith.extui %and3A : i1 to i32
      %cond3A_192 = arith.constant 0 : i32
      %cond3A_193 = arith.cmpi ne, %convert_element_type3A_191, %cond3A_192 : i32
      scf.if %cond3A_193 {
        %sub3A = arith.constant 1 : i32
        %sub3A_246 = arith.subi %add3A_174, %sub3A : i32
        %dma_wait3A_247 = arith.constant 0 : i32
        %dma_wait3A_248 = tpu.memref_slice %arg7[%sub3A_246, %dma_wait3A_247] : memref<63x80xi32, #tpu.memory_space<vmem>> -> memref<1x80xi32, #tpu.memory_space<vmem>>
        %dma_wait3A_249 = tpu.memref_squeeze %dma_wait3A_248 : memref<1x80xi32, #tpu.memory_space<vmem>> -> memref<80xi32, #tpu.memory_space<vmem>>
        %dma_wait3A_250 = arith.constant 0 : i32
        %dma_wait3A_251 = arith.constant 0 : i32
        %dma_wait3A_252 = tpu.memref_slice %arg11[%dma_wait3A_250, %dma_wait3A_251] : memref<10000x128xf32, #tpu.memory_space<vmem_shared>> -> memref<10000x128xf32, #tpu.memory_space<vmem_shared>>
        tpu.wait_indirect_dma semaphore(%arg17 : memref<!tpu.dma_semaphore, #tpu.memory_space<semaphore_mem>>) src(%arg10 : memref<80x128xf32, #tpu.memory_space<vmem>>) dst(%dma_wait3A_252 : memref<10000x128xf32, #tpu.memory_space<vmem_shared>>)
        %add3A_253 = arith.constant 2 : i32
        %add3A_254 = arith.addi %add3A_174, %add3A_253 : i32
        %dma_start3A_255 = arith.constant 0 : i32
        %dma_start3A_256 = tpu.memref_slice %arg6[%add3A_254, %dma_start3A_255] : memref<63x80xi32, #tpu.memory_space<vmem>> -> memref<1x80xi32, #tpu.memory_space<vmem>>
        %dma_start3A_257 = tpu.memref_squeeze %dma_start3A_256 : memref<1x80xi32, #tpu.memory_space<vmem>> -> memref<80xi32, #tpu.memory_space<vmem>>
        %dma_start3A_258 = arith.constant 0 : i32
        %dma_start3A_259 = arith.constant 0 : i32
        %dma_start3A_260 = tpu.memref_slice %arg2[%dma_start3A_258, %dma_start3A_259] : memref<10000x128xf32, #tpu.memory_space<hbm>> -> memref<10000x128xf32, #tpu.memory_space<hbm>>
        tpu.enqueue_indirect_dma source(%dma_start3A_260 : memref<10000x128xf32, #tpu.memory_space<hbm>>) target(%arg10 : memref<80x128xf32, #tpu.memory_space<vmem>>) offsets(%dma_start3A_257 : memref<80xi32, #tpu.memory_space<vmem>>) semaphore(%arg14 : memref<!tpu.dma_semaphore, #tpu.memory_space<semaphore_mem>>)
      } else {
      }
      %mul3A_194 = arith.constant 3 : i32
      %mul3A_195 = arith.muli %mul3A_194, %scan3A_170 : i32
      %add3A_196 = arith.constant 1 : i32
      %add3A_197 = arith.addi %mul3A_195, %add3A_196 : i32
      %dma_wait3A_198 = arith.constant 0 : i32
      %dma_wait3A_199 = tpu.memref_slice %arg6[%add3A_197, %dma_wait3A_198] : memref<63x80xi32, #tpu.memory_space<vmem>> -> memref<1x80xi32, #tpu.memory_space<vmem>>
      %dma_wait3A_200 = tpu.memref_squeeze %dma_wait3A_199 : memref<1x80xi32, #tpu.memory_space<vmem>> -> memref<80xi32, #tpu.memory_space<vmem>>
      %dma_wait3A_201 = arith.constant 0 : i32
      %dma_wait3A_202 = arith.constant 0 : i32
      %dma_wait3A_203 = tpu.memref_slice %arg2[%dma_wait3A_201, %dma_wait3A_202] : memref<10000x128xf32, #tpu.memory_space<hbm>> -> memref<10000x128xf32, #tpu.memory_space<hbm>>
      tpu.wait_indirect_dma semaphore(%arg13 : memref<!tpu.dma_semaphore, #tpu.memory_space<semaphore_mem>>) src(%dma_wait3A_203 : memref<10000x128xf32, #tpu.memory_space<hbm>>) dst(%arg9 : memref<80x128xf32, #tpu.memory_space<vmem>>)
      %dma_start3A_204 = arith.constant 0 : i32
      %dma_start3A_205 = tpu.memref_slice %arg7[%add3A_197, %dma_start3A_204] : memref<63x80xi32, #tpu.memory_space<vmem>> -> memref<1x80xi32, #tpu.memory_space<vmem>>
      %dma_start3A_206 = tpu.memref_squeeze %dma_start3A_205 : memref<1x80xi32, #tpu.memory_space<vmem>> -> memref<80xi32, #tpu.memory_space<vmem>>
      %dma_start3A_207 = arith.constant 0 : i32
      %dma_start3A_208 = arith.constant 0 : i32
      %dma_start3A_209 = tpu.memref_slice %arg11[%dma_start3A_207, %dma_start3A_208] : memref<10000x128xf32, #tpu.memory_space<vmem_shared>> -> memref<10000x128xf32, #tpu.memory_space<vmem_shared>>
      tpu.enqueue_indirect_dma source(%arg9 : memref<80x128xf32, #tpu.memory_space<vmem>>) target(%dma_start3A_209 : memref<10000x128xf32, #tpu.memory_space<vmem_shared>>) offsets(%dma_start3A_206 : memref<80xi32, #tpu.memory_space<vmem>>) semaphore(%arg16 : memref<!tpu.dma_semaphore, #tpu.memory_space<semaphore_mem>>) {add = true}
      %add3A_210 = arith.constant 2 : i32
      %add3A_211 = arith.addi %add3A_197, %add3A_210 : i32
      %lt3A_212 = arith.constant 63 : i32
      %lt3A_213 = arith.cmpi slt, %add3A_211, %lt3A_212 : i32
      %ge3A_214 = arith.constant 1 : i32
      %ge3A_215 = arith.cmpi sge, %add3A_197, %ge3A_214 : i32
      %and3A_216 = arith.andi %lt3A_213, %ge3A_215 : i1
      %convert_element_type3A_217 = arith.extui %and3A_216 : i1 to i32
      %cond3A_218 = arith.constant 0 : i32
      %cond3A_219 = arith.cmpi ne, %convert_element_type3A_217, %cond3A_218 : i32
      scf.if %cond3A_219 {
        %sub3A = arith.constant 1 : i32
        %sub3A_246 = arith.subi %add3A_197, %sub3A : i32
        %dma_wait3A_247 = arith.constant 0 : i32
        %dma_wait3A_248 = tpu.memref_slice %arg7[%sub3A_246, %dma_wait3A_247] : memref<63x80xi32, #tpu.memory_space<vmem>> -> memref<1x80xi32, #tpu.memory_space<vmem>>
        %dma_wait3A_249 = tpu.memref_squeeze %dma_wait3A_248 : memref<1x80xi32, #tpu.memory_space<vmem>> -> memref<80xi32, #tpu.memory_space<vmem>>
        %dma_wait3A_250 = arith.constant 0 : i32
        %dma_wait3A_251 = arith.constant 0 : i32
        %dma_wait3A_252 = tpu.memref_slice %arg11[%dma_wait3A_250, %dma_wait3A_251] : memref<10000x128xf32, #tpu.memory_space<vmem_shared>> -> memref<10000x128xf32, #tpu.memory_space<vmem_shared>>
        tpu.wait_indirect_dma semaphore(%arg15 : memref<!tpu.dma_semaphore, #tpu.memory_space<semaphore_mem>>) src(%arg8 : memref<80x128xf32, #tpu.memory_space<vmem>>) dst(%dma_wait3A_252 : memref<10000x128xf32, #tpu.memory_space<vmem_shared>>)
        %add3A_253 = arith.constant 2 : i32
        %add3A_254 = arith.addi %add3A_197, %add3A_253 : i32
        %dma_start3A_255 = arith.constant 0 : i32
        %dma_start3A_256 = tpu.memref_slice %arg6[%add3A_254, %dma_start3A_255] : memref<63x80xi32, #tpu.memory_space<vmem>> -> memref<1x80xi32, #tpu.memory_space<vmem>>
        %dma_start3A_257 = tpu.memref_squeeze %dma_start3A_256 : memref<1x80xi32, #tpu.memory_space<vmem>> -> memref<80xi32, #tpu.memory_space<vmem>>
        %dma_start3A_258 = arith.constant 0 : i32
        %dma_start3A_259 = arith.constant 0 : i32
        %dma_start3A_260 = tpu.memref_slice %arg2[%dma_start3A_258, %dma_start3A_259] : memref<10000x128xf32, #tpu.memory_space<hbm>> -> memref<10000x128xf32, #tpu.memory_space<hbm>>
        tpu.enqueue_indirect_dma source(%dma_start3A_260 : memref<10000x128xf32, #tpu.memory_space<hbm>>) target(%arg8 : memref<80x128xf32, #tpu.memory_space<vmem>>) offsets(%dma_start3A_257 : memref<80xi32, #tpu.memory_space<vmem>>) semaphore(%arg12 : memref<!tpu.dma_semaphore, #tpu.memory_space<semaphore_mem>>)
      } else {
      }
      %mul3A_220 = arith.constant 3 : i32
      %mul3A_221 = arith.muli %mul3A_220, %scan3A_170 : i32
      %add3A_222 = arith.constant 2 : i32
      %add3A_223 = arith.addi %mul3A_221, %add3A_222 : i32
      %dma_wait3A_224 = arith.constant 0 : i32
      %dma_wait3A_225 = tpu.memref_slice %arg6[%add3A_223, %dma_wait3A_224] : memref<63x80xi32, #tpu.memory_space<vmem>> -> memref<1x80xi32, #tpu.memory_space<vmem>>
      %dma_wait3A_226 = tpu.memref_squeeze %dma_wait3A_225 : memref<1x80xi32, #tpu.memory_space<vmem>> -> memref<80xi32, #tpu.memory_space<vmem>>
      %dma_wait3A_227 = arith.constant 0 : i32
      %dma_wait3A_228 = arith.constant 0 : i32
      %dma_wait3A_229 = tpu.memref_slice %arg2[%dma_wait3A_227, %dma_wait3A_228] : memref<10000x128xf32, #tpu.memory_space<hbm>> -> memref<10000x128xf32, #tpu.memory_space<hbm>>
      tpu.wait_indirect_dma semaphore(%arg14 : memref<!tpu.dma_semaphore, #tpu.memory_space<semaphore_mem>>) src(%dma_wait3A_229 : memref<10000x128xf32, #tpu.memory_space<hbm>>) dst(%arg10 : memref<80x128xf32, #tpu.memory_space<vmem>>)
      %dma_start3A_230 = arith.constant 0 : i32
      %dma_start3A_231 = tpu.memref_slice %arg7[%add3A_223, %dma_start3A_230] : memref<63x80xi32, #tpu.memory_space<vmem>> -> memref<1x80xi32, #tpu.memory_space<vmem>>
      %dma_start3A_232 = tpu.memref_squeeze %dma_start3A_231 : memref<1x80xi32, #tpu.memory_space<vmem>> -> memref<80xi32, #tpu.memory_space<vmem>>
      %dma_start3A_233 = arith.constant 0 : i32
      %dma_start3A_234 = arith.constant 0 : i32
      %dma_start3A_235 = tpu.memref_slice %arg11[%dma_start3A_233, %dma_start3A_234] : memref<10000x128xf32, #tpu.memory_space<vmem_shared>> -> memref<10000x128xf32, #tpu.memory_space<vmem_shared>>
      tpu.enqueue_indirect_dma source(%arg10 : memref<80x128xf32, #tpu.memory_space<vmem>>) target(%dma_start3A_235 : memref<10000x128xf32, #tpu.memory_space<vmem_shared>>) offsets(%dma_start3A_232 : memref<80xi32, #tpu.memory_space<vmem>>) semaphore(%arg17 : memref<!tpu.dma_semaphore, #tpu.memory_space<semaphore_mem>>) {add = true}
      %add3A_236 = arith.constant 2 : i32
      %add3A_237 = arith.addi %add3A_223, %add3A_236 : i32
      %lt3A_238 = arith.constant 63 : i32
      %lt3A_239 = arith.cmpi slt, %add3A_237, %lt3A_238 : i32
      %ge3A_240 = arith.constant 1 : i32
      %ge3A_241 = arith.cmpi sge, %add3A_223, %ge3A_240 : i32
      %and3A_242 = arith.andi %lt3A_239, %ge3A_241 : i1
      %convert_element_type3A_243 = arith.extui %and3A_242 : i1 to i32
      %cond3A_244 = arith.constant 0 : i32
      %cond3A_245 = arith.cmpi ne, %convert_element_type3A_243, %cond3A_244 : i32
      scf.if %cond3A_245 {
        %sub3A = arith.constant 1 : i32
        %sub3A_246 = arith.subi %add3A_223, %sub3A : i32
        %dma_wait3A_247 = arith.constant 0 : i32
        %dma_wait3A_248 = tpu.memref_slice %arg7[%sub3A_246, %dma_wait3A_247] : memref<63x80xi32, #tpu.memory_space<vmem>> -> memref<1x80xi32, #tpu.memory_space<vmem>>
        %dma_wait3A_249 = tpu.memref_squeeze %dma_wait3A_248 : memref<1x80xi32, #tpu.memory_space<vmem>> -> memref<80xi32, #tpu.memory_space<vmem>>
        %dma_wait3A_250 = arith.constant 0 : i32
        %dma_wait3A_251 = arith.constant 0 : i32
        %dma_wait3A_252 = tpu.memref_slice %arg11[%dma_wait3A_250, %dma_wait3A_251] : memref<10000x128xf32, #tpu.memory_space<vmem_shared>> -> memref<10000x128xf32, #tpu.memory_space<vmem_shared>>
        tpu.wait_indirect_dma semaphore(%arg16 : memref<!tpu.dma_semaphore, #tpu.memory_space<semaphore_mem>>) src(%arg9 : memref<80x128xf32, #tpu.memory_space<vmem>>) dst(%dma_wait3A_252 : memref<10000x128xf32, #tpu.memory_space<vmem_shared>>)
        %add3A_253 = arith.constant 2 : i32
        %add3A_254 = arith.addi %add3A_223, %add3A_253 : i32
        %dma_start3A_255 = arith.constant 0 : i32
        %dma_start3A_256 = tpu.memref_slice %arg6[%add3A_254, %dma_start3A_255] : memref<63x80xi32, #tpu.memory_space<vmem>> -> memref<1x80xi32, #tpu.memory_space<vmem>>
        %dma_start3A_257 = tpu.memref_squeeze %dma_start3A_256 : memref<1x80xi32, #tpu.memory_space<vmem>> -> memref<80xi32, #tpu.memory_space<vmem>>
        %dma_start3A_258 = arith.constant 0 : i32
        %dma_start3A_259 = arith.constant 0 : i32
        %dma_start3A_260 = tpu.memref_slice %arg2[%dma_start3A_258, %dma_start3A_259] : memref<10000x128xf32, #tpu.memory_space<hbm>> -> memref<10000x128xf32, #tpu.memory_space<hbm>>
        tpu.enqueue_indirect_dma source(%dma_start3A_260 : memref<10000x128xf32, #tpu.memory_space<hbm>>) target(%arg9 : memref<80x128xf32, #tpu.memory_space<vmem>>) offsets(%dma_start3A_257 : memref<80xi32, #tpu.memory_space<vmem>>) semaphore(%arg13 : memref<!tpu.dma_semaphore, #tpu.memory_space<semaphore_mem>>)
      } else {
      }
    }
    %scan3A_64 = arith.constant 21 : i32
    %dma_wait3A = arith.constant 60 : i32
    %dma_wait3A_65 = arith.constant 0 : i32
    %dma_wait3A_66 = tpu.memref_slice %arg7[%dma_wait3A, %dma_wait3A_65] : memref<63x80xi32, #tpu.memory_space<vmem>> -> memref<1x80xi32, #tpu.memory_space<vmem>>
    %dma_wait3A_67 = tpu.memref_squeeze %dma_wait3A_66 : memref<1x80xi32, #tpu.memory_space<vmem>> -> memref<80xi32, #tpu.memory_space<vmem>>
    %dma_wait3A_68 = arith.constant 0 : i32
    %dma_wait3A_69 = arith.constant 0 : i32
    %dma_wait3A_70 = tpu.memref_slice %arg11[%dma_wait3A_68, %dma_wait3A_69] : memref<10000x128xf32, #tpu.memory_space<vmem_shared>> -> memref<10000x128xf32, #tpu.memory_space<vmem_shared>>
    tpu.wait_indirect_dma semaphore(%arg15 : memref<!tpu.dma_semaphore, #tpu.memory_space<semaphore_mem>>) src(%arg8 : memref<80x128xf32, #tpu.memory_space<vmem>>) dst(%dma_wait3A_70 : memref<10000x128xf32, #tpu.memory_space<vmem_shared>>)
    %dma_wait3A_71 = arith.constant 61 : i32
    %dma_wait3A_72 = arith.constant 0 : i32
    %dma_wait3A_73 = tpu.memref_slice %arg7[%dma_wait3A_71, %dma_wait3A_72] : memref<63x80xi32, #tpu.memory_space<vmem>> -> memref<1x80xi32, #tpu.memory_space<vmem>>
    %dma_wait3A_74 = tpu.memref_squeeze %dma_wait3A_73 : memref<1x80xi32, #tpu.memory_space<vmem>> -> memref<80xi32, #tpu.memory_space<vmem>>
    %dma_wait3A_75 = arith.constant 0 : i32
    %dma_wait3A_76 = arith.constant 0 : i32
    %dma_wait3A_77 = tpu.memref_slice %arg11[%dma_wait3A_75, %dma_wait3A_76] : memref<10000x128xf32, #tpu.memory_space<vmem_shared>> -> memref<10000x128xf32, #tpu.memory_space<vmem_shared>>
    tpu.wait_indirect_dma semaphore(%arg16 : memref<!tpu.dma_semaphore, #tpu.memory_space<semaphore_mem>>) src(%arg9 : memref<80x128xf32, #tpu.memory_space<vmem>>) dst(%dma_wait3A_77 : memref<10000x128xf32, #tpu.memory_space<vmem_shared>>)
    %dma_wait3A_78 = arith.constant 62 : i32
    %dma_wait3A_79 = arith.constant 0 : i32
    %dma_wait3A_80 = tpu.memref_slice %arg7[%dma_wait3A_78, %dma_wait3A_79] : memref<63x80xi32, #tpu.memory_space<vmem>> -> memref<1x80xi32, #tpu.memory_space<vmem>>
    %dma_wait3A_81 = tpu.memref_squeeze %dma_wait3A_80 : memref<1x80xi32, #tpu.memory_space<vmem>> -> memref<80xi32, #tpu.memory_space<vmem>>
    %dma_wait3A_82 = arith.constant 0 : i32
    %dma_wait3A_83 = arith.constant 0 : i32
    %dma_wait3A_84 = tpu.memref_slice %arg11[%dma_wait3A_82, %dma_wait3A_83] : memref<10000x128xf32, #tpu.memory_space<vmem_shared>> -> memref<10000x128xf32, #tpu.memory_space<vmem_shared>>
    tpu.wait_indirect_dma semaphore(%arg17 : memref<!tpu.dma_semaphore, #tpu.memory_space<semaphore_mem>>) src(%arg10 : memref<80x128xf32, #tpu.memory_space<vmem>>) dst(%dma_wait3A_84 : memref<10000x128xf32, #tpu.memory_space<vmem_shared>>)
    "tpu.region"() ({
      %run_scoped3A = tpu.sem_alloc : memref<!tpu.dma_semaphore, #tpu.memory_space<semaphore_mem>>
      %dma_start3A_170 = arith.constant 0 : i32
      %dma_start3A_171 = arith.constant 0 : i32
      %dma_start3A_172 = tpu.memref_slice %arg6[%dma_start3A_170, %dma_start3A_171] : memref<63x80xi32, #tpu.memory_space<vmem>> -> memref<62x80xi32, #tpu.memory_space<vmem>>
      %dma_start3A_173 = arith.constant 63 : i32
      %dma_start3A_174 = arith.constant 0 : i32
      %dma_start3A_175 = tpu.memref_slice %arg3[%add3A, %dma_start3A_173, %dma_start3A_174] : memref<32x125x80xi32, #tpu.memory_space<hbm>> -> memref<1x62x80xi32, #tpu.memory_space<hbm>>
      %dma_start3A_176 = tpu.memref_squeeze %dma_start3A_175 : memref<1x62x80xi32, #tpu.memory_space<hbm>> -> memref<62x80xi32, #tpu.memory_space<hbm>>
      %dma_start3A_177 = arith.constant 0 : i32
      %dma_start3A_178 = arith.constant 0 : i32
      %dma_start3A_179 = tpu.memref_slice %arg6[%dma_start3A_177, %dma_start3A_178] : memref<63x80xi32, #tpu.memory_space<vmem>> -> memref<62x80xi32, #tpu.memory_space<vmem>>
      %dma_start3A_180 = arith.constant 63 : i32
      %dma_start3A_181 = arith.constant 0 : i32
      %dma_start3A_182 = tpu.memref_slice %arg3[%add3A, %dma_start3A_180, %dma_start3A_181] : memref<32x125x80xi32, #tpu.memory_space<hbm>> -> memref<1x62x80xi32, #tpu.memory_space<hbm>>
      %dma_start3A_183 = tpu.memref_squeeze %dma_start3A_182 : memref<1x62x80xi32, #tpu.memory_space<hbm>> -> memref<62x80xi32, #tpu.memory_space<hbm>>
      tpu.enqueue_dma source(%dma_start3A_183 : memref<62x80xi32, #tpu.memory_space<hbm>>) target(%dma_start3A_179 : memref<62x80xi32, #tpu.memory_space<vmem>>) target_semaphore(%run_scoped3A : memref<!tpu.dma_semaphore, #tpu.memory_space<semaphore_mem>>)
      %dma_wait3A_184 = arith.constant 0 : i32
      %dma_wait3A_185 = arith.constant 0 : i32
      %dma_wait3A_186 = tpu.memref_slice %arg6[%dma_wait3A_184, %dma_wait3A_185] : memref<63x80xi32, #tpu.memory_space<vmem>> -> memref<62x80xi32, #tpu.memory_space<vmem>>
      %dma_wait3A_187 = arith.constant 63 : i32
      %dma_wait3A_188 = arith.constant 0 : i32
      %dma_wait3A_189 = tpu.memref_slice %arg3[%add3A, %dma_wait3A_187, %dma_wait3A_188] : memref<32x125x80xi32, #tpu.memory_space<hbm>> -> memref<1x62x80xi32, #tpu.memory_space<hbm>>
      %dma_wait3A_190 = tpu.memref_squeeze %dma_wait3A_189 : memref<1x62x80xi32, #tpu.memory_space<hbm>> -> memref<62x80xi32, #tpu.memory_space<hbm>>
      %dma_wait3A_191 = arith.constant 0 : i32
      %dma_wait3A_192 = arith.constant 0 : i32
      %dma_wait3A_193 = tpu.memref_slice %arg6[%dma_wait3A_191, %dma_wait3A_192] : memref<63x80xi32, #tpu.memory_space<vmem>> -> memref<62x80xi32, #tpu.memory_space<vmem>>
      %dma_wait3A_194 = arith.constant 63 : i32
      %dma_wait3A_195 = arith.constant 0 : i32
      %dma_wait3A_196 = tpu.memref_slice %arg3[%add3A, %dma_wait3A_194, %dma_wait3A_195] : memref<32x125x80xi32, #tpu.memory_space<hbm>> -> memref<1x62x80xi32, #tpu.memory_space<hbm>>
      %dma_wait3A_197 = tpu.memref_squeeze %dma_wait3A_196 : memref<1x62x80xi32, #tpu.memory_space<hbm>> -> memref<62x80xi32, #tpu.memory_space<hbm>>
      tpu.wait_dma2 semaphore(%run_scoped3A : memref<!tpu.dma_semaphore, #tpu.memory_space<semaphore_mem>>) src(%dma_wait3A_197 : memref<62x80xi32, #tpu.memory_space<hbm>>) dst(%dma_wait3A_193 : memref<62x80xi32, #tpu.memory_space<vmem>>)
      tpu.yield
    }) : () -> ()
    "tpu.region"() ({
      %run_scoped3A = tpu.sem_alloc : memref<!tpu.dma_semaphore, #tpu.memory_space<semaphore_mem>>
      %dma_start3A_170 = arith.constant 0 : i32
      %dma_start3A_171 = arith.constant 0 : i32
      %dma_start3A_172 = tpu.memref_slice %arg7[%dma_start3A_170, %dma_start3A_171] : memref<63x80xi32, #tpu.memory_space<vmem>> -> memref<62x80xi32, #tpu.memory_space<vmem>>
      %dma_start3A_173 = arith.constant 63 : i32
      %dma_start3A_174 = arith.constant 0 : i32
      %dma_start3A_175 = tpu.memref_slice %arg4[%add3A, %dma_start3A_173, %dma_start3A_174] : memref<32x125x80xi32, #tpu.memory_space<hbm>> -> memref<1x62x80xi32, #tpu.memory_space<hbm>>
      %dma_start3A_176 = tpu.memref_squeeze %dma_start3A_175 : memref<1x62x80xi32, #tpu.memory_space<hbm>> -> memref<62x80xi32, #tpu.memory_space<hbm>>
      %dma_start3A_177 = arith.constant 0 : i32
      %dma_start3A_178 = arith.constant 0 : i32
      %dma_start3A_179 = tpu.memref_slice %arg7[%dma_start3A_177, %dma_start3A_178] : memref<63x80xi32, #tpu.memory_space<vmem>> -> memref<62x80xi32, #tpu.memory_space<vmem>>
      %dma_start3A_180 = arith.constant 63 : i32
      %dma_start3A_181 = arith.constant 0 : i32
      %dma_start3A_182 = tpu.memref_slice %arg4[%add3A, %dma_start3A_180, %dma_start3A_181] : memref<32x125x80xi32, #tpu.memory_space<hbm>> -> memref<1x62x80xi32, #tpu.memory_space<hbm>>
      %dma_start3A_183 = tpu.memref_squeeze %dma_start3A_182 : memref<1x62x80xi32, #tpu.memory_space<hbm>> -> memref<62x80xi32, #tpu.memory_space<hbm>>
      tpu.enqueue_dma source(%dma_start3A_183 : memref<62x80xi32, #tpu.memory_space<hbm>>) target(%dma_start3A_179 : memref<62x80xi32, #tpu.memory_space<vmem>>) target_semaphore(%run_scoped3A : memref<!tpu.dma_semaphore, #tpu.memory_space<semaphore_mem>>)
      %dma_wait3A_184 = arith.constant 0 : i32
      %dma_wait3A_185 = arith.constant 0 : i32
      %dma_wait3A_186 = tpu.memref_slice %arg7[%dma_wait3A_184, %dma_wait3A_185] : memref<63x80xi32, #tpu.memory_space<vmem>> -> memref<62x80xi32, #tpu.memory_space<vmem>>
      %dma_wait3A_187 = arith.constant 63 : i32
      %dma_wait3A_188 = arith.constant 0 : i32
      %dma_wait3A_189 = tpu.memref_slice %arg4[%add3A, %dma_wait3A_187, %dma_wait3A_188] : memref<32x125x80xi32, #tpu.memory_space<hbm>> -> memref<1x62x80xi32, #tpu.memory_space<hbm>>
      %dma_wait3A_190 = tpu.memref_squeeze %dma_wait3A_189 : memref<1x62x80xi32, #tpu.memory_space<hbm>> -> memref<62x80xi32, #tpu.memory_space<hbm>>
      %dma_wait3A_191 = arith.constant 0 : i32
      %dma_wait3A_192 = arith.constant 0 : i32
      %dma_wait3A_193 = tpu.memref_slice %arg7[%dma_wait3A_191, %dma_wait3A_192] : memref<63x80xi32, #tpu.memory_space<vmem>> -> memref<62x80xi32, #tpu.memory_space<vmem>>
      %dma_wait3A_194 = arith.constant 63 : i32
      %dma_wait3A_195 = arith.constant 0 : i32
      %dma_wait3A_196 = tpu.memref_slice %arg4[%add3A, %dma_wait3A_194, %dma_wait3A_195] : memref<32x125x80xi32, #tpu.memory_space<hbm>> -> memref<1x62x80xi32, #tpu.memory_space<hbm>>
      %dma_wait3A_197 = tpu.memref_squeeze %dma_wait3A_196 : memref<1x62x80xi32, #tpu.memory_space<hbm>> -> memref<62x80xi32, #tpu.memory_space<hbm>>
      tpu.wait_dma2 semaphore(%run_scoped3A : memref<!tpu.dma_semaphore, #tpu.memory_space<semaphore_mem>>) src(%dma_wait3A_197 : memref<62x80xi32, #tpu.memory_space<hbm>>) dst(%dma_wait3A_193 : memref<62x80xi32, #tpu.memory_space<vmem>>)
      tpu.yield
    }) : () -> ()
    %dma_start3A_85 = arith.constant 0 : i32
    %dma_start3A_86 = arith.constant 0 : i32
    %dma_start3A_87 = tpu.memref_slice %arg6[%dma_start3A_85, %dma_start3A_86] : memref<63x80xi32, #tpu.memory_space<vmem>> -> memref<1x80xi32, #tpu.memory_space<vmem>>
    %dma_start3A_88 = tpu.memref_squeeze %dma_start3A_87 : memref<1x80xi32, #tpu.memory_space<vmem>> -> memref<80xi32, #tpu.memory_space<vmem>>
    %dma_start3A_89 = arith.constant 0 : i32
    %dma_start3A_90 = arith.constant 0 : i32
    %dma_start3A_91 = tpu.memref_slice %arg2[%dma_start3A_89, %dma_start3A_90] : memref<10000x128xf32, #tpu.memory_space<hbm>> -> memref<10000x128xf32, #tpu.memory_space<hbm>>
    tpu.enqueue_indirect_dma source(%dma_start3A_91 : memref<10000x128xf32, #tpu.memory_space<hbm>>) target(%arg8 : memref<80x128xf32, #tpu.memory_space<vmem>>) offsets(%dma_start3A_88 : memref<80xi32, #tpu.memory_space<vmem>>) semaphore(%arg12 : memref<!tpu.dma_semaphore, #tpu.memory_space<semaphore_mem>>)
    %dma_start3A_92 = arith.constant 1 : i32
    %dma_start3A_93 = arith.constant 0 : i32
    %dma_start3A_94 = tpu.memref_slice %arg6[%dma_start3A_92, %dma_start3A_93] : memref<63x80xi32, #tpu.memory_space<vmem>> -> memref<1x80xi32, #tpu.memory_space<vmem>>
    %dma_start3A_95 = tpu.memref_squeeze %dma_start3A_94 : memref<1x80xi32, #tpu.memory_space<vmem>> -> memref<80xi32, #tpu.memory_space<vmem>>
    %dma_start3A_96 = arith.constant 0 : i32
    %dma_start3A_97 = arith.constant 0 : i32
    %dma_start3A_98 = tpu.memref_slice %arg2[%dma_start3A_96, %dma_start3A_97] : memref<10000x128xf32, #tpu.memory_space<hbm>> -> memref<10000x128xf32, #tpu.memory_space<hbm>>
    tpu.enqueue_indirect_dma source(%dma_start3A_98 : memref<10000x128xf32, #tpu.memory_space<hbm>>) target(%arg9 : memref<80x128xf32, #tpu.memory_space<vmem>>) offsets(%dma_start3A_95 : memref<80xi32, #tpu.memory_space<vmem>>) semaphore(%arg13 : memref<!tpu.dma_semaphore, #tpu.memory_space<semaphore_mem>>)
    %dma_start3A_99 = arith.constant 2 : i32
    %dma_start3A_100 = arith.constant 0 : i32
    %dma_start3A_101 = tpu.memref_slice %arg6[%dma_start3A_99, %dma_start3A_100] : memref<63x80xi32, #tpu.memory_space<vmem>> -> memref<1x80xi32, #tpu.memory_space<vmem>>
    %dma_start3A_102 = tpu.memref_squeeze %dma_start3A_101 : memref<1x80xi32, #tpu.memory_space<vmem>> -> memref<80xi32, #tpu.memory_space<vmem>>
    %dma_start3A_103 = arith.constant 0 : i32
    %dma_start3A_104 = arith.constant 0 : i32
    %dma_start3A_105 = tpu.memref_slice %arg2[%dma_start3A_103, %dma_start3A_104] : memref<10000x128xf32, #tpu.memory_space<hbm>> -> memref<10000x128xf32, #tpu.memory_space<hbm>>
    tpu.enqueue_indirect_dma source(%dma_start3A_105 : memref<10000x128xf32, #tpu.memory_space<hbm>>) target(%arg10 : memref<80x128xf32, #tpu.memory_space<vmem>>) offsets(%dma_start3A_102 : memref<80xi32, #tpu.memory_space<vmem>>) semaphore(%arg14 : memref<!tpu.dma_semaphore, #tpu.memory_space<semaphore_mem>>)
    %scan3A_106 = arith.constant 0 : i32
    %scan3A_107 = arith.constant 20 : i32
    %scan3A_108 = arith.addi %scan3A_106, %scan3A_107 : i32
    %scan3A_109 = arith.constant 1 : i32
    scf.for %scan3A_170 = %scan3A_106 to %scan3A_108 step %scan3A_109  : i32 {
      %mul3A_171 = arith.constant 3 : i32
      %mul3A_172 = arith.muli %mul3A_171, %scan3A_170 : i32
      %add3A_173 = arith.constant 0 : i32
      %add3A_174 = arith.addi %mul3A_172, %add3A_173 : i32
      %dma_wait3A_175 = arith.constant 0 : i32
      %dma_wait3A_176 = tpu.memref_slice %arg6[%add3A_174, %dma_wait3A_175] : memref<63x80xi32, #tpu.memory_space<vmem>> -> memref<1x80xi32, #tpu.memory_space<vmem>>
      %dma_wait3A_177 = tpu.memref_squeeze %dma_wait3A_176 : memref<1x80xi32, #tpu.memory_space<vmem>> -> memref<80xi32, #tpu.memory_space<vmem>>
      %dma_wait3A_178 = arith.constant 0 : i32
      %dma_wait3A_179 = arith.constant 0 : i32
      %dma_wait3A_180 = tpu.memref_slice %arg2[%dma_wait3A_178, %dma_wait3A_179] : memref<10000x128xf32, #tpu.memory_space<hbm>> -> memref<10000x128xf32, #tpu.memory_space<hbm>>
      tpu.wait_indirect_dma semaphore(%arg12 : memref<!tpu.dma_semaphore, #tpu.memory_space<semaphore_mem>>) src(%dma_wait3A_180 : memref<10000x128xf32, #tpu.memory_space<hbm>>) dst(%arg8 : memref<80x128xf32, #tpu.memory_space<vmem>>)
      %dma_start3A_181 = arith.constant 0 : i32
      %dma_start3A_182 = tpu.memref_slice %arg7[%add3A_174, %dma_start3A_181] : memref<63x80xi32, #tpu.memory_space<vmem>> -> memref<1x80xi32, #tpu.memory_space<vmem>>
      %dma_start3A_183 = tpu.memref_squeeze %dma_start3A_182 : memref<1x80xi32, #tpu.memory_space<vmem>> -> memref<80xi32, #tpu.memory_space<vmem>>
      %dma_start3A_184 = arith.constant 0 : i32
      %dma_start3A_185 = arith.constant 0 : i32
      %dma_start3A_186 = tpu.memref_slice %arg11[%dma_start3A_184, %dma_start3A_185] : memref<10000x128xf32, #tpu.memory_space<vmem_shared>> -> memref<10000x128xf32, #tpu.memory_space<vmem_shared>>
      tpu.enqueue_indirect_dma source(%arg8 : memref<80x128xf32, #tpu.memory_space<vmem>>) target(%dma_start3A_186 : memref<10000x128xf32, #tpu.memory_space<vmem_shared>>) offsets(%dma_start3A_183 : memref<80xi32, #tpu.memory_space<vmem>>) semaphore(%arg15 : memref<!tpu.dma_semaphore, #tpu.memory_space<semaphore_mem>>) {add = true}
      %add3A_187 = arith.constant 2 : i32
      %add3A_188 = arith.addi %add3A_174, %add3A_187 : i32
      %lt3A = arith.constant 62 : i32
      %lt3A_189 = arith.cmpi slt, %add3A_188, %lt3A : i32
      %ge3A = arith.constant 1 : i32
      %ge3A_190 = arith.cmpi sge, %add3A_174, %ge3A : i32
      %and3A = arith.andi %lt3A_189, %ge3A_190 : i1
      %convert_element_type3A_191 = arith.extui %and3A : i1 to i32
      %cond3A_192 = arith.constant 0 : i32
      %cond3A_193 = arith.cmpi ne, %convert_element_type3A_191, %cond3A_192 : i32
      scf.if %cond3A_193 {
        %sub3A = arith.constant 1 : i32
        %sub3A_246 = arith.subi %add3A_174, %sub3A : i32
        %dma_wait3A_247 = arith.constant 0 : i32
        %dma_wait3A_248 = tpu.memref_slice %arg7[%sub3A_246, %dma_wait3A_247] : memref<63x80xi32, #tpu.memory_space<vmem>> -> memref<1x80xi32, #tpu.memory_space<vmem>>
        %dma_wait3A_249 = tpu.memref_squeeze %dma_wait3A_248 : memref<1x80xi32, #tpu.memory_space<vmem>> -> memref<80xi32, #tpu.memory_space<vmem>>
        %dma_wait3A_250 = arith.constant 0 : i32
        %dma_wait3A_251 = arith.constant 0 : i32
        %dma_wait3A_252 = tpu.memref_slice %arg11[%dma_wait3A_250, %dma_wait3A_251] : memref<10000x128xf32, #tpu.memory_space<vmem_shared>> -> memref<10000x128xf32, #tpu.memory_space<vmem_shared>>
        tpu.wait_indirect_dma semaphore(%arg17 : memref<!tpu.dma_semaphore, #tpu.memory_space<semaphore_mem>>) src(%arg10 : memref<80x128xf32, #tpu.memory_space<vmem>>) dst(%dma_wait3A_252 : memref<10000x128xf32, #tpu.memory_space<vmem_shared>>)
        %add3A_253 = arith.constant 2 : i32
        %add3A_254 = arith.addi %add3A_174, %add3A_253 : i32
        %dma_start3A_255 = arith.constant 0 : i32
        %dma_start3A_256 = tpu.memref_slice %arg6[%add3A_254, %dma_start3A_255] : memref<63x80xi32, #tpu.memory_space<vmem>> -> memref<1x80xi32, #tpu.memory_space<vmem>>
        %dma_start3A_257 = tpu.memref_squeeze %dma_start3A_256 : memref<1x80xi32, #tpu.memory_space<vmem>> -> memref<80xi32, #tpu.memory_space<vmem>>
        %dma_start3A_258 = arith.constant 0 : i32
        %dma_start3A_259 = arith.constant 0 : i32
        %dma_start3A_260 = tpu.memref_slice %arg2[%dma_start3A_258, %dma_start3A_259] : memref<10000x128xf32, #tpu.memory_space<hbm>> -> memref<10000x128xf32, #tpu.memory_space<hbm>>
        tpu.enqueue_indirect_dma source(%dma_start3A_260 : memref<10000x128xf32, #tpu.memory_space<hbm>>) target(%arg10 : memref<80x128xf32, #tpu.memory_space<vmem>>) offsets(%dma_start3A_257 : memref<80xi32, #tpu.memory_space<vmem>>) semaphore(%arg14 : memref<!tpu.dma_semaphore, #tpu.memory_space<semaphore_mem>>)
      } else {
      }
      %mul3A_194 = arith.constant 3 : i32
      %mul3A_195 = arith.muli %mul3A_194, %scan3A_170 : i32
      %add3A_196 = arith.constant 1 : i32
      %add3A_197 = arith.addi %mul3A_195, %add3A_196 : i32
      %dma_wait3A_198 = arith.constant 0 : i32
      %dma_wait3A_199 = tpu.memref_slice %arg6[%add3A_197, %dma_wait3A_198] : memref<63x80xi32, #tpu.memory_space<vmem>> -> memref<1x80xi32, #tpu.memory_space<vmem>>
      %dma_wait3A_200 = tpu.memref_squeeze %dma_wait3A_199 : memref<1x80xi32, #tpu.memory_space<vmem>> -> memref<80xi32, #tpu.memory_space<vmem>>
      %dma_wait3A_201 = arith.constant 0 : i32
      %dma_wait3A_202 = arith.constant 0 : i32
      %dma_wait3A_203 = tpu.memref_slice %arg2[%dma_wait3A_201, %dma_wait3A_202] : memref<10000x128xf32, #tpu.memory_space<hbm>> -> memref<10000x128xf32, #tpu.memory_space<hbm>>
      tpu.wait_indirect_dma semaphore(%arg13 : memref<!tpu.dma_semaphore, #tpu.memory_space<semaphore_mem>>) src(%dma_wait3A_203 : memref<10000x128xf32, #tpu.memory_space<hbm>>) dst(%arg9 : memref<80x128xf32, #tpu.memory_space<vmem>>)
      %dma_start3A_204 = arith.constant 0 : i32
      %dma_start3A_205 = tpu.memref_slice %arg7[%add3A_197, %dma_start3A_204] : memref<63x80xi32, #tpu.memory_space<vmem>> -> memref<1x80xi32, #tpu.memory_space<vmem>>
      %dma_start3A_206 = tpu.memref_squeeze %dma_start3A_205 : memref<1x80xi32, #tpu.memory_space<vmem>> -> memref<80xi32, #tpu.memory_space<vmem>>
      %dma_start3A_207 = arith.constant 0 : i32
      %dma_start3A_208 = arith.constant 0 : i32
      %dma_start3A_209 = tpu.memref_slice %arg11[%dma_start3A_207, %dma_start3A_208] : memref<10000x128xf32, #tpu.memory_space<vmem_shared>> -> memref<10000x128xf32, #tpu.memory_space<vmem_shared>>
      tpu.enqueue_indirect_dma source(%arg9 : memref<80x128xf32, #tpu.memory_space<vmem>>) target(%dma_start3A_209 : memref<10000x128xf32, #tpu.memory_space<vmem_shared>>) offsets(%dma_start3A_206 : memref<80xi32, #tpu.memory_space<vmem>>) semaphore(%arg16 : memref<!tpu.dma_semaphore, #tpu.memory_space<semaphore_mem>>) {add = true}
      %add3A_210 = arith.constant 2 : i32
      %add3A_211 = arith.addi %add3A_197, %add3A_210 : i32
      %lt3A_212 = arith.constant 62 : i32
      %lt3A_213 = arith.cmpi slt, %add3A_211, %lt3A_212 : i32
      %ge3A_214 = arith.constant 1 : i32
      %ge3A_215 = arith.cmpi sge, %add3A_197, %ge3A_214 : i32
      %and3A_216 = arith.andi %lt3A_213, %ge3A_215 : i1
      %convert_element_type3A_217 = arith.extui %and3A_216 : i1 to i32
      %cond3A_218 = arith.constant 0 : i32
      %cond3A_219 = arith.cmpi ne, %convert_element_type3A_217, %cond3A_218 : i32
      scf.if %cond3A_219 {
        %sub3A = arith.constant 1 : i32
        %sub3A_246 = arith.subi %add3A_197, %sub3A : i32
        %dma_wait3A_247 = arith.constant 0 : i32
        %dma_wait3A_248 = tpu.memref_slice %arg7[%sub3A_246, %dma_wait3A_247] : memref<63x80xi32, #tpu.memory_space<vmem>> -> memref<1x80xi32, #tpu.memory_space<vmem>>
        %dma_wait3A_249 = tpu.memref_squeeze %dma_wait3A_248 : memref<1x80xi32, #tpu.memory_space<vmem>> -> memref<80xi32, #tpu.memory_space<vmem>>
        %dma_wait3A_250 = arith.constant 0 : i32
        %dma_wait3A_251 = arith.constant 0 : i32
        %dma_wait3A_252 = tpu.memref_slice %arg11[%dma_wait3A_250, %dma_wait3A_251] : memref<10000x128xf32, #tpu.memory_space<vmem_shared>> -> memref<10000x128xf32, #tpu.memory_space<vmem_shared>>
        tpu.wait_indirect_dma semaphore(%arg15 : memref<!tpu.dma_semaphore, #tpu.memory_space<semaphore_mem>>) src(%arg8 : memref<80x128xf32, #tpu.memory_space<vmem>>) dst(%dma_wait3A_252 : memref<10000x128xf32, #tpu.memory_space<vmem_shared>>)
        %add3A_253 = arith.constant 2 : i32
        %add3A_254 = arith.addi %add3A_197, %add3A_253 : i32
        %dma_start3A_255 = arith.constant 0 : i32
        %dma_start3A_256 = tpu.memref_slice %arg6[%add3A_254, %dma_start3A_255] : memref<63x80xi32, #tpu.memory_space<vmem>> -> memref<1x80xi32, #tpu.memory_space<vmem>>
        %dma_start3A_257 = tpu.memref_squeeze %dma_start3A_256 : memref<1x80xi32, #tpu.memory_space<vmem>> -> memref<80xi32, #tpu.memory_space<vmem>>
        %dma_start3A_258 = arith.constant 0 : i32
        %dma_start3A_259 = arith.constant 0 : i32
        %dma_start3A_260 = tpu.memref_slice %arg2[%dma_start3A_258, %dma_start3A_259] : memref<10000x128xf32, #tpu.memory_space<hbm>> -> memref<10000x128xf32, #tpu.memory_space<hbm>>
        tpu.enqueue_indirect_dma source(%dma_start3A_260 : memref<10000x128xf32, #tpu.memory_space<hbm>>) target(%arg8 : memref<80x128xf32, #tpu.memory_space<vmem>>) offsets(%dma_start3A_257 : memref<80xi32, #tpu.memory_space<vmem>>) semaphore(%arg12 : memref<!tpu.dma_semaphore, #tpu.memory_space<semaphore_mem>>)
      } else {
      }
      %mul3A_220 = arith.constant 3 : i32
      %mul3A_221 = arith.muli %mul3A_220, %scan3A_170 : i32
      %add3A_222 = arith.constant 2 : i32
      %add3A_223 = arith.addi %mul3A_221, %add3A_222 : i32
      %dma_wait3A_224 = arith.constant 0 : i32
      %dma_wait3A_225 = tpu.memref_slice %arg6[%add3A_223, %dma_wait3A_224] : memref<63x80xi32, #tpu.memory_space<vmem>> -> memref<1x80xi32, #tpu.memory_space<vmem>>
      %dma_wait3A_226 = tpu.memref_squeeze %dma_wait3A_225 : memref<1x80xi32, #tpu.memory_space<vmem>> -> memref<80xi32, #tpu.memory_space<vmem>>
      %dma_wait3A_227 = arith.constant 0 : i32
      %dma_wait3A_228 = arith.constant 0 : i32
      %dma_wait3A_229 = tpu.memref_slice %arg2[%dma_wait3A_227, %dma_wait3A_228] : memref<10000x128xf32, #tpu.memory_space<hbm>> -> memref<10000x128xf32, #tpu.memory_space<hbm>>
      tpu.wait_indirect_dma semaphore(%arg14 : memref<!tpu.dma_semaphore, #tpu.memory_space<semaphore_mem>>) src(%dma_wait3A_229 : memref<10000x128xf32, #tpu.memory_space<hbm>>) dst(%arg10 : memref<80x128xf32, #tpu.memory_space<vmem>>)
      %dma_start3A_230 = arith.constant 0 : i32
      %dma_start3A_231 = tpu.memref_slice %arg7[%add3A_223, %dma_start3A_230] : memref<63x80xi32, #tpu.memory_space<vmem>> -> memref<1x80xi32, #tpu.memory_space<vmem>>
      %dma_start3A_232 = tpu.memref_squeeze %dma_start3A_231 : memref<1x80xi32, #tpu.memory_space<vmem>> -> memref<80xi32, #tpu.memory_space<vmem>>
      %dma_start3A_233 = arith.constant 0 : i32
      %dma_start3A_234 = arith.constant 0 : i32
      %dma_start3A_235 = tpu.memref_slice %arg11[%dma_start3A_233, %dma_start3A_234] : memref<10000x128xf32, #tpu.memory_space<vmem_shared>> -> memref<10000x128xf32, #tpu.memory_space<vmem_shared>>
      tpu.enqueue_indirect_dma source(%arg10 : memref<80x128xf32, #tpu.memory_space<vmem>>) target(%dma_start3A_235 : memref<10000x128xf32, #tpu.memory_space<vmem_shared>>) offsets(%dma_start3A_232 : memref<80xi32, #tpu.memory_space<vmem>>) semaphore(%arg17 : memref<!tpu.dma_semaphore, #tpu.memory_space<semaphore_mem>>) {add = true}
      %add3A_236 = arith.constant 2 : i32
      %add3A_237 = arith.addi %add3A_223, %add3A_236 : i32
      %lt3A_238 = arith.constant 62 : i32
      %lt3A_239 = arith.cmpi slt, %add3A_237, %lt3A_238 : i32
      %ge3A_240 = arith.constant 1 : i32
      %ge3A_241 = arith.cmpi sge, %add3A_223, %ge3A_240 : i32
      %and3A_242 = arith.andi %lt3A_239, %ge3A_241 : i1
      %convert_element_type3A_243 = arith.extui %and3A_242 : i1 to i32
      %cond3A_244 = arith.constant 0 : i32
      %cond3A_245 = arith.cmpi ne, %convert_element_type3A_243, %cond3A_244 : i32
      scf.if %cond3A_245 {
        %sub3A = arith.constant 1 : i32
        %sub3A_246 = arith.subi %add3A_223, %sub3A : i32
        %dma_wait3A_247 = arith.constant 0 : i32
        %dma_wait3A_248 = tpu.memref_slice %arg7[%sub3A_246, %dma_wait3A_247] : memref<63x80xi32, #tpu.memory_space<vmem>> -> memref<1x80xi32, #tpu.memory_space<vmem>>
        %dma_wait3A_249 = tpu.memref_squeeze %dma_wait3A_248 : memref<1x80xi32, #tpu.memory_space<vmem>> -> memref<80xi32, #tpu.memory_space<vmem>>
        %dma_wait3A_250 = arith.constant 0 : i32
        %dma_wait3A_251 = arith.constant 0 : i32
        %dma_wait3A_252 = tpu.memref_slice %arg11[%dma_wait3A_250, %dma_wait3A_251] : memref<10000x128xf32, #tpu.memory_space<vmem_shared>> -> memref<10000x128xf32, #tpu.memory_space<vmem_shared>>
        tpu.wait_indirect_dma semaphore(%arg16 : memref<!tpu.dma_semaphore, #tpu.memory_space<semaphore_mem>>) src(%arg9 : memref<80x128xf32, #tpu.memory_space<vmem>>) dst(%dma_wait3A_252 : memref<10000x128xf32, #tpu.memory_space<vmem_shared>>)
        %add3A_253 = arith.constant 2 : i32
        %add3A_254 = arith.addi %add3A_223, %add3A_253 : i32
        %dma_start3A_255 = arith.constant 0 : i32
        %dma_start3A_256 = tpu.memref_slice %arg6[%add3A_254, %dma_start3A_255] : memref<63x80xi32, #tpu.memory_space<vmem>> -> memref<1x80xi32, #tpu.memory_space<vmem>>
        %dma_start3A_257 = tpu.memref_squeeze %dma_start3A_256 : memref<1x80xi32, #tpu.memory_space<vmem>> -> memref<80xi32, #tpu.memory_space<vmem>>
        %dma_start3A_258 = arith.constant 0 : i32
        %dma_start3A_259 = arith.constant 0 : i32
        %dma_start3A_260 = tpu.memref_slice %arg2[%dma_start3A_258, %dma_start3A_259] : memref<10000x128xf32, #tpu.memory_space<hbm>> -> memref<10000x128xf32, #tpu.memory_space<hbm>>
        tpu.enqueue_indirect_dma source(%dma_start3A_260 : memref<10000x128xf32, #tpu.memory_space<hbm>>) target(%arg9 : memref<80x128xf32, #tpu.memory_space<vmem>>) offsets(%dma_start3A_257 : memref<80xi32, #tpu.memory_space<vmem>>) semaphore(%arg13 : memref<!tpu.dma_semaphore, #tpu.memory_space<semaphore_mem>>)
      } else {
      }
    }
    %scan3A_110 = arith.constant 20 : i32
    %dma_wait3A_111 = arith.constant 60 : i32
    %dma_wait3A_112 = arith.constant 0 : i32
    %dma_wait3A_113 = tpu.memref_slice %arg6[%dma_wait3A_111, %dma_wait3A_112] : memref<63x80xi32, #tpu.memory_space<vmem>> -> memref<1x80xi32, #tpu.memory_space<vmem>>
    %dma_wait3A_114 = tpu.memref_squeeze %dma_wait3A_113 : memref<1x80xi32, #tpu.memory_space<vmem>> -> memref<80xi32, #tpu.memory_space<vmem>>
    %dma_wait3A_115 = arith.constant 0 : i32
    %dma_wait3A_116 = arith.constant 0 : i32
    %dma_wait3A_117 = tpu.memref_slice %arg2[%dma_wait3A_115, %dma_wait3A_116] : memref<10000x128xf32, #tpu.memory_space<hbm>> -> memref<10000x128xf32, #tpu.memory_space<hbm>>
    tpu.wait_indirect_dma semaphore(%arg12 : memref<!tpu.dma_semaphore, #tpu.memory_space<semaphore_mem>>) src(%dma_wait3A_117 : memref<10000x128xf32, #tpu.memory_space<hbm>>) dst(%arg8 : memref<80x128xf32, #tpu.memory_space<vmem>>)
    %dma_start3A_118 = arith.constant 60 : i32
    %dma_start3A_119 = arith.constant 0 : i32
    %dma_start3A_120 = tpu.memref_slice %arg7[%dma_start3A_118, %dma_start3A_119] : memref<63x80xi32, #tpu.memory_space<vmem>> -> memref<1x80xi32, #tpu.memory_space<vmem>>
    %dma_start3A_121 = tpu.memref_squeeze %dma_start3A_120 : memref<1x80xi32, #tpu.memory_space<vmem>> -> memref<80xi32, #tpu.memory_space<vmem>>
    %dma_start3A_122 = arith.constant 0 : i32
    %dma_start3A_123 = arith.constant 0 : i32
    %dma_start3A_124 = tpu.memref_slice %arg11[%dma_start3A_122, %dma_start3A_123] : memref<10000x128xf32, #tpu.memory_space<vmem_shared>> -> memref<10000x128xf32, #tpu.memory_space<vmem_shared>>
    tpu.enqueue_indirect_dma source(%arg8 : memref<80x128xf32, #tpu.memory_space<vmem>>) target(%dma_start3A_124 : memref<10000x128xf32, #tpu.memory_space<vmem_shared>>) offsets(%dma_start3A_121 : memref<80xi32, #tpu.memory_space<vmem>>) semaphore(%arg15 : memref<!tpu.dma_semaphore, #tpu.memory_space<semaphore_mem>>) {add = true}
    %dma_wait3A_125 = arith.constant 61 : i32
    %dma_wait3A_126 = arith.constant 0 : i32
    %dma_wait3A_127 = tpu.memref_slice %arg6[%dma_wait3A_125, %dma_wait3A_126] : memref<63x80xi32, #tpu.memory_space<vmem>> -> memref<1x80xi32, #tpu.memory_space<vmem>>
    %dma_wait3A_128 = tpu.memref_squeeze %dma_wait3A_127 : memref<1x80xi32, #tpu.memory_space<vmem>> -> memref<80xi32, #tpu.memory_space<vmem>>
    %dma_wait3A_129 = arith.constant 0 : i32
    %dma_wait3A_130 = arith.constant 0 : i32
    %dma_wait3A_131 = tpu.memref_slice %arg2[%dma_wait3A_129, %dma_wait3A_130] : memref<10000x128xf32, #tpu.memory_space<hbm>> -> memref<10000x128xf32, #tpu.memory_space<hbm>>
    tpu.wait_indirect_dma semaphore(%arg13 : memref<!tpu.dma_semaphore, #tpu.memory_space<semaphore_mem>>) src(%dma_wait3A_131 : memref<10000x128xf32, #tpu.memory_space<hbm>>) dst(%arg9 : memref<80x128xf32, #tpu.memory_space<vmem>>)
    %dma_start3A_132 = arith.constant 61 : i32
    %dma_start3A_133 = arith.constant 0 : i32
    %dma_start3A_134 = tpu.memref_slice %arg7[%dma_start3A_132, %dma_start3A_133] : memref<63x80xi32, #tpu.memory_space<vmem>> -> memref<1x80xi32, #tpu.memory_space<vmem>>
    %dma_start3A_135 = tpu.memref_squeeze %dma_start3A_134 : memref<1x80xi32, #tpu.memory_space<vmem>> -> memref<80xi32, #tpu.memory_space<vmem>>
    %dma_start3A_136 = arith.constant 0 : i32
    %dma_start3A_137 = arith.constant 0 : i32
    %dma_start3A_138 = tpu.memref_slice %arg11[%dma_start3A_136, %dma_start3A_137] : memref<10000x128xf32, #tpu.memory_space<vmem_shared>> -> memref<10000x128xf32, #tpu.memory_space<vmem_shared>>
    tpu.enqueue_indirect_dma source(%arg9 : memref<80x128xf32, #tpu.memory_space<vmem>>) target(%dma_start3A_138 : memref<10000x128xf32, #tpu.memory_space<vmem_shared>>) offsets(%dma_start3A_135 : memref<80xi32, #tpu.memory_space<vmem>>) semaphore(%arg16 : memref<!tpu.dma_semaphore, #tpu.memory_space<semaphore_mem>>) {add = true}
    %dma_wait3A_139 = arith.constant 59 : i32
    %dma_wait3A_140 = arith.constant 0 : i32
    %dma_wait3A_141 = tpu.memref_slice %arg7[%dma_wait3A_139, %dma_wait3A_140] : memref<63x80xi32, #tpu.memory_space<vmem>> -> memref<1x80xi32, #tpu.memory_space<vmem>>
    %dma_wait3A_142 = tpu.memref_squeeze %dma_wait3A_141 : memref<1x80xi32, #tpu.memory_space<vmem>> -> memref<80xi32, #tpu.memory_space<vmem>>
    %dma_wait3A_143 = arith.constant 0 : i32
    %dma_wait3A_144 = arith.constant 0 : i32
    %dma_wait3A_145 = tpu.memref_slice %arg11[%dma_wait3A_143, %dma_wait3A_144] : memref<10000x128xf32, #tpu.memory_space<vmem_shared>> -> memref<10000x128xf32, #tpu.memory_space<vmem_shared>>
    tpu.wait_indirect_dma semaphore(%arg17 : memref<!tpu.dma_semaphore, #tpu.memory_space<semaphore_mem>>) src(%arg10 : memref<80x128xf32, #tpu.memory_space<vmem>>) dst(%dma_wait3A_145 : memref<10000x128xf32, #tpu.memory_space<vmem_shared>>)
    %dma_wait3A_146 = arith.constant 60 : i32
    %dma_wait3A_147 = arith.constant 0 : i32
    %dma_wait3A_148 = tpu.memref_slice %arg7[%dma_wait3A_146, %dma_wait3A_147] : memref<63x80xi32, #tpu.memory_space<vmem>> -> memref<1x80xi32, #tpu.memory_space<vmem>>
    %dma_wait3A_149 = tpu.memref_squeeze %dma_wait3A_148 : memref<1x80xi32, #tpu.memory_space<vmem>> -> memref<80xi32, #tpu.memory_space<vmem>>
    %dma_wait3A_150 = arith.constant 0 : i32
    %dma_wait3A_151 = arith.constant 0 : i32
    %dma_wait3A_152 = tpu.memref_slice %arg11[%dma_wait3A_150, %dma_wait3A_151] : memref<10000x128xf32, #tpu.memory_space<vmem_shared>> -> memref<10000x128xf32, #tpu.memory_space<vmem_shared>>
    tpu.wait_indirect_dma semaphore(%arg15 : memref<!tpu.dma_semaphore, #tpu.memory_space<semaphore_mem>>) src(%arg8 : memref<80x128xf32, #tpu.memory_space<vmem>>) dst(%dma_wait3A_152 : memref<10000x128xf32, #tpu.memory_space<vmem_shared>>)
    %dma_wait3A_153 = arith.constant 61 : i32
    %dma_wait3A_154 = arith.constant 0 : i32
    %dma_wait3A_155 = tpu.memref_slice %arg7[%dma_wait3A_153, %dma_wait3A_154] : memref<63x80xi32, #tpu.memory_space<vmem>> -> memref<1x80xi32, #tpu.memory_space<vmem>>
    %dma_wait3A_156 = tpu.memref_squeeze %dma_wait3A_155 : memref<1x80xi32, #tpu.memory_space<vmem>> -> memref<80xi32, #tpu.memory_space<vmem>>
    %dma_wait3A_157 = arith.constant 0 : i32
    %dma_wait3A_158 = arith.constant 0 : i32
    %dma_wait3A_159 = tpu.memref_slice %arg11[%dma_wait3A_157, %dma_wait3A_158] : memref<10000x128xf32, #tpu.memory_space<vmem_shared>> -> memref<10000x128xf32, #tpu.memory_space<vmem_shared>>
    tpu.wait_indirect_dma semaphore(%arg16 : memref<!tpu.dma_semaphore, #tpu.memory_space<semaphore_mem>>) src(%arg9 : memref<80x128xf32, #tpu.memory_space<vmem>>) dst(%dma_wait3A_159 : memref<10000x128xf32, #tpu.memory_space<vmem_shared>>)
    %barrier3A_160 = arith.constant 0 : index
    tpu.barrier barrier_id(%barrier3A_160)
    %mul3A_161 = arith.constant 624 : i32
    %mul3A_162 = arith.muli %arg1, %mul3A_161 : i32
    %mul3A_163 = arith.constant 624 : i32
    %mul3A_164 = arith.muli %arg1, %mul3A_163 : i32
    "tpu.region"() ({
      %run_scoped3A = tpu.sem_alloc : memref<!tpu.dma_semaphore, #tpu.memory_space<semaphore_mem>>
      %dma_start3A_170 = arith.constant 0 : i32
      %dma_start3A_171 = tpu.memref_slice %arg5[%arg0, %mul3A_164, %dma_start3A_170] : memref<2x10000x128xf32, #tpu.memory_space<hbm>> -> memref<1x624x128xf32, #tpu.memory_space<hbm>>
      %dma_start3A_172 = tpu.memref_squeeze %dma_start3A_171 : memref<1x624x128xf32, #tpu.memory_space<hbm>> -> memref<624x128xf32, #tpu.memory_space<hbm>>
      %dma_start3A_173 = arith.constant 0 : i32
      %dma_start3A_174 = tpu.memref_slice %arg11[%mul3A_162, %dma_start3A_173] : memref<10000x128xf32, #tpu.memory_space<vmem_shared>> -> memref<624x128xf32, #tpu.memory_space<vmem_shared>>
      tpu.enqueue_dma source(%dma_start3A_174 : memref<624x128xf32, #tpu.memory_space<vmem_shared>>) target(%dma_start3A_172 : memref<624x128xf32, #tpu.memory_space<hbm>>) target_semaphore(%run_scoped3A : memref<!tpu.dma_semaphore, #tpu.memory_space<semaphore_mem>>)
      %dma_wait3A_175 = arith.constant 0 : i32
      %dma_wait3A_176 = tpu.memref_slice %arg5[%arg0, %mul3A_164, %dma_wait3A_175] : memref<2x10000x128xf32, #tpu.memory_space<hbm>> -> memref<1x624x128xf32, #tpu.memory_space<hbm>>
      %dma_wait3A_177 = tpu.memref_squeeze %dma_wait3A_176 : memref<1x624x128xf32, #tpu.memory_space<hbm>> -> memref<624x128xf32, #tpu.memory_space<hbm>>
      %dma_wait3A_178 = arith.constant 0 : i32
      %dma_wait3A_179 = tpu.memref_slice %arg11[%mul3A_162, %dma_wait3A_178] : memref<10000x128xf32, #tpu.memory_space<vmem_shared>> -> memref<624x128xf32, #tpu.memory_space<vmem_shared>>
      tpu.wait_dma2 semaphore(%run_scoped3A : memref<!tpu.dma_semaphore, #tpu.memory_space<semaphore_mem>>) src(%dma_wait3A_179 : memref<624x128xf32, #tpu.memory_space<vmem_shared>>) dst(%dma_wait3A_177 : memref<624x128xf32, #tpu.memory_space<hbm>>)
      tpu.yield
    }) : () -> ()
    %eq3A_165 = arith.constant 0 : i32
    %eq3A_166 = arith.cmpi eq, %arg1, %eq3A_165 : i32
    %convert_element_type3A_167 = arith.extui %eq3A_166 : i1 to i32
    %cond3A_168 = arith.constant 0 : i32
    %cond3A_169 = arith.cmpi ne, %convert_element_type3A_167, %cond3A_168 : i32
    scf.if %cond3A_169 {
      "tpu.region"() ({
        %run_scoped3A = tpu.sem_alloc : memref<!tpu.dma_semaphore, #tpu.memory_space<semaphore_mem>>
        %dma_start3A_170 = arith.constant 9984 : i32
        %dma_start3A_171 = arith.constant 0 : i32
        %dma_start3A_172 = tpu.memref_slice %arg5[%arg0, %dma_start3A_170, %dma_start3A_171] : memref<2x10000x128xf32, #tpu.memory_space<hbm>> -> memref<1x16x128xf32, #tpu.memory_space<hbm>>
        %dma_start3A_173 = tpu.memref_squeeze %dma_start3A_172 : memref<1x16x128xf32, #tpu.memory_space<hbm>> -> memref<16x128xf32, #tpu.memory_space<hbm>>
        %dma_start3A_174 = arith.constant 9984 : i32
        %dma_start3A_175 = arith.constant 0 : i32
        %dma_start3A_176 = tpu.memref_slice %arg11[%dma_start3A_174, %dma_start3A_175] : memref<10000x128xf32, #tpu.memory_space<vmem_shared>> -> memref<16x128xf32, #tpu.memory_space<vmem_shared>>
        tpu.enqueue_dma source(%dma_start3A_176 : memref<16x128xf32, #tpu.memory_space<vmem_shared>>) target(%dma_start3A_173 : memref<16x128xf32, #tpu.memory_space<hbm>>) target_semaphore(%run_scoped3A : memref<!tpu.dma_semaphore, #tpu.memory_space<semaphore_mem>>)
        %dma_wait3A_177 = arith.constant 9984 : i32
        %dma_wait3A_178 = arith.constant 0 : i32
        %dma_wait3A_179 = tpu.memref_slice %arg5[%arg0, %dma_wait3A_177, %dma_wait3A_178] : memref<2x10000x128xf32, #tpu.memory_space<hbm>> -> memref<1x16x128xf32, #tpu.memory_space<hbm>>
        %dma_wait3A_180 = tpu.memref_squeeze %dma_wait3A_179 : memref<1x16x128xf32, #tpu.memory_space<hbm>> -> memref<16x128xf32, #tpu.memory_space<hbm>>
        %dma_wait3A_181 = arith.constant 9984 : i32
        %dma_wait3A_182 = arith.constant 0 : i32
        %dma_wait3A_183 = tpu.memref_slice %arg11[%dma_wait3A_181, %dma_wait3A_182] : memref<10000x128xf32, #tpu.memory_space<vmem_shared>> -> memref<16x128xf32, #tpu.memory_space<vmem_shared>>
        tpu.wait_dma2 semaphore(%run_scoped3A : memref<!tpu.dma_semaphore, #tpu.memory_space<semaphore_mem>>) src(%dma_wait3A_183 : memref<16x128xf32, #tpu.memory_space<vmem_shared>>) dst(%dma_wait3A_180 : memref<16x128xf32, #tpu.memory_space<hbm>>)
        tpu.yield
      }) : () -> ()
    } else {
    }
    return
  }
}

#map = affine_map<(d0, d1) -> (0, 0)>
#map1 = affine_map<(d0, d1) -> (0, 0, 0)>
module attributes {stable_mosaic.version = 14 : i64} {
  func.func @body(%arg0: i32, %arg1: i32, %arg2: memref<10000x128xf32, #tpu.memory_space<hbm>>, %arg3: memref<32x125x80xi32, #tpu.memory_space<hbm>>, %arg4: memref<32x125x80xi32, #tpu.memory_space<hbm>>, %arg5: memref<2x10000x128xf32, #tpu.memory_space<hbm>>, %arg6: memref<2x10000x16xf32, #tpu.memory_space<hbm>>, %arg7: memref<63x80xi32, #tpu.memory_space<vmem>>, %arg8: memref<63x80xi32, #tpu.memory_space<vmem>>, %arg9: memref<80x128xf32, #tpu.memory_space<vmem>>, %arg10: memref<80x128xf32, #tpu.memory_space<vmem>>, %arg11: memref<10000x128xf32, #tpu.memory_space<vmem_shared>>, %arg12: memref<!tpu.dma_semaphore, #tpu.memory_space<semaphore_mem>>, %arg13: memref<!tpu.dma_semaphore, #tpu.memory_space<semaphore_mem>>, %arg14: memref<!tpu.dma_semaphore, #tpu.memory_space<semaphore_mem>>, %arg15: memref<!tpu.dma_semaphore, #tpu.memory_space<semaphore_mem>>, %arg16: memref<80x16xf32, #tpu.memory_space<vmem>>, %arg17: memref<10000x16xf32, #tpu.memory_space<vmem_shared>>, %arg18: memref<!tpu.dma_semaphore, #tpu.memory_space<semaphore_mem>>, %arg19: memref<!tpu.dma_semaphore, #tpu.memory_space<semaphore_mem>>) attributes {dimension_semantics = [#tpu.dimension_semantics<core_parallel>, #tpu.dimension_semantics<subcore_parallel>], iteration_bounds = array<i64: 2, 16>, scalar_prefetch = 0 : i64, scratch_operands = 13 : i64, tpu.core_type = #tpu.core_type<sc_vector_subcore>, window_params = [{transform_indices = #map}, {transform_indices = #map1}, {transform_indices = #map1}, {transform_indices = #map1}, {transform_indices = #map1}]} {
    %mul3A = arith.constant 2 : i32
    %mul3A_0 = arith.muli %arg1, %mul3A : i32
    %add3A = arith.addi %mul3A_0, %arg0 : i32
    %broadcast_in_dim3A = arith.constant 0.000000e+00 : f32
    %broadcast_in_dim3A_1 = vector.broadcast %broadcast_in_dim3A : f32 to vector<16xf32>
    %scan3A = arith.constant 0 : i32
    %scan3A_2 = arith.constant 80 : i32
    %scan3A_3 = arith.addi %scan3A, %scan3A_2 : i32
    %scan3A_4 = arith.constant 1 : i32
    scf.for %scan3A_193 = %scan3A to %scan3A_3 step %scan3A_4  : i32 {
      %swap3A = arith.index_cast %scan3A_193 : i32 to index
      %swap3A_194 = arith.constant 0 : index
      %swap3A_195 = tpu.vector_load %arg9[%swap3A, %swap3A_194] {strides = array<i32>} : memref<80x128xf32, #tpu.memory_space<vmem>>, vector<16xf32>,
      tpu.vector_store %arg9[%swap3A, %swap3A_194], %broadcast_in_dim3A_1 {strides = array<i32>} : memref<80x128xf32, #tpu.memory_space<vmem>>, vector<16xf32>,
      %swap3A_196 = arith.index_cast %scan3A_193 : i32 to index
      %swap3A_197 = arith.constant 16 : index
      %swap3A_198 = tpu.vector_load %arg9[%swap3A_196, %swap3A_197] {strides = array<i32>} : memref<80x128xf32, #tpu.memory_space<vmem>>, vector<16xf32>,
      tpu.vector_store %arg9[%swap3A_196, %swap3A_197], %broadcast_in_dim3A_1 {strides = array<i32>} : memref<80x128xf32, #tpu.memory_space<vmem>>, vector<16xf32>,
      %swap3A_199 = arith.index_cast %scan3A_193 : i32 to index
      %swap3A_200 = arith.constant 32 : index
      %swap3A_201 = tpu.vector_load %arg9[%swap3A_199, %swap3A_200] {strides = array<i32>} : memref<80x128xf32, #tpu.memory_space<vmem>>, vector<16xf32>,
      tpu.vector_store %arg9[%swap3A_199, %swap3A_200], %broadcast_in_dim3A_1 {strides = array<i32>} : memref<80x128xf32, #tpu.memory_space<vmem>>, vector<16xf32>,
      %swap3A_202 = arith.index_cast %scan3A_193 : i32 to index
      %swap3A_203 = arith.constant 48 : index
      %swap3A_204 = tpu.vector_load %arg9[%swap3A_202, %swap3A_203] {strides = array<i32>} : memref<80x128xf32, #tpu.memory_space<vmem>>, vector<16xf32>,
      tpu.vector_store %arg9[%swap3A_202, %swap3A_203], %broadcast_in_dim3A_1 {strides = array<i32>} : memref<80x128xf32, #tpu.memory_space<vmem>>, vector<16xf32>,
      %swap3A_205 = arith.index_cast %scan3A_193 : i32 to index
      %swap3A_206 = arith.constant 64 : index
      %swap3A_207 = tpu.vector_load %arg9[%swap3A_205, %swap3A_206] {strides = array<i32>} : memref<80x128xf32, #tpu.memory_space<vmem>>, vector<16xf32>,
      tpu.vector_store %arg9[%swap3A_205, %swap3A_206], %broadcast_in_dim3A_1 {strides = array<i32>} : memref<80x128xf32, #tpu.memory_space<vmem>>, vector<16xf32>,
      %swap3A_208 = arith.index_cast %scan3A_193 : i32 to index
      %swap3A_209 = arith.constant 80 : index
      %swap3A_210 = tpu.vector_load %arg9[%swap3A_208, %swap3A_209] {strides = array<i32>} : memref<80x128xf32, #tpu.memory_space<vmem>>, vector<16xf32>,
      tpu.vector_store %arg9[%swap3A_208, %swap3A_209], %broadcast_in_dim3A_1 {strides = array<i32>} : memref<80x128xf32, #tpu.memory_space<vmem>>, vector<16xf32>,
      %swap3A_211 = arith.index_cast %scan3A_193 : i32 to index
      %swap3A_212 = arith.constant 96 : index
      %swap3A_213 = tpu.vector_load %arg9[%swap3A_211, %swap3A_212] {strides = array<i32>} : memref<80x128xf32, #tpu.memory_space<vmem>>, vector<16xf32>,
      tpu.vector_store %arg9[%swap3A_211, %swap3A_212], %broadcast_in_dim3A_1 {strides = array<i32>} : memref<80x128xf32, #tpu.memory_space<vmem>>, vector<16xf32>,
      %swap3A_214 = arith.index_cast %scan3A_193 : i32 to index
      %swap3A_215 = arith.constant 112 : index
      %swap3A_216 = tpu.vector_load %arg9[%swap3A_214, %swap3A_215] {strides = array<i32>} : memref<80x128xf32, #tpu.memory_space<vmem>>, vector<16xf32>,
      tpu.vector_store %arg9[%swap3A_214, %swap3A_215], %broadcast_in_dim3A_1 {strides = array<i32>} : memref<80x128xf32, #tpu.memory_space<vmem>>, vector<16xf32>,
    }
    %scan3A_5 = arith.constant 80 : i32
    %mul3A_6 = arith.constant 624 : i32
    %mul3A_7 = arith.muli %arg1, %mul3A_6 : i32
    %add3A_8 = arith.constant 0 : i32
    %add3A_9 = arith.addi %mul3A_7, %add3A_8 : i32
    "tpu.region"() ({
      %run_scoped3A_193 = tpu.sem_alloc : memref<!tpu.dma_semaphore, #tpu.memory_space<semaphore_mem>>
      %dma_start3A_194 = arith.constant 0 : i32
      %dma_start3A_195 = arith.constant 0 : i32
      %dma_start3A_196 = tpu.memref_slice %arg9[%dma_start3A_194, %dma_start3A_195] : memref<80x128xf32, #tpu.memory_space<vmem>> -> memref<80x128xf32, #tpu.memory_space<vmem>>
      %dma_start3A_197 = arith.constant 0 : i32
      %dma_start3A_198 = tpu.memref_slice %arg11[%add3A_9, %dma_start3A_197] : memref<10000x128xf32, #tpu.memory_space<vmem_shared>> -> memref<80x128xf32, #tpu.memory_space<vmem_shared>>
      %dma_start3A_199 = arith.constant 0 : i32
      %dma_start3A_200 = tpu.memref_slice %arg11[%add3A_9, %dma_start3A_199] : memref<10000x128xf32, #tpu.memory_space<vmem_shared>> -> memref<80x128xf32, #tpu.memory_space<vmem_shared>>
      %dma_start3A_201 = arith.constant 0 : i32
      %dma_start3A_202 = arith.constant 0 : i32
      %dma_start3A_203 = tpu.memref_slice %arg9[%dma_start3A_201, %dma_start3A_202] : memref<80x128xf32, #tpu.memory_space<vmem>> -> memref<80x128xf32, #tpu.memory_space<vmem>>
      tpu.enqueue_dma source(%dma_start3A_203 : memref<80x128xf32, #tpu.memory_space<vmem>>) target(%dma_start3A_200 : memref<80x128xf32, #tpu.memory_space<vmem_shared>>) target_semaphore(%run_scoped3A_193 : memref<!tpu.dma_semaphore, #tpu.memory_space<semaphore_mem>>)
      %dma_wait3A_204 = arith.constant 0 : i32
      %dma_wait3A_205 = arith.constant 0 : i32
      %dma_wait3A_206 = tpu.memref_slice %arg9[%dma_wait3A_204, %dma_wait3A_205] : memref<80x128xf32, #tpu.memory_space<vmem>> -> memref<80x128xf32, #tpu.memory_space<vmem>>
      %dma_wait3A_207 = arith.constant 0 : i32
      %dma_wait3A_208 = tpu.memref_slice %arg11[%add3A_9, %dma_wait3A_207] : memref<10000x128xf32, #tpu.memory_space<vmem_shared>> -> memref<80x128xf32, #tpu.memory_space<vmem_shared>>
      %dma_wait3A_209 = arith.constant 0 : i32
      %dma_wait3A_210 = tpu.memref_slice %arg11[%add3A_9, %dma_wait3A_209] : memref<10000x128xf32, #tpu.memory_space<vmem_shared>> -> memref<80x128xf32, #tpu.memory_space<vmem_shared>>
      %dma_wait3A_211 = arith.constant 0 : i32
      %dma_wait3A_212 = arith.constant 0 : i32
      %dma_wait3A_213 = tpu.memref_slice %arg9[%dma_wait3A_211, %dma_wait3A_212] : memref<80x128xf32, #tpu.memory_space<vmem>> -> memref<80x128xf32, #tpu.memory_space<vmem>>
      tpu.wait_dma2 semaphore(%run_scoped3A_193 : memref<!tpu.dma_semaphore, #tpu.memory_space<semaphore_mem>>) src(%dma_wait3A_213 : memref<80x128xf32, #tpu.memory_space<vmem>>) dst(%dma_wait3A_210 : memref<80x128xf32, #tpu.memory_space<vmem_shared>>)
      tpu.yield
    }) : () -> ()
    %mul3A_10 = arith.constant 624 : i32
    %mul3A_11 = arith.muli %arg1, %mul3A_10 : i32
    %add3A_12 = arith.constant 80 : i32
    %add3A_13 = arith.addi %mul3A_11, %add3A_12 : i32
    "tpu.region"() ({
      %run_scoped3A_193 = tpu.sem_alloc : memref<!tpu.dma_semaphore, #tpu.memory_space<semaphore_mem>>
      %dma_start3A_194 = arith.constant 0 : i32
      %dma_start3A_195 = arith.constant 0 : i32
      %dma_start3A_196 = tpu.memref_slice %arg9[%dma_start3A_194, %dma_start3A_195] : memref<80x128xf32, #tpu.memory_space<vmem>> -> memref<80x128xf32, #tpu.memory_space<vmem>>
      %dma_start3A_197 = arith.constant 0 : i32
      %dma_start3A_198 = tpu.memref_slice %arg11[%add3A_13, %dma_start3A_197] : memref<10000x128xf32, #tpu.memory_space<vmem_shared>> -> memref<80x128xf32, #tpu.memory_space<vmem_shared>>
      %dma_start3A_199 = arith.constant 0 : i32
      %dma_start3A_200 = tpu.memref_slice %arg11[%add3A_13, %dma_start3A_199] : memref<10000x128xf32, #tpu.memory_space<vmem_shared>> -> memref<80x128xf32, #tpu.memory_space<vmem_shared>>
      %dma_start3A_201 = arith.constant 0 : i32
      %dma_start3A_202 = arith.constant 0 : i32
      %dma_start3A_203 = tpu.memref_slice %arg9[%dma_start3A_201, %dma_start3A_202] : memref<80x128xf32, #tpu.memory_space<vmem>> -> memref<80x128xf32, #tpu.memory_space<vmem>>
      tpu.enqueue_dma source(%dma_start3A_203 : memref<80x128xf32, #tpu.memory_space<vmem>>) target(%dma_start3A_200 : memref<80x128xf32, #tpu.memory_space<vmem_shared>>) target_semaphore(%run_scoped3A_193 : memref<!tpu.dma_semaphore, #tpu.memory_space<semaphore_mem>>)
      %dma_wait3A_204 = arith.constant 0 : i32
      %dma_wait3A_205 = arith.constant 0 : i32
      %dma_wait3A_206 = tpu.memref_slice %arg9[%dma_wait3A_204, %dma_wait3A_205] : memref<80x128xf32, #tpu.memory_space<vmem>> -> memref<80x128xf32, #tpu.memory_space<vmem>>
      %dma_wait3A_207 = arith.constant 0 : i32
      %dma_wait3A_208 = tpu.memref_slice %arg11[%add3A_13, %dma_wait3A_207] : memref<10000x128xf32, #tpu.memory_space<vmem_shared>> -> memref<80x128xf32, #tpu.memory_space<vmem_shared>>
      %dma_wait3A_209 = arith.constant 0 : i32
      %dma_wait3A_210 = tpu.memref_slice %arg11[%add3A_13, %dma_wait3A_209] : memref<10000x128xf32, #tpu.memory_space<vmem_shared>> -> memref<80x128xf32, #tpu.memory_space<vmem_shared>>
      %dma_wait3A_211 = arith.constant 0 : i32
      %dma_wait3A_212 = arith.constant 0 : i32
      %dma_wait3A_213 = tpu.memref_slice %arg9[%dma_wait3A_211, %dma_wait3A_212] : memref<80x128xf32, #tpu.memory_space<vmem>> -> memref<80x128xf32, #tpu.memory_space<vmem>>
      tpu.wait_dma2 semaphore(%run_scoped3A_193 : memref<!tpu.dma_semaphore, #tpu.memory_space<semaphore_mem>>) src(%dma_wait3A_213 : memref<80x128xf32, #tpu.memory_space<vmem>>) dst(%dma_wait3A_210 : memref<80x128xf32, #tpu.memory_space<vmem_shared>>)
      tpu.yield
    }) : () -> ()
    %mul3A_14 = arith.constant 624 : i32
    %mul3A_15 = arith.muli %arg1, %mul3A_14 : i32
    %add3A_16 = arith.constant 160 : i32
    %add3A_17 = arith.addi %mul3A_15, %add3A_16 : i32
    "tpu.region"() ({
      %run_scoped3A_193 = tpu.sem_alloc : memref<!tpu.dma_semaphore, #tpu.memory_space<semaphore_mem>>
      %dma_start3A_194 = arith.constant 0 : i32
      %dma_start3A_195 = arith.constant 0 : i32
      %dma_start3A_196 = tpu.memref_slice %arg9[%dma_start3A_194, %dma_start3A_195] : memref<80x128xf32, #tpu.memory_space<vmem>> -> memref<80x128xf32, #tpu.memory_space<vmem>>
      %dma_start3A_197 = arith.constant 0 : i32
      %dma_start3A_198 = tpu.memref_slice %arg11[%add3A_17, %dma_start3A_197] : memref<10000x128xf32, #tpu.memory_space<vmem_shared>> -> memref<80x128xf32, #tpu.memory_space<vmem_shared>>
      %dma_start3A_199 = arith.constant 0 : i32
      %dma_start3A_200 = tpu.memref_slice %arg11[%add3A_17, %dma_start3A_199] : memref<10000x128xf32, #tpu.memory_space<vmem_shared>> -> memref<80x128xf32, #tpu.memory_space<vmem_shared>>
      %dma_start3A_201 = arith.constant 0 : i32
      %dma_start3A_202 = arith.constant 0 : i32
      %dma_start3A_203 = tpu.memref_slice %arg9[%dma_start3A_201, %dma_start3A_202] : memref<80x128xf32, #tpu.memory_space<vmem>> -> memref<80x128xf32, #tpu.memory_space<vmem>>
      tpu.enqueue_dma source(%dma_start3A_203 : memref<80x128xf32, #tpu.memory_space<vmem>>) target(%dma_start3A_200 : memref<80x128xf32, #tpu.memory_space<vmem_shared>>) target_semaphore(%run_scoped3A_193 : memref<!tpu.dma_semaphore, #tpu.memory_space<semaphore_mem>>)
      %dma_wait3A_204 = arith.constant 0 : i32
      %dma_wait3A_205 = arith.constant 0 : i32
      %dma_wait3A_206 = tpu.memref_slice %arg9[%dma_wait3A_204, %dma_wait3A_205] : memref<80x128xf32, #tpu.memory_space<vmem>> -> memref<80x128xf32, #tpu.memory_space<vmem>>
      %dma_wait3A_207 = arith.constant 0 : i32
      %dma_wait3A_208 = tpu.memref_slice %arg11[%add3A_17, %dma_wait3A_207] : memref<10000x128xf32, #tpu.memory_space<vmem_shared>> -> memref<80x128xf32, #tpu.memory_space<vmem_shared>>
      %dma_wait3A_209 = arith.constant 0 : i32
      %dma_wait3A_210 = tpu.memref_slice %arg11[%add3A_17, %dma_wait3A_209] : memref<10000x128xf32, #tpu.memory_space<vmem_shared>> -> memref<80x128xf32, #tpu.memory_space<vmem_shared>>
      %dma_wait3A_211 = arith.constant 0 : i32
      %dma_wait3A_212 = arith.constant 0 : i32
      %dma_wait3A_213 = tpu.memref_slice %arg9[%dma_wait3A_211, %dma_wait3A_212] : memref<80x128xf32, #tpu.memory_space<vmem>> -> memref<80x128xf32, #tpu.memory_space<vmem>>
      tpu.wait_dma2 semaphore(%run_scoped3A_193 : memref<!tpu.dma_semaphore, #tpu.memory_space<semaphore_mem>>) src(%dma_wait3A_213 : memref<80x128xf32, #tpu.memory_space<vmem>>) dst(%dma_wait3A_210 : memref<80x128xf32, #tpu.memory_space<vmem_shared>>)
      tpu.yield
    }) : () -> ()
    %mul3A_18 = arith.constant 624 : i32
    %mul3A_19 = arith.muli %arg1, %mul3A_18 : i32
    %add3A_20 = arith.constant 240 : i32
    %add3A_21 = arith.addi %mul3A_19, %add3A_20 : i32
    "tpu.region"() ({
      %run_scoped3A_193 = tpu.sem_alloc : memref<!tpu.dma_semaphore, #tpu.memory_space<semaphore_mem>>
      %dma_start3A_194 = arith.constant 0 : i32
      %dma_start3A_195 = arith.constant 0 : i32
      %dma_start3A_196 = tpu.memref_slice %arg9[%dma_start3A_194, %dma_start3A_195] : memref<80x128xf32, #tpu.memory_space<vmem>> -> memref<80x128xf32, #tpu.memory_space<vmem>>
      %dma_start3A_197 = arith.constant 0 : i32
      %dma_start3A_198 = tpu.memref_slice %arg11[%add3A_21, %dma_start3A_197] : memref<10000x128xf32, #tpu.memory_space<vmem_shared>> -> memref<80x128xf32, #tpu.memory_space<vmem_shared>>
      %dma_start3A_199 = arith.constant 0 : i32
      %dma_start3A_200 = tpu.memref_slice %arg11[%add3A_21, %dma_start3A_199] : memref<10000x128xf32, #tpu.memory_space<vmem_shared>> -> memref<80x128xf32, #tpu.memory_space<vmem_shared>>
      %dma_start3A_201 = arith.constant 0 : i32
      %dma_start3A_202 = arith.constant 0 : i32
      %dma_start3A_203 = tpu.memref_slice %arg9[%dma_start3A_201, %dma_start3A_202] : memref<80x128xf32, #tpu.memory_space<vmem>> -> memref<80x128xf32, #tpu.memory_space<vmem>>
      tpu.enqueue_dma source(%dma_start3A_203 : memref<80x128xf32, #tpu.memory_space<vmem>>) target(%dma_start3A_200 : memref<80x128xf32, #tpu.memory_space<vmem_shared>>) target_semaphore(%run_scoped3A_193 : memref<!tpu.dma_semaphore, #tpu.memory_space<semaphore_mem>>)
      %dma_wait3A_204 = arith.constant 0 : i32
      %dma_wait3A_205 = arith.constant 0 : i32
      %dma_wait3A_206 = tpu.memref_slice %arg9[%dma_wait3A_204, %dma_wait3A_205] : memref<80x128xf32, #tpu.memory_space<vmem>> -> memref<80x128xf32, #tpu.memory_space<vmem>>
      %dma_wait3A_207 = arith.constant 0 : i32
      %dma_wait3A_208 = tpu.memref_slice %arg11[%add3A_21, %dma_wait3A_207] : memref<10000x128xf32, #tpu.memory_space<vmem_shared>> -> memref<80x128xf32, #tpu.memory_space<vmem_shared>>
      %dma_wait3A_209 = arith.constant 0 : i32
      %dma_wait3A_210 = tpu.memref_slice %arg11[%add3A_21, %dma_wait3A_209] : memref<10000x128xf32, #tpu.memory_space<vmem_shared>> -> memref<80x128xf32, #tpu.memory_space<vmem_shared>>
      %dma_wait3A_211 = arith.constant 0 : i32
      %dma_wait3A_212 = arith.constant 0 : i32
      %dma_wait3A_213 = tpu.memref_slice %arg9[%dma_wait3A_211, %dma_wait3A_212] : memref<80x128xf32, #tpu.memory_space<vmem>> -> memref<80x128xf32, #tpu.memory_space<vmem>>
      tpu.wait_dma2 semaphore(%run_scoped3A_193 : memref<!tpu.dma_semaphore, #tpu.memory_space<semaphore_mem>>) src(%dma_wait3A_213 : memref<80x128xf32, #tpu.memory_space<vmem>>) dst(%dma_wait3A_210 : memref<80x128xf32, #tpu.memory_space<vmem_shared>>)
      tpu.yield
    }) : () -> ()
    %mul3A_22 = arith.constant 624 : i32
    %mul3A_23 = arith.muli %arg1, %mul3A_22 : i32
    %add3A_24 = arith.constant 320 : i32
    %add3A_25 = arith.addi %mul3A_23, %add3A_24 : i32
    "tpu.region"() ({
      %run_scoped3A_193 = tpu.sem_alloc : memref<!tpu.dma_semaphore, #tpu.memory_space<semaphore_mem>>
      %dma_start3A_194 = arith.constant 0 : i32
      %dma_start3A_195 = arith.constant 0 : i32
      %dma_start3A_196 = tpu.memref_slice %arg9[%dma_start3A_194, %dma_start3A_195] : memref<80x128xf32, #tpu.memory_space<vmem>> -> memref<80x128xf32, #tpu.memory_space<vmem>>
      %dma_start3A_197 = arith.constant 0 : i32
      %dma_start3A_198 = tpu.memref_slice %arg11[%add3A_25, %dma_start3A_197] : memref<10000x128xf32, #tpu.memory_space<vmem_shared>> -> memref<80x128xf32, #tpu.memory_space<vmem_shared>>
      %dma_start3A_199 = arith.constant 0 : i32
      %dma_start3A_200 = tpu.memref_slice %arg11[%add3A_25, %dma_start3A_199] : memref<10000x128xf32, #tpu.memory_space<vmem_shared>> -> memref<80x128xf32, #tpu.memory_space<vmem_shared>>
      %dma_start3A_201 = arith.constant 0 : i32
      %dma_start3A_202 = arith.constant 0 : i32
      %dma_start3A_203 = tpu.memref_slice %arg9[%dma_start3A_201, %dma_start3A_202] : memref<80x128xf32, #tpu.memory_space<vmem>> -> memref<80x128xf32, #tpu.memory_space<vmem>>
      tpu.enqueue_dma source(%dma_start3A_203 : memref<80x128xf32, #tpu.memory_space<vmem>>) target(%dma_start3A_200 : memref<80x128xf32, #tpu.memory_space<vmem_shared>>) target_semaphore(%run_scoped3A_193 : memref<!tpu.dma_semaphore, #tpu.memory_space<semaphore_mem>>)
      %dma_wait3A_204 = arith.constant 0 : i32
      %dma_wait3A_205 = arith.constant 0 : i32
      %dma_wait3A_206 = tpu.memref_slice %arg9[%dma_wait3A_204, %dma_wait3A_205] : memref<80x128xf32, #tpu.memory_space<vmem>> -> memref<80x128xf32, #tpu.memory_space<vmem>>
      %dma_wait3A_207 = arith.constant 0 : i32
      %dma_wait3A_208 = tpu.memref_slice %arg11[%add3A_25, %dma_wait3A_207] : memref<10000x128xf32, #tpu.memory_space<vmem_shared>> -> memref<80x128xf32, #tpu.memory_space<vmem_shared>>
      %dma_wait3A_209 = arith.constant 0 : i32
      %dma_wait3A_210 = tpu.memref_slice %arg11[%add3A_25, %dma_wait3A_209] : memref<10000x128xf32, #tpu.memory_space<vmem_shared>> -> memref<80x128xf32, #tpu.memory_space<vmem_shared>>
      %dma_wait3A_211 = arith.constant 0 : i32
      %dma_wait3A_212 = arith.constant 0 : i32
      %dma_wait3A_213 = tpu.memref_slice %arg9[%dma_wait3A_211, %dma_wait3A_212] : memref<80x128xf32, #tpu.memory_space<vmem>> -> memref<80x128xf32, #tpu.memory_space<vmem>>
      tpu.wait_dma2 semaphore(%run_scoped3A_193 : memref<!tpu.dma_semaphore, #tpu.memory_space<semaphore_mem>>) src(%dma_wait3A_213 : memref<80x128xf32, #tpu.memory_space<vmem>>) dst(%dma_wait3A_210 : memref<80x128xf32, #tpu.memory_space<vmem_shared>>)
      tpu.yield
    }) : () -> ()
    %mul3A_26 = arith.constant 624 : i32
    %mul3A_27 = arith.muli %arg1, %mul3A_26 : i32
    %add3A_28 = arith.constant 400 : i32
    %add3A_29 = arith.addi %mul3A_27, %add3A_28 : i32
    "tpu.region"() ({
      %run_scoped3A_193 = tpu.sem_alloc : memref<!tpu.dma_semaphore, #tpu.memory_space<semaphore_mem>>
      %dma_start3A_194 = arith.constant 0 : i32
      %dma_start3A_195 = arith.constant 0 : i32
      %dma_start3A_196 = tpu.memref_slice %arg9[%dma_start3A_194, %dma_start3A_195] : memref<80x128xf32, #tpu.memory_space<vmem>> -> memref<80x128xf32, #tpu.memory_space<vmem>>
      %dma_start3A_197 = arith.constant 0 : i32
      %dma_start3A_198 = tpu.memref_slice %arg11[%add3A_29, %dma_start3A_197] : memref<10000x128xf32, #tpu.memory_space<vmem_shared>> -> memref<80x128xf32, #tpu.memory_space<vmem_shared>>
      %dma_start3A_199 = arith.constant 0 : i32
      %dma_start3A_200 = tpu.memref_slice %arg11[%add3A_29, %dma_start3A_199] : memref<10000x128xf32, #tpu.memory_space<vmem_shared>> -> memref<80x128xf32, #tpu.memory_space<vmem_shared>>
      %dma_start3A_201 = arith.constant 0 : i32
      %dma_start3A_202 = arith.constant 0 : i32
      %dma_start3A_203 = tpu.memref_slice %arg9[%dma_start3A_201, %dma_start3A_202] : memref<80x128xf32, #tpu.memory_space<vmem>> -> memref<80x128xf32, #tpu.memory_space<vmem>>
      tpu.enqueue_dma source(%dma_start3A_203 : memref<80x128xf32, #tpu.memory_space<vmem>>) target(%dma_start3A_200 : memref<80x128xf32, #tpu.memory_space<vmem_shared>>) target_semaphore(%run_scoped3A_193 : memref<!tpu.dma_semaphore, #tpu.memory_space<semaphore_mem>>)
      %dma_wait3A_204 = arith.constant 0 : i32
      %dma_wait3A_205 = arith.constant 0 : i32
      %dma_wait3A_206 = tpu.memref_slice %arg9[%dma_wait3A_204, %dma_wait3A_205] : memref<80x128xf32, #tpu.memory_space<vmem>> -> memref<80x128xf32, #tpu.memory_space<vmem>>
      %dma_wait3A_207 = arith.constant 0 : i32
      %dma_wait3A_208 = tpu.memref_slice %arg11[%add3A_29, %dma_wait3A_207] : memref<10000x128xf32, #tpu.memory_space<vmem_shared>> -> memref<80x128xf32, #tpu.memory_space<vmem_shared>>
      %dma_wait3A_209 = arith.constant 0 : i32
      %dma_wait3A_210 = tpu.memref_slice %arg11[%add3A_29, %dma_wait3A_209] : memref<10000x128xf32, #tpu.memory_space<vmem_shared>> -> memref<80x128xf32, #tpu.memory_space<vmem_shared>>
      %dma_wait3A_211 = arith.constant 0 : i32
      %dma_wait3A_212 = arith.constant 0 : i32
      %dma_wait3A_213 = tpu.memref_slice %arg9[%dma_wait3A_211, %dma_wait3A_212] : memref<80x128xf32, #tpu.memory_space<vmem>> -> memref<80x128xf32, #tpu.memory_space<vmem>>
      tpu.wait_dma2 semaphore(%run_scoped3A_193 : memref<!tpu.dma_semaphore, #tpu.memory_space<semaphore_mem>>) src(%dma_wait3A_213 : memref<80x128xf32, #tpu.memory_space<vmem>>) dst(%dma_wait3A_210 : memref<80x128xf32, #tpu.memory_space<vmem_shared>>)
      tpu.yield
    }) : () -> ()
    %mul3A_30 = arith.constant 624 : i32
    %mul3A_31 = arith.muli %arg1, %mul3A_30 : i32
    %add3A_32 = arith.constant 480 : i32
    %add3A_33 = arith.addi %mul3A_31, %add3A_32 : i32
    "tpu.region"() ({
      %run_scoped3A_193 = tpu.sem_alloc : memref<!tpu.dma_semaphore, #tpu.memory_space<semaphore_mem>>
      %dma_start3A_194 = arith.constant 0 : i32
      %dma_start3A_195 = arith.constant 0 : i32
      %dma_start3A_196 = tpu.memref_slice %arg9[%dma_start3A_194, %dma_start3A_195] : memref<80x128xf32, #tpu.memory_space<vmem>> -> memref<80x128xf32, #tpu.memory_space<vmem>>
      %dma_start3A_197 = arith.constant 0 : i32
      %dma_start3A_198 = tpu.memref_slice %arg11[%add3A_33, %dma_start3A_197] : memref<10000x128xf32, #tpu.memory_space<vmem_shared>> -> memref<80x128xf32, #tpu.memory_space<vmem_shared>>
      %dma_start3A_199 = arith.constant 0 : i32
      %dma_start3A_200 = tpu.memref_slice %arg11[%add3A_33, %dma_start3A_199] : memref<10000x128xf32, #tpu.memory_space<vmem_shared>> -> memref<80x128xf32, #tpu.memory_space<vmem_shared>>
      %dma_start3A_201 = arith.constant 0 : i32
      %dma_start3A_202 = arith.constant 0 : i32
      %dma_start3A_203 = tpu.memref_slice %arg9[%dma_start3A_201, %dma_start3A_202] : memref<80x128xf32, #tpu.memory_space<vmem>> -> memref<80x128xf32, #tpu.memory_space<vmem>>
      tpu.enqueue_dma source(%dma_start3A_203 : memref<80x128xf32, #tpu.memory_space<vmem>>) target(%dma_start3A_200 : memref<80x128xf32, #tpu.memory_space<vmem_shared>>) target_semaphore(%run_scoped3A_193 : memref<!tpu.dma_semaphore, #tpu.memory_space<semaphore_mem>>)
      %dma_wait3A_204 = arith.constant 0 : i32
      %dma_wait3A_205 = arith.constant 0 : i32
      %dma_wait3A_206 = tpu.memref_slice %arg9[%dma_wait3A_204, %dma_wait3A_205] : memref<80x128xf32, #tpu.memory_space<vmem>> -> memref<80x128xf32, #tpu.memory_space<vmem>>
      %dma_wait3A_207 = arith.constant 0 : i32
      %dma_wait3A_208 = tpu.memref_slice %arg11[%add3A_33, %dma_wait3A_207] : memref<10000x128xf32, #tpu.memory_space<vmem_shared>> -> memref<80x128xf32, #tpu.memory_space<vmem_shared>>
      %dma_wait3A_209 = arith.constant 0 : i32
      %dma_wait3A_210 = tpu.memref_slice %arg11[%add3A_33, %dma_wait3A_209] : memref<10000x128xf32, #tpu.memory_space<vmem_shared>> -> memref<80x128xf32, #tpu.memory_space<vmem_shared>>
      %dma_wait3A_211 = arith.constant 0 : i32
      %dma_wait3A_212 = arith.constant 0 : i32
      %dma_wait3A_213 = tpu.memref_slice %arg9[%dma_wait3A_211, %dma_wait3A_212] : memref<80x128xf32, #tpu.memory_space<vmem>> -> memref<80x128xf32, #tpu.memory_space<vmem>>
      tpu.wait_dma2 semaphore(%run_scoped3A_193 : memref<!tpu.dma_semaphore, #tpu.memory_space<semaphore_mem>>) src(%dma_wait3A_213 : memref<80x128xf32, #tpu.memory_space<vmem>>) dst(%dma_wait3A_210 : memref<80x128xf32, #tpu.memory_space<vmem_shared>>)
      tpu.yield
    }) : () -> ()
    %mul3A_34 = arith.constant 624 : i32
    %mul3A_35 = arith.muli %arg1, %mul3A_34 : i32
    %add3A_36 = arith.constant 560 : i32
    %add3A_37 = arith.addi %mul3A_35, %add3A_36 : i32
    "tpu.region"() ({
      %run_scoped3A_193 = tpu.sem_alloc : memref<!tpu.dma_semaphore, #tpu.memory_space<semaphore_mem>>
      %dma_start3A_194 = arith.constant 0 : i32
      %dma_start3A_195 = arith.constant 0 : i32
      %dma_start3A_196 = tpu.memref_slice %arg9[%dma_start3A_194, %dma_start3A_195] : memref<80x128xf32, #tpu.memory_space<vmem>> -> memref<64x128xf32, #tpu.memory_space<vmem>>
      %dma_start3A_197 = arith.constant 0 : i32
      %dma_start3A_198 = tpu.memref_slice %arg11[%add3A_37, %dma_start3A_197] : memref<10000x128xf32, #tpu.memory_space<vmem_shared>> -> memref<64x128xf32, #tpu.memory_space<vmem_shared>>
      %dma_start3A_199 = arith.constant 0 : i32
      %dma_start3A_200 = tpu.memref_slice %arg11[%add3A_37, %dma_start3A_199] : memref<10000x128xf32, #tpu.memory_space<vmem_shared>> -> memref<64x128xf32, #tpu.memory_space<vmem_shared>>
      %dma_start3A_201 = arith.constant 0 : i32
      %dma_start3A_202 = arith.constant 0 : i32
      %dma_start3A_203 = tpu.memref_slice %arg9[%dma_start3A_201, %dma_start3A_202] : memref<80x128xf32, #tpu.memory_space<vmem>> -> memref<64x128xf32, #tpu.memory_space<vmem>>
      tpu.enqueue_dma source(%dma_start3A_203 : memref<64x128xf32, #tpu.memory_space<vmem>>) target(%dma_start3A_200 : memref<64x128xf32, #tpu.memory_space<vmem_shared>>) target_semaphore(%run_scoped3A_193 : memref<!tpu.dma_semaphore, #tpu.memory_space<semaphore_mem>>)
      %dma_wait3A_204 = arith.constant 0 : i32
      %dma_wait3A_205 = arith.constant 0 : i32
      %dma_wait3A_206 = tpu.memref_slice %arg9[%dma_wait3A_204, %dma_wait3A_205] : memref<80x128xf32, #tpu.memory_space<vmem>> -> memref<64x128xf32, #tpu.memory_space<vmem>>
      %dma_wait3A_207 = arith.constant 0 : i32
      %dma_wait3A_208 = tpu.memref_slice %arg11[%add3A_37, %dma_wait3A_207] : memref<10000x128xf32, #tpu.memory_space<vmem_shared>> -> memref<64x128xf32, #tpu.memory_space<vmem_shared>>
      %dma_wait3A_209 = arith.constant 0 : i32
      %dma_wait3A_210 = tpu.memref_slice %arg11[%add3A_37, %dma_wait3A_209] : memref<10000x128xf32, #tpu.memory_space<vmem_shared>> -> memref<64x128xf32, #tpu.memory_space<vmem_shared>>
      %dma_wait3A_211 = arith.constant 0 : i32
      %dma_wait3A_212 = arith.constant 0 : i32
      %dma_wait3A_213 = tpu.memref_slice %arg9[%dma_wait3A_211, %dma_wait3A_212] : memref<80x128xf32, #tpu.memory_space<vmem>> -> memref<64x128xf32, #tpu.memory_space<vmem>>
      tpu.wait_dma2 semaphore(%run_scoped3A_193 : memref<!tpu.dma_semaphore, #tpu.memory_space<semaphore_mem>>) src(%dma_wait3A_213 : memref<64x128xf32, #tpu.memory_space<vmem>>) dst(%dma_wait3A_210 : memref<64x128xf32, #tpu.memory_space<vmem_shared>>)
      tpu.yield
    }) : () -> ()
    %eq3A = arith.constant 0 : i32
    %eq3A_38 = arith.cmpi eq, %arg1, %eq3A : i32
    %convert_element_type3A = arith.extui %eq3A_38 : i1 to i32
    %cond3A = arith.constant 0 : i32
    %cond3A_39 = arith.cmpi ne, %convert_element_type3A, %cond3A : i32
    scf.if %cond3A_39 {
      "tpu.region"() ({
        %run_scoped3A_193 = tpu.sem_alloc : memref<!tpu.dma_semaphore, #tpu.memory_space<semaphore_mem>>
        %dma_start3A_194 = arith.constant 0 : i32
        %dma_start3A_195 = arith.constant 0 : i32
        %dma_start3A_196 = tpu.memref_slice %arg9[%dma_start3A_194, %dma_start3A_195] : memref<80x128xf32, #tpu.memory_space<vmem>> -> memref<16x128xf32, #tpu.memory_space<vmem>>
        %dma_start3A_197 = arith.constant 9984 : i32
        %dma_start3A_198 = arith.constant 0 : i32
        %dma_start3A_199 = tpu.memref_slice %arg11[%dma_start3A_197, %dma_start3A_198] : memref<10000x128xf32, #tpu.memory_space<vmem_shared>> -> memref<16x128xf32, #tpu.memory_space<vmem_shared>>
        %dma_start3A_200 = arith.constant 9984 : i32
        %dma_start3A_201 = arith.constant 0 : i32
        %dma_start3A_202 = tpu.memref_slice %arg11[%dma_start3A_200, %dma_start3A_201] : memref<10000x128xf32, #tpu.memory_space<vmem_shared>> -> memref<16x128xf32, #tpu.memory_space<vmem_shared>>
        %dma_start3A_203 = arith.constant 0 : i32
        %dma_start3A_204 = arith.constant 0 : i32
        %dma_start3A_205 = tpu.memref_slice %arg9[%dma_start3A_203, %dma_start3A_204] : memref<80x128xf32, #tpu.memory_space<vmem>> -> memref<16x128xf32, #tpu.memory_space<vmem>>
        tpu.enqueue_dma source(%dma_start3A_205 : memref<16x128xf32, #tpu.memory_space<vmem>>) target(%dma_start3A_202 : memref<16x128xf32, #tpu.memory_space<vmem_shared>>) target_semaphore(%run_scoped3A_193 : memref<!tpu.dma_semaphore, #tpu.memory_space<semaphore_mem>>)
        %dma_wait3A_206 = arith.constant 0 : i32
        %dma_wait3A_207 = arith.constant 0 : i32
        %dma_wait3A_208 = tpu.memref_slice %arg9[%dma_wait3A_206, %dma_wait3A_207] : memref<80x128xf32, #tpu.memory_space<vmem>> -> memref<16x128xf32, #tpu.memory_space<vmem>>
        %dma_wait3A_209 = arith.constant 9984 : i32
        %dma_wait3A_210 = arith.constant 0 : i32
        %dma_wait3A_211 = tpu.memref_slice %arg11[%dma_wait3A_209, %dma_wait3A_210] : memref<10000x128xf32, #tpu.memory_space<vmem_shared>> -> memref<16x128xf32, #tpu.memory_space<vmem_shared>>
        %dma_wait3A_212 = arith.constant 9984 : i32
        %dma_wait3A_213 = arith.constant 0 : i32
        %dma_wait3A_214 = tpu.memref_slice %arg11[%dma_wait3A_212, %dma_wait3A_213] : memref<10000x128xf32, #tpu.memory_space<vmem_shared>> -> memref<16x128xf32, #tpu.memory_space<vmem_shared>>
        %dma_wait3A_215 = arith.constant 0 : i32
        %dma_wait3A_216 = arith.constant 0 : i32
        %dma_wait3A_217 = tpu.memref_slice %arg9[%dma_wait3A_215, %dma_wait3A_216] : memref<80x128xf32, #tpu.memory_space<vmem>> -> memref<16x128xf32, #tpu.memory_space<vmem>>
        tpu.wait_dma2 semaphore(%run_scoped3A_193 : memref<!tpu.dma_semaphore, #tpu.memory_space<semaphore_mem>>) src(%dma_wait3A_217 : memref<16x128xf32, #tpu.memory_space<vmem>>) dst(%dma_wait3A_214 : memref<16x128xf32, #tpu.memory_space<vmem_shared>>)
        tpu.yield
      }) : () -> ()
    } else {
    }
    %scan3A_40 = arith.constant 0 : i32
    %scan3A_41 = arith.constant 80 : i32
    %scan3A_42 = arith.addi %scan3A_40, %scan3A_41 : i32
    %scan3A_43 = arith.constant 1 : i32
    scf.for %scan3A_193 = %scan3A_40 to %scan3A_42 step %scan3A_43  : i32 {
      %swap3A = arith.index_cast %scan3A_193 : i32 to index
      %swap3A_194 = arith.constant 0 : index
      %swap3A_195 = tpu.vector_load %arg16[%swap3A, %swap3A_194] {strides = array<i32>} : memref<80x16xf32, #tpu.memory_space<vmem>>, vector<16xf32>,
      tpu.vector_store %arg16[%swap3A, %swap3A_194], %broadcast_in_dim3A_1 {strides = array<i32>} : memref<80x16xf32, #tpu.memory_space<vmem>>, vector<16xf32>,
    }
    %scan3A_44 = arith.constant 80 : i32
    %mul3A_45 = arith.constant 624 : i32
    %mul3A_46 = arith.muli %arg1, %mul3A_45 : i32
    %add3A_47 = arith.constant 0 : i32
    %add3A_48 = arith.addi %mul3A_46, %add3A_47 : i32
    "tpu.region"() ({
      %run_scoped3A_193 = tpu.sem_alloc : memref<!tpu.dma_semaphore, #tpu.memory_space<semaphore_mem>>
      %dma_start3A_194 = arith.constant 0 : i32
      %dma_start3A_195 = arith.constant 0 : i32
      %dma_start3A_196 = tpu.memref_slice %arg16[%dma_start3A_194, %dma_start3A_195] : memref<80x16xf32, #tpu.memory_space<vmem>> -> memref<80x16xf32, #tpu.memory_space<vmem>>
      %dma_start3A_197 = arith.constant 0 : i32
      %dma_start3A_198 = tpu.memref_slice %arg17[%add3A_48, %dma_start3A_197] : memref<10000x16xf32, #tpu.memory_space<vmem_shared>> -> memref<80x16xf32, #tpu.memory_space<vmem_shared>>
      %dma_start3A_199 = arith.constant 0 : i32
      %dma_start3A_200 = tpu.memref_slice %arg17[%add3A_48, %dma_start3A_199] : memref<10000x16xf32, #tpu.memory_space<vmem_shared>> -> memref<80x16xf32, #tpu.memory_space<vmem_shared>>
      %dma_start3A_201 = arith.constant 0 : i32
      %dma_start3A_202 = arith.constant 0 : i32
      %dma_start3A_203 = tpu.memref_slice %arg16[%dma_start3A_201, %dma_start3A_202] : memref<80x16xf32, #tpu.memory_space<vmem>> -> memref<80x16xf32, #tpu.memory_space<vmem>>
      tpu.enqueue_dma source(%dma_start3A_203 : memref<80x16xf32, #tpu.memory_space<vmem>>) target(%dma_start3A_200 : memref<80x16xf32, #tpu.memory_space<vmem_shared>>) target_semaphore(%run_scoped3A_193 : memref<!tpu.dma_semaphore, #tpu.memory_space<semaphore_mem>>)
      %dma_wait3A_204 = arith.constant 0 : i32
      %dma_wait3A_205 = arith.constant 0 : i32
      %dma_wait3A_206 = tpu.memref_slice %arg16[%dma_wait3A_204, %dma_wait3A_205] : memref<80x16xf32, #tpu.memory_space<vmem>> -> memref<80x16xf32, #tpu.memory_space<vmem>>
      %dma_wait3A_207 = arith.constant 0 : i32
      %dma_wait3A_208 = tpu.memref_slice %arg17[%add3A_48, %dma_wait3A_207] : memref<10000x16xf32, #tpu.memory_space<vmem_shared>> -> memref<80x16xf32, #tpu.memory_space<vmem_shared>>
      %dma_wait3A_209 = arith.constant 0 : i32
      %dma_wait3A_210 = tpu.memref_slice %arg17[%add3A_48, %dma_wait3A_209] : memref<10000x16xf32, #tpu.memory_space<vmem_shared>> -> memref<80x16xf32, #tpu.memory_space<vmem_shared>>
      %dma_wait3A_211 = arith.constant 0 : i32
      %dma_wait3A_212 = arith.constant 0 : i32
      %dma_wait3A_213 = tpu.memref_slice %arg16[%dma_wait3A_211, %dma_wait3A_212] : memref<80x16xf32, #tpu.memory_space<vmem>> -> memref<80x16xf32, #tpu.memory_space<vmem>>
      tpu.wait_dma2 semaphore(%run_scoped3A_193 : memref<!tpu.dma_semaphore, #tpu.memory_space<semaphore_mem>>) src(%dma_wait3A_213 : memref<80x16xf32, #tpu.memory_space<vmem>>) dst(%dma_wait3A_210 : memref<80x16xf32, #tpu.memory_space<vmem_shared>>)
      tpu.yield
    }) : () -> ()
    %mul3A_49 = arith.constant 624 : i32
    %mul3A_50 = arith.muli %arg1, %mul3A_49 : i32
    %add3A_51 = arith.constant 80 : i32
    %add3A_52 = arith.addi %mul3A_50, %add3A_51 : i32
    "tpu.region"() ({
      %run_scoped3A_193 = tpu.sem_alloc : memref<!tpu.dma_semaphore, #tpu.memory_space<semaphore_mem>>
      %dma_start3A_194 = arith.constant 0 : i32
      %dma_start3A_195 = arith.constant 0 : i32
      %dma_start3A_196 = tpu.memref_slice %arg16[%dma_start3A_194, %dma_start3A_195] : memref<80x16xf32, #tpu.memory_space<vmem>> -> memref<80x16xf32, #tpu.memory_space<vmem>>
      %dma_start3A_197 = arith.constant 0 : i32
      %dma_start3A_198 = tpu.memref_slice %arg17[%add3A_52, %dma_start3A_197] : memref<10000x16xf32, #tpu.memory_space<vmem_shared>> -> memref<80x16xf32, #tpu.memory_space<vmem_shared>>
      %dma_start3A_199 = arith.constant 0 : i32
      %dma_start3A_200 = tpu.memref_slice %arg17[%add3A_52, %dma_start3A_199] : memref<10000x16xf32, #tpu.memory_space<vmem_shared>> -> memref<80x16xf32, #tpu.memory_space<vmem_shared>>
      %dma_start3A_201 = arith.constant 0 : i32
      %dma_start3A_202 = arith.constant 0 : i32
      %dma_start3A_203 = tpu.memref_slice %arg16[%dma_start3A_201, %dma_start3A_202] : memref<80x16xf32, #tpu.memory_space<vmem>> -> memref<80x16xf32, #tpu.memory_space<vmem>>
      tpu.enqueue_dma source(%dma_start3A_203 : memref<80x16xf32, #tpu.memory_space<vmem>>) target(%dma_start3A_200 : memref<80x16xf32, #tpu.memory_space<vmem_shared>>) target_semaphore(%run_scoped3A_193 : memref<!tpu.dma_semaphore, #tpu.memory_space<semaphore_mem>>)
      %dma_wait3A_204 = arith.constant 0 : i32
      %dma_wait3A_205 = arith.constant 0 : i32
      %dma_wait3A_206 = tpu.memref_slice %arg16[%dma_wait3A_204, %dma_wait3A_205] : memref<80x16xf32, #tpu.memory_space<vmem>> -> memref<80x16xf32, #tpu.memory_space<vmem>>
      %dma_wait3A_207 = arith.constant 0 : i32
      %dma_wait3A_208 = tpu.memref_slice %arg17[%add3A_52, %dma_wait3A_207] : memref<10000x16xf32, #tpu.memory_space<vmem_shared>> -> memref<80x16xf32, #tpu.memory_space<vmem_shared>>
      %dma_wait3A_209 = arith.constant 0 : i32
      %dma_wait3A_210 = tpu.memref_slice %arg17[%add3A_52, %dma_wait3A_209] : memref<10000x16xf32, #tpu.memory_space<vmem_shared>> -> memref<80x16xf32, #tpu.memory_space<vmem_shared>>
      %dma_wait3A_211 = arith.constant 0 : i32
      %dma_wait3A_212 = arith.constant 0 : i32
      %dma_wait3A_213 = tpu.memref_slice %arg16[%dma_wait3A_211, %dma_wait3A_212] : memref<80x16xf32, #tpu.memory_space<vmem>> -> memref<80x16xf32, #tpu.memory_space<vmem>>
      tpu.wait_dma2 semaphore(%run_scoped3A_193 : memref<!tpu.dma_semaphore, #tpu.memory_space<semaphore_mem>>) src(%dma_wait3A_213 : memref<80x16xf32, #tpu.memory_space<vmem>>) dst(%dma_wait3A_210 : memref<80x16xf32, #tpu.memory_space<vmem_shared>>)
      tpu.yield
    }) : () -> ()
    %mul3A_53 = arith.constant 624 : i32
    %mul3A_54 = arith.muli %arg1, %mul3A_53 : i32
    %add3A_55 = arith.constant 160 : i32
    %add3A_56 = arith.addi %mul3A_54, %add3A_55 : i32
    "tpu.region"() ({
      %run_scoped3A_193 = tpu.sem_alloc : memref<!tpu.dma_semaphore, #tpu.memory_space<semaphore_mem>>
      %dma_start3A_194 = arith.constant 0 : i32
      %dma_start3A_195 = arith.constant 0 : i32
      %dma_start3A_196 = tpu.memref_slice %arg16[%dma_start3A_194, %dma_start3A_195] : memref<80x16xf32, #tpu.memory_space<vmem>> -> memref<80x16xf32, #tpu.memory_space<vmem>>
      %dma_start3A_197 = arith.constant 0 : i32
      %dma_start3A_198 = tpu.memref_slice %arg17[%add3A_56, %dma_start3A_197] : memref<10000x16xf32, #tpu.memory_space<vmem_shared>> -> memref<80x16xf32, #tpu.memory_space<vmem_shared>>
      %dma_start3A_199 = arith.constant 0 : i32
      %dma_start3A_200 = tpu.memref_slice %arg17[%add3A_56, %dma_start3A_199] : memref<10000x16xf32, #tpu.memory_space<vmem_shared>> -> memref<80x16xf32, #tpu.memory_space<vmem_shared>>
      %dma_start3A_201 = arith.constant 0 : i32
      %dma_start3A_202 = arith.constant 0 : i32
      %dma_start3A_203 = tpu.memref_slice %arg16[%dma_start3A_201, %dma_start3A_202] : memref<80x16xf32, #tpu.memory_space<vmem>> -> memref<80x16xf32, #tpu.memory_space<vmem>>
      tpu.enqueue_dma source(%dma_start3A_203 : memref<80x16xf32, #tpu.memory_space<vmem>>) target(%dma_start3A_200 : memref<80x16xf32, #tpu.memory_space<vmem_shared>>) target_semaphore(%run_scoped3A_193 : memref<!tpu.dma_semaphore, #tpu.memory_space<semaphore_mem>>)
      %dma_wait3A_204 = arith.constant 0 : i32
      %dma_wait3A_205 = arith.constant 0 : i32
      %dma_wait3A_206 = tpu.memref_slice %arg16[%dma_wait3A_204, %dma_wait3A_205] : memref<80x16xf32, #tpu.memory_space<vmem>> -> memref<80x16xf32, #tpu.memory_space<vmem>>
      %dma_wait3A_207 = arith.constant 0 : i32
      %dma_wait3A_208 = tpu.memref_slice %arg17[%add3A_56, %dma_wait3A_207] : memref<10000x16xf32, #tpu.memory_space<vmem_shared>> -> memref<80x16xf32, #tpu.memory_space<vmem_shared>>
      %dma_wait3A_209 = arith.constant 0 : i32
      %dma_wait3A_210 = tpu.memref_slice %arg17[%add3A_56, %dma_wait3A_209] : memref<10000x16xf32, #tpu.memory_space<vmem_shared>> -> memref<80x16xf32, #tpu.memory_space<vmem_shared>>
      %dma_wait3A_211 = arith.constant 0 : i32
      %dma_wait3A_212 = arith.constant 0 : i32
      %dma_wait3A_213 = tpu.memref_slice %arg16[%dma_wait3A_211, %dma_wait3A_212] : memref<80x16xf32, #tpu.memory_space<vmem>> -> memref<80x16xf32, #tpu.memory_space<vmem>>
      tpu.wait_dma2 semaphore(%run_scoped3A_193 : memref<!tpu.dma_semaphore, #tpu.memory_space<semaphore_mem>>) src(%dma_wait3A_213 : memref<80x16xf32, #tpu.memory_space<vmem>>) dst(%dma_wait3A_210 : memref<80x16xf32, #tpu.memory_space<vmem_shared>>)
      tpu.yield
    }) : () -> ()
    %mul3A_57 = arith.constant 624 : i32
    %mul3A_58 = arith.muli %arg1, %mul3A_57 : i32
    %add3A_59 = arith.constant 240 : i32
    %add3A_60 = arith.addi %mul3A_58, %add3A_59 : i32
    "tpu.region"() ({
      %run_scoped3A_193 = tpu.sem_alloc : memref<!tpu.dma_semaphore, #tpu.memory_space<semaphore_mem>>
      %dma_start3A_194 = arith.constant 0 : i32
      %dma_start3A_195 = arith.constant 0 : i32
      %dma_start3A_196 = tpu.memref_slice %arg16[%dma_start3A_194, %dma_start3A_195] : memref<80x16xf32, #tpu.memory_space<vmem>> -> memref<80x16xf32, #tpu.memory_space<vmem>>
      %dma_start3A_197 = arith.constant 0 : i32
      %dma_start3A_198 = tpu.memref_slice %arg17[%add3A_60, %dma_start3A_197] : memref<10000x16xf32, #tpu.memory_space<vmem_shared>> -> memref<80x16xf32, #tpu.memory_space<vmem_shared>>
      %dma_start3A_199 = arith.constant 0 : i32
      %dma_start3A_200 = tpu.memref_slice %arg17[%add3A_60, %dma_start3A_199] : memref<10000x16xf32, #tpu.memory_space<vmem_shared>> -> memref<80x16xf32, #tpu.memory_space<vmem_shared>>
      %dma_start3A_201 = arith.constant 0 : i32
      %dma_start3A_202 = arith.constant 0 : i32
      %dma_start3A_203 = tpu.memref_slice %arg16[%dma_start3A_201, %dma_start3A_202] : memref<80x16xf32, #tpu.memory_space<vmem>> -> memref<80x16xf32, #tpu.memory_space<vmem>>
      tpu.enqueue_dma source(%dma_start3A_203 : memref<80x16xf32, #tpu.memory_space<vmem>>) target(%dma_start3A_200 : memref<80x16xf32, #tpu.memory_space<vmem_shared>>) target_semaphore(%run_scoped3A_193 : memref<!tpu.dma_semaphore, #tpu.memory_space<semaphore_mem>>)
      %dma_wait3A_204 = arith.constant 0 : i32
      %dma_wait3A_205 = arith.constant 0 : i32
      %dma_wait3A_206 = tpu.memref_slice %arg16[%dma_wait3A_204, %dma_wait3A_205] : memref<80x16xf32, #tpu.memory_space<vmem>> -> memref<80x16xf32, #tpu.memory_space<vmem>>
      %dma_wait3A_207 = arith.constant 0 : i32
      %dma_wait3A_208 = tpu.memref_slice %arg17[%add3A_60, %dma_wait3A_207] : memref<10000x16xf32, #tpu.memory_space<vmem_shared>> -> memref<80x16xf32, #tpu.memory_space<vmem_shared>>
      %dma_wait3A_209 = arith.constant 0 : i32
      %dma_wait3A_210 = tpu.memref_slice %arg17[%add3A_60, %dma_wait3A_209] : memref<10000x16xf32, #tpu.memory_space<vmem_shared>> -> memref<80x16xf32, #tpu.memory_space<vmem_shared>>
      %dma_wait3A_211 = arith.constant 0 : i32
      %dma_wait3A_212 = arith.constant 0 : i32
      %dma_wait3A_213 = tpu.memref_slice %arg16[%dma_wait3A_211, %dma_wait3A_212] : memref<80x16xf32, #tpu.memory_space<vmem>> -> memref<80x16xf32, #tpu.memory_space<vmem>>
      tpu.wait_dma2 semaphore(%run_scoped3A_193 : memref<!tpu.dma_semaphore, #tpu.memory_space<semaphore_mem>>) src(%dma_wait3A_213 : memref<80x16xf32, #tpu.memory_space<vmem>>) dst(%dma_wait3A_210 : memref<80x16xf32, #tpu.memory_space<vmem_shared>>)
      tpu.yield
    }) : () -> ()
    %mul3A_61 = arith.constant 624 : i32
    %mul3A_62 = arith.muli %arg1, %mul3A_61 : i32
    %add3A_63 = arith.constant 320 : i32
    %add3A_64 = arith.addi %mul3A_62, %add3A_63 : i32
    "tpu.region"() ({
      %run_scoped3A_193 = tpu.sem_alloc : memref<!tpu.dma_semaphore, #tpu.memory_space<semaphore_mem>>
      %dma_start3A_194 = arith.constant 0 : i32
      %dma_start3A_195 = arith.constant 0 : i32
      %dma_start3A_196 = tpu.memref_slice %arg16[%dma_start3A_194, %dma_start3A_195] : memref<80x16xf32, #tpu.memory_space<vmem>> -> memref<80x16xf32, #tpu.memory_space<vmem>>
      %dma_start3A_197 = arith.constant 0 : i32
      %dma_start3A_198 = tpu.memref_slice %arg17[%add3A_64, %dma_start3A_197] : memref<10000x16xf32, #tpu.memory_space<vmem_shared>> -> memref<80x16xf32, #tpu.memory_space<vmem_shared>>
      %dma_start3A_199 = arith.constant 0 : i32
      %dma_start3A_200 = tpu.memref_slice %arg17[%add3A_64, %dma_start3A_199] : memref<10000x16xf32, #tpu.memory_space<vmem_shared>> -> memref<80x16xf32, #tpu.memory_space<vmem_shared>>
      %dma_start3A_201 = arith.constant 0 : i32
      %dma_start3A_202 = arith.constant 0 : i32
      %dma_start3A_203 = tpu.memref_slice %arg16[%dma_start3A_201, %dma_start3A_202] : memref<80x16xf32, #tpu.memory_space<vmem>> -> memref<80x16xf32, #tpu.memory_space<vmem>>
      tpu.enqueue_dma source(%dma_start3A_203 : memref<80x16xf32, #tpu.memory_space<vmem>>) target(%dma_start3A_200 : memref<80x16xf32, #tpu.memory_space<vmem_shared>>) target_semaphore(%run_scoped3A_193 : memref<!tpu.dma_semaphore, #tpu.memory_space<semaphore_mem>>)
      %dma_wait3A_204 = arith.constant 0 : i32
      %dma_wait3A_205 = arith.constant 0 : i32
      %dma_wait3A_206 = tpu.memref_slice %arg16[%dma_wait3A_204, %dma_wait3A_205] : memref<80x16xf32, #tpu.memory_space<vmem>> -> memref<80x16xf32, #tpu.memory_space<vmem>>
      %dma_wait3A_207 = arith.constant 0 : i32
      %dma_wait3A_208 = tpu.memref_slice %arg17[%add3A_64, %dma_wait3A_207] : memref<10000x16xf32, #tpu.memory_space<vmem_shared>> -> memref<80x16xf32, #tpu.memory_space<vmem_shared>>
      %dma_wait3A_209 = arith.constant 0 : i32
      %dma_wait3A_210 = tpu.memref_slice %arg17[%add3A_64, %dma_wait3A_209] : memref<10000x16xf32, #tpu.memory_space<vmem_shared>> -> memref<80x16xf32, #tpu.memory_space<vmem_shared>>
      %dma_wait3A_211 = arith.constant 0 : i32
      %dma_wait3A_212 = arith.constant 0 : i32
      %dma_wait3A_213 = tpu.memref_slice %arg16[%dma_wait3A_211, %dma_wait3A_212] : memref<80x16xf32, #tpu.memory_space<vmem>> -> memref<80x16xf32, #tpu.memory_space<vmem>>
      tpu.wait_dma2 semaphore(%run_scoped3A_193 : memref<!tpu.dma_semaphore, #tpu.memory_space<semaphore_mem>>) src(%dma_wait3A_213 : memref<80x16xf32, #tpu.memory_space<vmem>>) dst(%dma_wait3A_210 : memref<80x16xf32, #tpu.memory_space<vmem_shared>>)
      tpu.yield
    }) : () -> ()
    %mul3A_65 = arith.constant 624 : i32
    %mul3A_66 = arith.muli %arg1, %mul3A_65 : i32
    %add3A_67 = arith.constant 400 : i32
    %add3A_68 = arith.addi %mul3A_66, %add3A_67 : i32
    "tpu.region"() ({
      %run_scoped3A_193 = tpu.sem_alloc : memref<!tpu.dma_semaphore, #tpu.memory_space<semaphore_mem>>
      %dma_start3A_194 = arith.constant 0 : i32
      %dma_start3A_195 = arith.constant 0 : i32
      %dma_start3A_196 = tpu.memref_slice %arg16[%dma_start3A_194, %dma_start3A_195] : memref<80x16xf32, #tpu.memory_space<vmem>> -> memref<80x16xf32, #tpu.memory_space<vmem>>
      %dma_start3A_197 = arith.constant 0 : i32
      %dma_start3A_198 = tpu.memref_slice %arg17[%add3A_68, %dma_start3A_197] : memref<10000x16xf32, #tpu.memory_space<vmem_shared>> -> memref<80x16xf32, #tpu.memory_space<vmem_shared>>
      %dma_start3A_199 = arith.constant 0 : i32
      %dma_start3A_200 = tpu.memref_slice %arg17[%add3A_68, %dma_start3A_199] : memref<10000x16xf32, #tpu.memory_space<vmem_shared>> -> memref<80x16xf32, #tpu.memory_space<vmem_shared>>
      %dma_start3A_201 = arith.constant 0 : i32
      %dma_start3A_202 = arith.constant 0 : i32
      %dma_start3A_203 = tpu.memref_slice %arg16[%dma_start3A_201, %dma_start3A_202] : memref<80x16xf32, #tpu.memory_space<vmem>> -> memref<80x16xf32, #tpu.memory_space<vmem>>
      tpu.enqueue_dma source(%dma_start3A_203 : memref<80x16xf32, #tpu.memory_space<vmem>>) target(%dma_start3A_200 : memref<80x16xf32, #tpu.memory_space<vmem_shared>>) target_semaphore(%run_scoped3A_193 : memref<!tpu.dma_semaphore, #tpu.memory_space<semaphore_mem>>)
      %dma_wait3A_204 = arith.constant 0 : i32
      %dma_wait3A_205 = arith.constant 0 : i32
      %dma_wait3A_206 = tpu.memref_slice %arg16[%dma_wait3A_204, %dma_wait3A_205] : memref<80x16xf32, #tpu.memory_space<vmem>> -> memref<80x16xf32, #tpu.memory_space<vmem>>
      %dma_wait3A_207 = arith.constant 0 : i32
      %dma_wait3A_208 = tpu.memref_slice %arg17[%add3A_68, %dma_wait3A_207] : memref<10000x16xf32, #tpu.memory_space<vmem_shared>> -> memref<80x16xf32, #tpu.memory_space<vmem_shared>>
      %dma_wait3A_209 = arith.constant 0 : i32
      %dma_wait3A_210 = tpu.memref_slice %arg17[%add3A_68, %dma_wait3A_209] : memref<10000x16xf32, #tpu.memory_space<vmem_shared>> -> memref<80x16xf32, #tpu.memory_space<vmem_shared>>
      %dma_wait3A_211 = arith.constant 0 : i32
      %dma_wait3A_212 = arith.constant 0 : i32
      %dma_wait3A_213 = tpu.memref_slice %arg16[%dma_wait3A_211, %dma_wait3A_212] : memref<80x16xf32, #tpu.memory_space<vmem>> -> memref<80x16xf32, #tpu.memory_space<vmem>>
      tpu.wait_dma2 semaphore(%run_scoped3A_193 : memref<!tpu.dma_semaphore, #tpu.memory_space<semaphore_mem>>) src(%dma_wait3A_213 : memref<80x16xf32, #tpu.memory_space<vmem>>) dst(%dma_wait3A_210 : memref<80x16xf32, #tpu.memory_space<vmem_shared>>)
      tpu.yield
    }) : () -> ()
    %mul3A_69 = arith.constant 624 : i32
    %mul3A_70 = arith.muli %arg1, %mul3A_69 : i32
    %add3A_71 = arith.constant 480 : i32
    %add3A_72 = arith.addi %mul3A_70, %add3A_71 : i32
    "tpu.region"() ({
      %run_scoped3A_193 = tpu.sem_alloc : memref<!tpu.dma_semaphore, #tpu.memory_space<semaphore_mem>>
      %dma_start3A_194 = arith.constant 0 : i32
      %dma_start3A_195 = arith.constant 0 : i32
      %dma_start3A_196 = tpu.memref_slice %arg16[%dma_start3A_194, %dma_start3A_195] : memref<80x16xf32, #tpu.memory_space<vmem>> -> memref<80x16xf32, #tpu.memory_space<vmem>>
      %dma_start3A_197 = arith.constant 0 : i32
      %dma_start3A_198 = tpu.memref_slice %arg17[%add3A_72, %dma_start3A_197] : memref<10000x16xf32, #tpu.memory_space<vmem_shared>> -> memref<80x16xf32, #tpu.memory_space<vmem_shared>>
      %dma_start3A_199 = arith.constant 0 : i32
      %dma_start3A_200 = tpu.memref_slice %arg17[%add3A_72, %dma_start3A_199] : memref<10000x16xf32, #tpu.memory_space<vmem_shared>> -> memref<80x16xf32, #tpu.memory_space<vmem_shared>>
      %dma_start3A_201 = arith.constant 0 : i32
      %dma_start3A_202 = arith.constant 0 : i32
      %dma_start3A_203 = tpu.memref_slice %arg16[%dma_start3A_201, %dma_start3A_202] : memref<80x16xf32, #tpu.memory_space<vmem>> -> memref<80x16xf32, #tpu.memory_space<vmem>>
      tpu.enqueue_dma source(%dma_start3A_203 : memref<80x16xf32, #tpu.memory_space<vmem>>) target(%dma_start3A_200 : memref<80x16xf32, #tpu.memory_space<vmem_shared>>) target_semaphore(%run_scoped3A_193 : memref<!tpu.dma_semaphore, #tpu.memory_space<semaphore_mem>>)
      %dma_wait3A_204 = arith.constant 0 : i32
      %dma_wait3A_205 = arith.constant 0 : i32
      %dma_wait3A_206 = tpu.memref_slice %arg16[%dma_wait3A_204, %dma_wait3A_205] : memref<80x16xf32, #tpu.memory_space<vmem>> -> memref<80x16xf32, #tpu.memory_space<vmem>>
      %dma_wait3A_207 = arith.constant 0 : i32
      %dma_wait3A_208 = tpu.memref_slice %arg17[%add3A_72, %dma_wait3A_207] : memref<10000x16xf32, #tpu.memory_space<vmem_shared>> -> memref<80x16xf32, #tpu.memory_space<vmem_shared>>
      %dma_wait3A_209 = arith.constant 0 : i32
      %dma_wait3A_210 = tpu.memref_slice %arg17[%add3A_72, %dma_wait3A_209] : memref<10000x16xf32, #tpu.memory_space<vmem_shared>> -> memref<80x16xf32, #tpu.memory_space<vmem_shared>>
      %dma_wait3A_211 = arith.constant 0 : i32
      %dma_wait3A_212 = arith.constant 0 : i32
      %dma_wait3A_213 = tpu.memref_slice %arg16[%dma_wait3A_211, %dma_wait3A_212] : memref<80x16xf32, #tpu.memory_space<vmem>> -> memref<80x16xf32, #tpu.memory_space<vmem>>
      tpu.wait_dma2 semaphore(%run_scoped3A_193 : memref<!tpu.dma_semaphore, #tpu.memory_space<semaphore_mem>>) src(%dma_wait3A_213 : memref<80x16xf32, #tpu.memory_space<vmem>>) dst(%dma_wait3A_210 : memref<80x16xf32, #tpu.memory_space<vmem_shared>>)
      tpu.yield
    }) : () -> ()
    %mul3A_73 = arith.constant 624 : i32
    %mul3A_74 = arith.muli %arg1, %mul3A_73 : i32
    %add3A_75 = arith.constant 560 : i32
    %add3A_76 = arith.addi %mul3A_74, %add3A_75 : i32
    "tpu.region"() ({
      %run_scoped3A_193 = tpu.sem_alloc : memref<!tpu.dma_semaphore, #tpu.memory_space<semaphore_mem>>
      %dma_start3A_194 = arith.constant 0 : i32
      %dma_start3A_195 = arith.constant 0 : i32
      %dma_start3A_196 = tpu.memref_slice %arg16[%dma_start3A_194, %dma_start3A_195] : memref<80x16xf32, #tpu.memory_space<vmem>> -> memref<64x16xf32, #tpu.memory_space<vmem>>
      %dma_start3A_197 = arith.constant 0 : i32
      %dma_start3A_198 = tpu.memref_slice %arg17[%add3A_76, %dma_start3A_197] : memref<10000x16xf32, #tpu.memory_space<vmem_shared>> -> memref<64x16xf32, #tpu.memory_space<vmem_shared>>
      %dma_start3A_199 = arith.constant 0 : i32
      %dma_start3A_200 = tpu.memref_slice %arg17[%add3A_76, %dma_start3A_199] : memref<10000x16xf32, #tpu.memory_space<vmem_shared>> -> memref<64x16xf32, #tpu.memory_space<vmem_shared>>
      %dma_start3A_201 = arith.constant 0 : i32
      %dma_start3A_202 = arith.constant 0 : i32
      %dma_start3A_203 = tpu.memref_slice %arg16[%dma_start3A_201, %dma_start3A_202] : memref<80x16xf32, #tpu.memory_space<vmem>> -> memref<64x16xf32, #tpu.memory_space<vmem>>
      tpu.enqueue_dma source(%dma_start3A_203 : memref<64x16xf32, #tpu.memory_space<vmem>>) target(%dma_start3A_200 : memref<64x16xf32, #tpu.memory_space<vmem_shared>>) target_semaphore(%run_scoped3A_193 : memref<!tpu.dma_semaphore, #tpu.memory_space<semaphore_mem>>)
      %dma_wait3A_204 = arith.constant 0 : i32
      %dma_wait3A_205 = arith.constant 0 : i32
      %dma_wait3A_206 = tpu.memref_slice %arg16[%dma_wait3A_204, %dma_wait3A_205] : memref<80x16xf32, #tpu.memory_space<vmem>> -> memref<64x16xf32, #tpu.memory_space<vmem>>
      %dma_wait3A_207 = arith.constant 0 : i32
      %dma_wait3A_208 = tpu.memref_slice %arg17[%add3A_76, %dma_wait3A_207] : memref<10000x16xf32, #tpu.memory_space<vmem_shared>> -> memref<64x16xf32, #tpu.memory_space<vmem_shared>>
      %dma_wait3A_209 = arith.constant 0 : i32
      %dma_wait3A_210 = tpu.memref_slice %arg17[%add3A_76, %dma_wait3A_209] : memref<10000x16xf32, #tpu.memory_space<vmem_shared>> -> memref<64x16xf32, #tpu.memory_space<vmem_shared>>
      %dma_wait3A_211 = arith.constant 0 : i32
      %dma_wait3A_212 = arith.constant 0 : i32
      %dma_wait3A_213 = tpu.memref_slice %arg16[%dma_wait3A_211, %dma_wait3A_212] : memref<80x16xf32, #tpu.memory_space<vmem>> -> memref<64x16xf32, #tpu.memory_space<vmem>>
      tpu.wait_dma2 semaphore(%run_scoped3A_193 : memref<!tpu.dma_semaphore, #tpu.memory_space<semaphore_mem>>) src(%dma_wait3A_213 : memref<64x16xf32, #tpu.memory_space<vmem>>) dst(%dma_wait3A_210 : memref<64x16xf32, #tpu.memory_space<vmem_shared>>)
      tpu.yield
    }) : () -> ()
    %eq3A_77 = arith.constant 0 : i32
    %eq3A_78 = arith.cmpi eq, %arg1, %eq3A_77 : i32
    %convert_element_type3A_79 = arith.extui %eq3A_78 : i1 to i32
    %cond3A_80 = arith.constant 0 : i32
    %cond3A_81 = arith.cmpi ne, %convert_element_type3A_79, %cond3A_80 : i32
    scf.if %cond3A_81 {
      "tpu.region"() ({
        %run_scoped3A_193 = tpu.sem_alloc : memref<!tpu.dma_semaphore, #tpu.memory_space<semaphore_mem>>
        %dma_start3A_194 = arith.constant 0 : i32
        %dma_start3A_195 = arith.constant 0 : i32
        %dma_start3A_196 = tpu.memref_slice %arg16[%dma_start3A_194, %dma_start3A_195] : memref<80x16xf32, #tpu.memory_space<vmem>> -> memref<16x16xf32, #tpu.memory_space<vmem>>
        %dma_start3A_197 = arith.constant 9984 : i32
        %dma_start3A_198 = arith.constant 0 : i32
        %dma_start3A_199 = tpu.memref_slice %arg17[%dma_start3A_197, %dma_start3A_198] : memref<10000x16xf32, #tpu.memory_space<vmem_shared>> -> memref<16x16xf32, #tpu.memory_space<vmem_shared>>
        %dma_start3A_200 = arith.constant 9984 : i32
        %dma_start3A_201 = arith.constant 0 : i32
        %dma_start3A_202 = tpu.memref_slice %arg17[%dma_start3A_200, %dma_start3A_201] : memref<10000x16xf32, #tpu.memory_space<vmem_shared>> -> memref<16x16xf32, #tpu.memory_space<vmem_shared>>
        %dma_start3A_203 = arith.constant 0 : i32
        %dma_start3A_204 = arith.constant 0 : i32
        %dma_start3A_205 = tpu.memref_slice %arg16[%dma_start3A_203, %dma_start3A_204] : memref<80x16xf32, #tpu.memory_space<vmem>> -> memref<16x16xf32, #tpu.memory_space<vmem>>
        tpu.enqueue_dma source(%dma_start3A_205 : memref<16x16xf32, #tpu.memory_space<vmem>>) target(%dma_start3A_202 : memref<16x16xf32, #tpu.memory_space<vmem_shared>>) target_semaphore(%run_scoped3A_193 : memref<!tpu.dma_semaphore, #tpu.memory_space<semaphore_mem>>)
        %dma_wait3A_206 = arith.constant 0 : i32
        %dma_wait3A_207 = arith.constant 0 : i32
        %dma_wait3A_208 = tpu.memref_slice %arg16[%dma_wait3A_206, %dma_wait3A_207] : memref<80x16xf32, #tpu.memory_space<vmem>> -> memref<16x16xf32, #tpu.memory_space<vmem>>
        %dma_wait3A_209 = arith.constant 9984 : i32
        %dma_wait3A_210 = arith.constant 0 : i32
        %dma_wait3A_211 = tpu.memref_slice %arg17[%dma_wait3A_209, %dma_wait3A_210] : memref<10000x16xf32, #tpu.memory_space<vmem_shared>> -> memref<16x16xf32, #tpu.memory_space<vmem_shared>>
        %dma_wait3A_212 = arith.constant 9984 : i32
        %dma_wait3A_213 = arith.constant 0 : i32
        %dma_wait3A_214 = tpu.memref_slice %arg17[%dma_wait3A_212, %dma_wait3A_213] : memref<10000x16xf32, #tpu.memory_space<vmem_shared>> -> memref<16x16xf32, #tpu.memory_space<vmem_shared>>
        %dma_wait3A_215 = arith.constant 0 : i32
        %dma_wait3A_216 = arith.constant 0 : i32
        %dma_wait3A_217 = tpu.memref_slice %arg16[%dma_wait3A_215, %dma_wait3A_216] : memref<80x16xf32, #tpu.memory_space<vmem>> -> memref<16x16xf32, #tpu.memory_space<vmem>>
        tpu.wait_dma2 semaphore(%run_scoped3A_193 : memref<!tpu.dma_semaphore, #tpu.memory_space<semaphore_mem>>) src(%dma_wait3A_217 : memref<16x16xf32, #tpu.memory_space<vmem>>) dst(%dma_wait3A_214 : memref<16x16xf32, #tpu.memory_space<vmem_shared>>)
        tpu.yield
      }) : () -> ()
    } else {
    }
    %broadcast_in_dim3A_82 = arith.constant 1.000000e+00 : f32
    %broadcast_in_dim3A_83 = vector.broadcast %broadcast_in_dim3A_82 : f32 to vector<16xf32>
    %scan3A_84 = arith.constant 0 : i32
    %scan3A_85 = arith.constant 80 : i32
    %scan3A_86 = arith.addi %scan3A_84, %scan3A_85 : i32
    %scan3A_87 = arith.constant 1 : i32
    scf.for %scan3A_193 = %scan3A_84 to %scan3A_86 step %scan3A_87  : i32 {
      %swap3A = arith.index_cast %scan3A_193 : i32 to index
      %swap3A_194 = arith.constant 0 : index
      %swap3A_195 = tpu.vector_load %arg16[%swap3A, %swap3A_194] {strides = array<i32>} : memref<80x16xf32, #tpu.memory_space<vmem>>, vector<16xf32>,
      tpu.vector_store %arg16[%swap3A, %swap3A_194], %broadcast_in_dim3A_83 {strides = array<i32>} : memref<80x16xf32, #tpu.memory_space<vmem>>, vector<16xf32>,
    }
    %scan3A_88 = arith.constant 80 : i32
    %barrier3A = arith.constant 0 : index
    tpu.barrier barrier_id(%barrier3A)
    "tpu.region"() ({
      %run_scoped3A_193 = tpu.sem_alloc : memref<!tpu.dma_semaphore, #tpu.memory_space<semaphore_mem>>
      %dma_start3A_194 = arith.constant 0 : i32
      %dma_start3A_195 = arith.constant 0 : i32
      %dma_start3A_196 = tpu.memref_slice %arg7[%dma_start3A_194, %dma_start3A_195] : memref<63x80xi32, #tpu.memory_space<vmem>> -> memref<63x80xi32, #tpu.memory_space<vmem>>
      %dma_start3A_197 = arith.constant 0 : i32
      %dma_start3A_198 = arith.constant 0 : i32
      %dma_start3A_199 = tpu.memref_slice %arg3[%add3A, %dma_start3A_197, %dma_start3A_198] : memref<32x125x80xi32, #tpu.memory_space<hbm>> -> memref<1x63x80xi32, #tpu.memory_space<hbm>>
      %dma_start3A_200 = tpu.memref_squeeze %dma_start3A_199 : memref<1x63x80xi32, #tpu.memory_space<hbm>> -> memref<63x80xi32, #tpu.memory_space<hbm>>
      %dma_start3A_201 = arith.constant 0 : i32
      %dma_start3A_202 = arith.constant 0 : i32
      %dma_start3A_203 = tpu.memref_slice %arg7[%dma_start3A_201, %dma_start3A_202] : memref<63x80xi32, #tpu.memory_space<vmem>> -> memref<63x80xi32, #tpu.memory_space<vmem>>
      %dma_start3A_204 = arith.constant 0 : i32
      %dma_start3A_205 = arith.constant 0 : i32
      %dma_start3A_206 = tpu.memref_slice %arg3[%add3A, %dma_start3A_204, %dma_start3A_205] : memref<32x125x80xi32, #tpu.memory_space<hbm>> -> memref<1x63x80xi32, #tpu.memory_space<hbm>>
      %dma_start3A_207 = tpu.memref_squeeze %dma_start3A_206 : memref<1x63x80xi32, #tpu.memory_space<hbm>> -> memref<63x80xi32, #tpu.memory_space<hbm>>
      tpu.enqueue_dma source(%dma_start3A_207 : memref<63x80xi32, #tpu.memory_space<hbm>>) target(%dma_start3A_203 : memref<63x80xi32, #tpu.memory_space<vmem>>) target_semaphore(%run_scoped3A_193 : memref<!tpu.dma_semaphore, #tpu.memory_space<semaphore_mem>>)
      %dma_wait3A_208 = arith.constant 0 : i32
      %dma_wait3A_209 = arith.constant 0 : i32
      %dma_wait3A_210 = tpu.memref_slice %arg7[%dma_wait3A_208, %dma_wait3A_209] : memref<63x80xi32, #tpu.memory_space<vmem>> -> memref<63x80xi32, #tpu.memory_space<vmem>>
      %dma_wait3A_211 = arith.constant 0 : i32
      %dma_wait3A_212 = arith.constant 0 : i32
      %dma_wait3A_213 = tpu.memref_slice %arg3[%add3A, %dma_wait3A_211, %dma_wait3A_212] : memref<32x125x80xi32, #tpu.memory_space<hbm>> -> memref<1x63x80xi32, #tpu.memory_space<hbm>>
      %dma_wait3A_214 = tpu.memref_squeeze %dma_wait3A_213 : memref<1x63x80xi32, #tpu.memory_space<hbm>> -> memref<63x80xi32, #tpu.memory_space<hbm>>
      %dma_wait3A_215 = arith.constant 0 : i32
      %dma_wait3A_216 = arith.constant 0 : i32
      %dma_wait3A_217 = tpu.memref_slice %arg7[%dma_wait3A_215, %dma_wait3A_216] : memref<63x80xi32, #tpu.memory_space<vmem>> -> memref<63x80xi32, #tpu.memory_space<vmem>>
      %dma_wait3A_218 = arith.constant 0 : i32
      %dma_wait3A_219 = arith.constant 0 : i32
      %dma_wait3A_220 = tpu.memref_slice %arg3[%add3A, %dma_wait3A_218, %dma_wait3A_219] : memref<32x125x80xi32, #tpu.memory_space<hbm>> -> memref<1x63x80xi32, #tpu.memory_space<hbm>>
      %dma_wait3A_221 = tpu.memref_squeeze %dma_wait3A_220 : memref<1x63x80xi32, #tpu.memory_space<hbm>> -> memref<63x80xi32, #tpu.memory_space<hbm>>
      tpu.wait_dma2 semaphore(%run_scoped3A_193 : memref<!tpu.dma_semaphore, #tpu.memory_space<semaphore_mem>>) src(%dma_wait3A_221 : memref<63x80xi32, #tpu.memory_space<hbm>>) dst(%dma_wait3A_217 : memref<63x80xi32, #tpu.memory_space<vmem>>)
      tpu.yield
    }) : () -> ()
    "tpu.region"() ({
      %run_scoped3A_193 = tpu.sem_alloc : memref<!tpu.dma_semaphore, #tpu.memory_space<semaphore_mem>>
      %dma_start3A_194 = arith.constant 0 : i32
      %dma_start3A_195 = arith.constant 0 : i32
      %dma_start3A_196 = tpu.memref_slice %arg8[%dma_start3A_194, %dma_start3A_195] : memref<63x80xi32, #tpu.memory_space<vmem>> -> memref<63x80xi32, #tpu.memory_space<vmem>>
      %dma_start3A_197 = arith.constant 0 : i32
      %dma_start3A_198 = arith.constant 0 : i32
      %dma_start3A_199 = tpu.memref_slice %arg4[%add3A, %dma_start3A_197, %dma_start3A_198] : memref<32x125x80xi32, #tpu.memory_space<hbm>> -> memref<1x63x80xi32, #tpu.memory_space<hbm>>
      %dma_start3A_200 = tpu.memref_squeeze %dma_start3A_199 : memref<1x63x80xi32, #tpu.memory_space<hbm>> -> memref<63x80xi32, #tpu.memory_space<hbm>>
      %dma_start3A_201 = arith.constant 0 : i32
      %dma_start3A_202 = arith.constant 0 : i32
      %dma_start3A_203 = tpu.memref_slice %arg8[%dma_start3A_201, %dma_start3A_202] : memref<63x80xi32, #tpu.memory_space<vmem>> -> memref<63x80xi32, #tpu.memory_space<vmem>>
      %dma_start3A_204 = arith.constant 0 : i32
      %dma_start3A_205 = arith.constant 0 : i32
      %dma_start3A_206 = tpu.memref_slice %arg4[%add3A, %dma_start3A_204, %dma_start3A_205] : memref<32x125x80xi32, #tpu.memory_space<hbm>> -> memref<1x63x80xi32, #tpu.memory_space<hbm>>
      %dma_start3A_207 = tpu.memref_squeeze %dma_start3A_206 : memref<1x63x80xi32, #tpu.memory_space<hbm>> -> memref<63x80xi32, #tpu.memory_space<hbm>>
      tpu.enqueue_dma source(%dma_start3A_207 : memref<63x80xi32, #tpu.memory_space<hbm>>) target(%dma_start3A_203 : memref<63x80xi32, #tpu.memory_space<vmem>>) target_semaphore(%run_scoped3A_193 : memref<!tpu.dma_semaphore, #tpu.memory_space<semaphore_mem>>)
      %dma_wait3A_208 = arith.constant 0 : i32
      %dma_wait3A_209 = arith.constant 0 : i32
      %dma_wait3A_210 = tpu.memref_slice %arg8[%dma_wait3A_208, %dma_wait3A_209] : memref<63x80xi32, #tpu.memory_space<vmem>> -> memref<63x80xi32, #tpu.memory_space<vmem>>
      %dma_wait3A_211 = arith.constant 0 : i32
      %dma_wait3A_212 = arith.constant 0 : i32
      %dma_wait3A_213 = tpu.memref_slice %arg4[%add3A, %dma_wait3A_211, %dma_wait3A_212] : memref<32x125x80xi32, #tpu.memory_space<hbm>> -> memref<1x63x80xi32, #tpu.memory_space<hbm>>
      %dma_wait3A_214 = tpu.memref_squeeze %dma_wait3A_213 : memref<1x63x80xi32, #tpu.memory_space<hbm>> -> memref<63x80xi32, #tpu.memory_space<hbm>>
      %dma_wait3A_215 = arith.constant 0 : i32
      %dma_wait3A_216 = arith.constant 0 : i32
      %dma_wait3A_217 = tpu.memref_slice %arg8[%dma_wait3A_215, %dma_wait3A_216] : memref<63x80xi32, #tpu.memory_space<vmem>> -> memref<63x80xi32, #tpu.memory_space<vmem>>
      %dma_wait3A_218 = arith.constant 0 : i32
      %dma_wait3A_219 = arith.constant 0 : i32
      %dma_wait3A_220 = tpu.memref_slice %arg4[%add3A, %dma_wait3A_218, %dma_wait3A_219] : memref<32x125x80xi32, #tpu.memory_space<hbm>> -> memref<1x63x80xi32, #tpu.memory_space<hbm>>
      %dma_wait3A_221 = tpu.memref_squeeze %dma_wait3A_220 : memref<1x63x80xi32, #tpu.memory_space<hbm>> -> memref<63x80xi32, #tpu.memory_space<hbm>>
      tpu.wait_dma2 semaphore(%run_scoped3A_193 : memref<!tpu.dma_semaphore, #tpu.memory_space<semaphore_mem>>) src(%dma_wait3A_221 : memref<63x80xi32, #tpu.memory_space<hbm>>) dst(%dma_wait3A_217 : memref<63x80xi32, #tpu.memory_space<vmem>>)
      tpu.yield
    }) : () -> ()
    %dma_start3A = arith.constant 0 : i32
    %dma_start3A_89 = arith.constant 0 : i32
    %dma_start3A_90 = tpu.memref_slice %arg7[%dma_start3A, %dma_start3A_89] : memref<63x80xi32, #tpu.memory_space<vmem>> -> memref<1x80xi32, #tpu.memory_space<vmem>>
    %dma_start3A_91 = tpu.memref_squeeze %dma_start3A_90 : memref<1x80xi32, #tpu.memory_space<vmem>> -> memref<80xi32, #tpu.memory_space<vmem>>
    %dma_start3A_92 = arith.constant 0 : i32
    %dma_start3A_93 = arith.constant 0 : i32
    %dma_start3A_94 = tpu.memref_slice %arg2[%dma_start3A_92, %dma_start3A_93] : memref<10000x128xf32, #tpu.memory_space<hbm>> -> memref<10000x128xf32, #tpu.memory_space<hbm>>
    tpu.enqueue_indirect_dma source(%dma_start3A_94 : memref<10000x128xf32, #tpu.memory_space<hbm>>) target(%arg9 : memref<80x128xf32, #tpu.memory_space<vmem>>) offsets(%dma_start3A_91 : memref<80xi32, #tpu.memory_space<vmem>>) semaphore(%arg12 : memref<!tpu.dma_semaphore, #tpu.memory_space<semaphore_mem>>)
    %dma_start3A_95 = arith.constant 1 : i32
    %dma_start3A_96 = arith.constant 0 : i32
    %dma_start3A_97 = tpu.memref_slice %arg7[%dma_start3A_95, %dma_start3A_96] : memref<63x80xi32, #tpu.memory_space<vmem>> -> memref<1x80xi32, #tpu.memory_space<vmem>>
    %dma_start3A_98 = tpu.memref_squeeze %dma_start3A_97 : memref<1x80xi32, #tpu.memory_space<vmem>> -> memref<80xi32, #tpu.memory_space<vmem>>
    %dma_start3A_99 = arith.constant 0 : i32
    %dma_start3A_100 = arith.constant 0 : i32
    %dma_start3A_101 = tpu.memref_slice %arg2[%dma_start3A_99, %dma_start3A_100] : memref<10000x128xf32, #tpu.memory_space<hbm>> -> memref<10000x128xf32, #tpu.memory_space<hbm>>
    tpu.enqueue_indirect_dma source(%dma_start3A_101 : memref<10000x128xf32, #tpu.memory_space<hbm>>) target(%arg10 : memref<80x128xf32, #tpu.memory_space<vmem>>) offsets(%dma_start3A_98 : memref<80xi32, #tpu.memory_space<vmem>>) semaphore(%arg13 : memref<!tpu.dma_semaphore, #tpu.memory_space<semaphore_mem>>)
    %scan3A_102 = arith.constant 0 : i32
    %scan3A_103 = arith.constant 31 : i32
    %scan3A_104 = arith.addi %scan3A_102, %scan3A_103 : i32
    %scan3A_105 = arith.constant 1 : i32
    scf.for %scan3A_193 = %scan3A_102 to %scan3A_104 step %scan3A_105  : i32 {
      %mul3A_194 = arith.constant 2 : i32
      %mul3A_195 = arith.muli %mul3A_194, %scan3A_193 : i32
      %add3A_196 = arith.constant 0 : i32
      %add3A_197 = arith.addi %mul3A_195, %add3A_196 : i32
      %dma_wait3A_198 = arith.constant 0 : i32
      %dma_wait3A_199 = tpu.memref_slice %arg7[%add3A_197, %dma_wait3A_198] : memref<63x80xi32, #tpu.memory_space<vmem>> -> memref<1x80xi32, #tpu.memory_space<vmem>>
      %dma_wait3A_200 = tpu.memref_squeeze %dma_wait3A_199 : memref<1x80xi32, #tpu.memory_space<vmem>> -> memref<80xi32, #tpu.memory_space<vmem>>
      %dma_wait3A_201 = arith.constant 0 : i32
      %dma_wait3A_202 = arith.constant 0 : i32
      %dma_wait3A_203 = tpu.memref_slice %arg2[%dma_wait3A_201, %dma_wait3A_202] : memref<10000x128xf32, #tpu.memory_space<hbm>> -> memref<10000x128xf32, #tpu.memory_space<hbm>>
      tpu.wait_indirect_dma semaphore(%arg12 : memref<!tpu.dma_semaphore, #tpu.memory_space<semaphore_mem>>) src(%dma_wait3A_203 : memref<10000x128xf32, #tpu.memory_space<hbm>>) dst(%arg9 : memref<80x128xf32, #tpu.memory_space<vmem>>)
      "tpu.region"() ({
        %run_scoped3A_248 = tpu.sem_alloc : memref<!tpu.dma_semaphore, #tpu.memory_space<semaphore_mem>>
        %dma_start3A_249 = arith.constant 0 : i32
        %dma_start3A_250 = tpu.memref_slice %arg8[%add3A_197, %dma_start3A_249] : memref<63x80xi32, #tpu.memory_space<vmem>> -> memref<1x80xi32, #tpu.memory_space<vmem>>
        %dma_start3A_251 = tpu.memref_squeeze %dma_start3A_250 : memref<1x80xi32, #tpu.memory_space<vmem>> -> memref<80xi32, #tpu.memory_space<vmem>>
        %dma_start3A_252 = arith.constant 0 : i32
        %dma_start3A_253 = arith.constant 0 : i32
        %dma_start3A_254 = tpu.memref_slice %arg11[%dma_start3A_252, %dma_start3A_253] : memref<10000x128xf32, #tpu.memory_space<vmem_shared>> -> memref<10000x128xf32, #tpu.memory_space<vmem_shared>>
        tpu.enqueue_indirect_dma source(%arg9 : memref<80x128xf32, #tpu.memory_space<vmem>>) target(%dma_start3A_254 : memref<10000x128xf32, #tpu.memory_space<vmem_shared>>) offsets(%dma_start3A_251 : memref<80xi32, #tpu.memory_space<vmem>>) semaphore(%run_scoped3A_248 : memref<!tpu.dma_semaphore, #tpu.memory_space<semaphore_mem>>) {add = true}
        %dma_wait3A_255 = arith.constant 0 : i32
        %dma_wait3A_256 = tpu.memref_slice %arg8[%add3A_197, %dma_wait3A_255] : memref<63x80xi32, #tpu.memory_space<vmem>> -> memref<1x80xi32, #tpu.memory_space<vmem>>
        %dma_wait3A_257 = tpu.memref_squeeze %dma_wait3A_256 : memref<1x80xi32, #tpu.memory_space<vmem>> -> memref<80xi32, #tpu.memory_space<vmem>>
        %dma_wait3A_258 = arith.constant 0 : i32
        %dma_wait3A_259 = arith.constant 0 : i32
        %dma_wait3A_260 = tpu.memref_slice %arg11[%dma_wait3A_258, %dma_wait3A_259] : memref<10000x128xf32, #tpu.memory_space<vmem_shared>> -> memref<10000x128xf32, #tpu.memory_space<vmem_shared>>
        tpu.wait_indirect_dma semaphore(%run_scoped3A_248 : memref<!tpu.dma_semaphore, #tpu.memory_space<semaphore_mem>>) src(%arg9 : memref<80x128xf32, #tpu.memory_space<vmem>>) dst(%dma_wait3A_260 : memref<10000x128xf32, #tpu.memory_space<vmem_shared>>)
        tpu.yield
      }) : () -> ()
      %gt3A = arith.constant 0 : i32
      %gt3A_204 = arith.cmpi sgt, %scan3A_193, %gt3A : i32
      %convert_element_type3A_205 = arith.extui %gt3A_204 : i1 to i32
      %cond3A_206 = arith.constant 0 : i32
      %cond3A_207 = arith.cmpi ne, %convert_element_type3A_205, %cond3A_206 : i32
      scf.if %cond3A_207 {
        %dma_wait3A_248 = arith.constant 0 : i32
        %dma_wait3A_249 = tpu.memref_slice %arg8[%add3A_197, %dma_wait3A_248] : memref<63x80xi32, #tpu.memory_space<vmem>> -> memref<1x80xi32, #tpu.memory_space<vmem>>
        %dma_wait3A_250 = tpu.memref_squeeze %dma_wait3A_249 : memref<1x80xi32, #tpu.memory_space<vmem>> -> memref<80xi32, #tpu.memory_space<vmem>>
        %dma_wait3A_251 = arith.constant 0 : i32
        %dma_wait3A_252 = arith.constant 0 : i32
        %dma_wait3A_253 = tpu.memref_slice %arg17[%dma_wait3A_251, %dma_wait3A_252] : memref<10000x16xf32, #tpu.memory_space<vmem_shared>> -> memref<10000x16xf32, #tpu.memory_space<vmem_shared>>
        tpu.wait_indirect_dma semaphore(%arg18 : memref<!tpu.dma_semaphore, #tpu.memory_space<semaphore_mem>>) src(%arg16 : memref<80x16xf32, #tpu.memory_space<vmem>>) dst(%dma_wait3A_253 : memref<10000x16xf32, #tpu.memory_space<vmem_shared>>)
      } else {
      }
      %dma_start3A_208 = arith.constant 0 : i32
      %dma_start3A_209 = tpu.memref_slice %arg8[%add3A_197, %dma_start3A_208] : memref<63x80xi32, #tpu.memory_space<vmem>> -> memref<1x80xi32, #tpu.memory_space<vmem>>
      %dma_start3A_210 = tpu.memref_squeeze %dma_start3A_209 : memref<1x80xi32, #tpu.memory_space<vmem>> -> memref<80xi32, #tpu.memory_space<vmem>>
      %dma_start3A_211 = arith.constant 0 : i32
      %dma_start3A_212 = arith.constant 0 : i32
      %dma_start3A_213 = tpu.memref_slice %arg17[%dma_start3A_211, %dma_start3A_212] : memref<10000x16xf32, #tpu.memory_space<vmem_shared>> -> memref<10000x16xf32, #tpu.memory_space<vmem_shared>>
      tpu.enqueue_indirect_dma source(%arg16 : memref<80x16xf32, #tpu.memory_space<vmem>>) target(%dma_start3A_213 : memref<10000x16xf32, #tpu.memory_space<vmem_shared>>) offsets(%dma_start3A_210 : memref<80xi32, #tpu.memory_space<vmem>>) semaphore(%arg18 : memref<!tpu.dma_semaphore, #tpu.memory_space<semaphore_mem>>) {add = true}
      %add3A_214 = arith.constant 2 : i32
      %add3A_215 = arith.addi %add3A_197, %add3A_214 : i32
      %lt3A = arith.constant 63 : i32
      %lt3A_216 = arith.cmpi slt, %add3A_215, %lt3A : i32
      %convert_element_type3A_217 = arith.extui %lt3A_216 : i1 to i32
      %cond3A_218 = arith.constant 0 : i32
      %cond3A_219 = arith.cmpi ne, %convert_element_type3A_217, %cond3A_218 : i32
      scf.if %cond3A_219 {
        %add3A_248 = arith.constant 2 : i32
        %add3A_249 = arith.addi %add3A_197, %add3A_248 : i32
        %dma_start3A_250 = arith.constant 0 : i32
        %dma_start3A_251 = tpu.memref_slice %arg7[%add3A_249, %dma_start3A_250] : memref<63x80xi32, #tpu.memory_space<vmem>> -> memref<1x80xi32, #tpu.memory_space<vmem>>
        %dma_start3A_252 = tpu.memref_squeeze %dma_start3A_251 : memref<1x80xi32, #tpu.memory_space<vmem>> -> memref<80xi32, #tpu.memory_space<vmem>>
        %dma_start3A_253 = arith.constant 0 : i32
        %dma_start3A_254 = arith.constant 0 : i32
        %dma_start3A_255 = tpu.memref_slice %arg2[%dma_start3A_253, %dma_start3A_254] : memref<10000x128xf32, #tpu.memory_space<hbm>> -> memref<10000x128xf32, #tpu.memory_space<hbm>>
        tpu.enqueue_indirect_dma source(%dma_start3A_255 : memref<10000x128xf32, #tpu.memory_space<hbm>>) target(%arg9 : memref<80x128xf32, #tpu.memory_space<vmem>>) offsets(%dma_start3A_252 : memref<80xi32, #tpu.memory_space<vmem>>) semaphore(%arg12 : memref<!tpu.dma_semaphore, #tpu.memory_space<semaphore_mem>>)
      } else {
      }
      %mul3A_220 = arith.constant 2 : i32
      %mul3A_221 = arith.muli %mul3A_220, %scan3A_193 : i32
      %add3A_222 = arith.constant 1 : i32
      %add3A_223 = arith.addi %mul3A_221, %add3A_222 : i32
      %dma_wait3A_224 = arith.constant 0 : i32
      %dma_wait3A_225 = tpu.memref_slice %arg7[%add3A_223, %dma_wait3A_224] : memref<63x80xi32, #tpu.memory_space<vmem>> -> memref<1x80xi32, #tpu.memory_space<vmem>>
      %dma_wait3A_226 = tpu.memref_squeeze %dma_wait3A_225 : memref<1x80xi32, #tpu.memory_space<vmem>> -> memref<80xi32, #tpu.memory_space<vmem>>
      %dma_wait3A_227 = arith.constant 0 : i32
      %dma_wait3A_228 = arith.constant 0 : i32
      %dma_wait3A_229 = tpu.memref_slice %arg2[%dma_wait3A_227, %dma_wait3A_228] : memref<10000x128xf32, #tpu.memory_space<hbm>> -> memref<10000x128xf32, #tpu.memory_space<hbm>>
      tpu.wait_indirect_dma semaphore(%arg13 : memref<!tpu.dma_semaphore, #tpu.memory_space<semaphore_mem>>) src(%dma_wait3A_229 : memref<10000x128xf32, #tpu.memory_space<hbm>>) dst(%arg10 : memref<80x128xf32, #tpu.memory_space<vmem>>)
      "tpu.region"() ({
        %run_scoped3A_248 = tpu.sem_alloc : memref<!tpu.dma_semaphore, #tpu.memory_space<semaphore_mem>>
        %dma_start3A_249 = arith.constant 0 : i32
        %dma_start3A_250 = tpu.memref_slice %arg8[%add3A_223, %dma_start3A_249] : memref<63x80xi32, #tpu.memory_space<vmem>> -> memref<1x80xi32, #tpu.memory_space<vmem>>
        %dma_start3A_251 = tpu.memref_squeeze %dma_start3A_250 : memref<1x80xi32, #tpu.memory_space<vmem>> -> memref<80xi32, #tpu.memory_space<vmem>>
        %dma_start3A_252 = arith.constant 0 : i32
        %dma_start3A_253 = arith.constant 0 : i32
        %dma_start3A_254 = tpu.memref_slice %arg11[%dma_start3A_252, %dma_start3A_253] : memref<10000x128xf32, #tpu.memory_space<vmem_shared>> -> memref<10000x128xf32, #tpu.memory_space<vmem_shared>>
        tpu.enqueue_indirect_dma source(%arg10 : memref<80x128xf32, #tpu.memory_space<vmem>>) target(%dma_start3A_254 : memref<10000x128xf32, #tpu.memory_space<vmem_shared>>) offsets(%dma_start3A_251 : memref<80xi32, #tpu.memory_space<vmem>>) semaphore(%run_scoped3A_248 : memref<!tpu.dma_semaphore, #tpu.memory_space<semaphore_mem>>) {add = true}
        %dma_wait3A_255 = arith.constant 0 : i32
        %dma_wait3A_256 = tpu.memref_slice %arg8[%add3A_223, %dma_wait3A_255] : memref<63x80xi32, #tpu.memory_space<vmem>> -> memref<1x80xi32, #tpu.memory_space<vmem>>
        %dma_wait3A_257 = tpu.memref_squeeze %dma_wait3A_256 : memref<1x80xi32, #tpu.memory_space<vmem>> -> memref<80xi32, #tpu.memory_space<vmem>>
        %dma_wait3A_258 = arith.constant 0 : i32
        %dma_wait3A_259 = arith.constant 0 : i32
        %dma_wait3A_260 = tpu.memref_slice %arg11[%dma_wait3A_258, %dma_wait3A_259] : memref<10000x128xf32, #tpu.memory_space<vmem_shared>> -> memref<10000x128xf32, #tpu.memory_space<vmem_shared>>
        tpu.wait_indirect_dma semaphore(%run_scoped3A_248 : memref<!tpu.dma_semaphore, #tpu.memory_space<semaphore_mem>>) src(%arg10 : memref<80x128xf32, #tpu.memory_space<vmem>>) dst(%dma_wait3A_260 : memref<10000x128xf32, #tpu.memory_space<vmem_shared>>)
        tpu.yield
      }) : () -> ()
      %gt3A_230 = arith.constant 0 : i32
      %gt3A_231 = arith.cmpi sgt, %scan3A_193, %gt3A_230 : i32
      %convert_element_type3A_232 = arith.extui %gt3A_231 : i1 to i32
      %cond3A_233 = arith.constant 0 : i32
      %cond3A_234 = arith.cmpi ne, %convert_element_type3A_232, %cond3A_233 : i32
      scf.if %cond3A_234 {
        %dma_wait3A_248 = arith.constant 0 : i32
        %dma_wait3A_249 = tpu.memref_slice %arg8[%add3A_223, %dma_wait3A_248] : memref<63x80xi32, #tpu.memory_space<vmem>> -> memref<1x80xi32, #tpu.memory_space<vmem>>
        %dma_wait3A_250 = tpu.memref_squeeze %dma_wait3A_249 : memref<1x80xi32, #tpu.memory_space<vmem>> -> memref<80xi32, #tpu.memory_space<vmem>>
        %dma_wait3A_251 = arith.constant 0 : i32
        %dma_wait3A_252 = arith.constant 0 : i32
        %dma_wait3A_253 = tpu.memref_slice %arg17[%dma_wait3A_251, %dma_wait3A_252] : memref<10000x16xf32, #tpu.memory_space<vmem_shared>> -> memref<10000x16xf32, #tpu.memory_space<vmem_shared>>
        tpu.wait_indirect_dma semaphore(%arg19 : memref<!tpu.dma_semaphore, #tpu.memory_space<semaphore_mem>>) src(%arg16 : memref<80x16xf32, #tpu.memory_space<vmem>>) dst(%dma_wait3A_253 : memref<10000x16xf32, #tpu.memory_space<vmem_shared>>)
      } else {
      }
      %dma_start3A_235 = arith.constant 0 : i32
      %dma_start3A_236 = tpu.memref_slice %arg8[%add3A_223, %dma_start3A_235] : memref<63x80xi32, #tpu.memory_space<vmem>> -> memref<1x80xi32, #tpu.memory_space<vmem>>
      %dma_start3A_237 = tpu.memref_squeeze %dma_start3A_236 : memref<1x80xi32, #tpu.memory_space<vmem>> -> memref<80xi32, #tpu.memory_space<vmem>>
      %dma_start3A_238 = arith.constant 0 : i32
      %dma_start3A_239 = arith.constant 0 : i32
      %dma_start3A_240 = tpu.memref_slice %arg17[%dma_start3A_238, %dma_start3A_239] : memref<10000x16xf32, #tpu.memory_space<vmem_shared>> -> memref<10000x16xf32, #tpu.memory_space<vmem_shared>>
      tpu.enqueue_indirect_dma source(%arg16 : memref<80x16xf32, #tpu.memory_space<vmem>>) target(%dma_start3A_240 : memref<10000x16xf32, #tpu.memory_space<vmem_shared>>) offsets(%dma_start3A_237 : memref<80xi32, #tpu.memory_space<vmem>>) semaphore(%arg19 : memref<!tpu.dma_semaphore, #tpu.memory_space<semaphore_mem>>) {add = true}
      %add3A_241 = arith.constant 2 : i32
      %add3A_242 = arith.addi %add3A_223, %add3A_241 : i32
      %lt3A_243 = arith.constant 63 : i32
      %lt3A_244 = arith.cmpi slt, %add3A_242, %lt3A_243 : i32
      %convert_element_type3A_245 = arith.extui %lt3A_244 : i1 to i32
      %cond3A_246 = arith.constant 0 : i32
      %cond3A_247 = arith.cmpi ne, %convert_element_type3A_245, %cond3A_246 : i32
      scf.if %cond3A_247 {
        %add3A_248 = arith.constant 2 : i32
        %add3A_249 = arith.addi %add3A_223, %add3A_248 : i32
        %dma_start3A_250 = arith.constant 0 : i32
        %dma_start3A_251 = tpu.memref_slice %arg7[%add3A_249, %dma_start3A_250] : memref<63x80xi32, #tpu.memory_space<vmem>> -> memref<1x80xi32, #tpu.memory_space<vmem>>
        %dma_start3A_252 = tpu.memref_squeeze %dma_start3A_251 : memref<1x80xi32, #tpu.memory_space<vmem>> -> memref<80xi32, #tpu.memory_space<vmem>>
        %dma_start3A_253 = arith.constant 0 : i32
        %dma_start3A_254 = arith.constant 0 : i32
        %dma_start3A_255 = tpu.memref_slice %arg2[%dma_start3A_253, %dma_start3A_254] : memref<10000x128xf32, #tpu.memory_space<hbm>> -> memref<10000x128xf32, #tpu.memory_space<hbm>>
        tpu.enqueue_indirect_dma source(%dma_start3A_255 : memref<10000x128xf32, #tpu.memory_space<hbm>>) target(%arg10 : memref<80x128xf32, #tpu.memory_space<vmem>>) offsets(%dma_start3A_252 : memref<80xi32, #tpu.memory_space<vmem>>) semaphore(%arg13 : memref<!tpu.dma_semaphore, #tpu.memory_space<semaphore_mem>>)
      } else {
      }
    }
    %scan3A_106 = arith.constant 31 : i32
    %dma_wait3A = arith.constant 62 : i32
    %dma_wait3A_107 = arith.constant 0 : i32
    %dma_wait3A_108 = tpu.memref_slice %arg7[%dma_wait3A, %dma_wait3A_107] : memref<63x80xi32, #tpu.memory_space<vmem>> -> memref<1x80xi32, #tpu.memory_space<vmem>>
    %dma_wait3A_109 = tpu.memref_squeeze %dma_wait3A_108 : memref<1x80xi32, #tpu.memory_space<vmem>> -> memref<80xi32, #tpu.memory_space<vmem>>
    %dma_wait3A_110 = arith.constant 0 : i32
    %dma_wait3A_111 = arith.constant 0 : i32
    %dma_wait3A_112 = tpu.memref_slice %arg2[%dma_wait3A_110, %dma_wait3A_111] : memref<10000x128xf32, #tpu.memory_space<hbm>> -> memref<10000x128xf32, #tpu.memory_space<hbm>>
    tpu.wait_indirect_dma semaphore(%arg12 : memref<!tpu.dma_semaphore, #tpu.memory_space<semaphore_mem>>) src(%dma_wait3A_112 : memref<10000x128xf32, #tpu.memory_space<hbm>>) dst(%arg9 : memref<80x128xf32, #tpu.memory_space<vmem>>)
    %run_scoped3A = arith.constant 62 : i32
    "tpu.region"() ({
      %run_scoped3A_193 = tpu.sem_alloc : memref<!tpu.dma_semaphore, #tpu.memory_space<semaphore_mem>>
      %dma_start3A_194 = arith.constant 0 : i32
      %dma_start3A_195 = tpu.memref_slice %arg8[%run_scoped3A, %dma_start3A_194] : memref<63x80xi32, #tpu.memory_space<vmem>> -> memref<1x80xi32, #tpu.memory_space<vmem>>
      %dma_start3A_196 = tpu.memref_squeeze %dma_start3A_195 : memref<1x80xi32, #tpu.memory_space<vmem>> -> memref<80xi32, #tpu.memory_space<vmem>>
      %dma_start3A_197 = arith.constant 0 : i32
      %dma_start3A_198 = arith.constant 0 : i32
      %dma_start3A_199 = tpu.memref_slice %arg11[%dma_start3A_197, %dma_start3A_198] : memref<10000x128xf32, #tpu.memory_space<vmem_shared>> -> memref<10000x128xf32, #tpu.memory_space<vmem_shared>>
      tpu.enqueue_indirect_dma source(%arg9 : memref<80x128xf32, #tpu.memory_space<vmem>>) target(%dma_start3A_199 : memref<10000x128xf32, #tpu.memory_space<vmem_shared>>) offsets(%dma_start3A_196 : memref<80xi32, #tpu.memory_space<vmem>>) semaphore(%run_scoped3A_193 : memref<!tpu.dma_semaphore, #tpu.memory_space<semaphore_mem>>) {add = true}
      %dma_wait3A_200 = arith.constant 0 : i32
      %dma_wait3A_201 = tpu.memref_slice %arg8[%run_scoped3A, %dma_wait3A_200] : memref<63x80xi32, #tpu.memory_space<vmem>> -> memref<1x80xi32, #tpu.memory_space<vmem>>
      %dma_wait3A_202 = tpu.memref_squeeze %dma_wait3A_201 : memref<1x80xi32, #tpu.memory_space<vmem>> -> memref<80xi32, #tpu.memory_space<vmem>>
      %dma_wait3A_203 = arith.constant 0 : i32
      %dma_wait3A_204 = arith.constant 0 : i32
      %dma_wait3A_205 = tpu.memref_slice %arg11[%dma_wait3A_203, %dma_wait3A_204] : memref<10000x128xf32, #tpu.memory_space<vmem_shared>> -> memref<10000x128xf32, #tpu.memory_space<vmem_shared>>
      tpu.wait_indirect_dma semaphore(%run_scoped3A_193 : memref<!tpu.dma_semaphore, #tpu.memory_space<semaphore_mem>>) src(%arg9 : memref<80x128xf32, #tpu.memory_space<vmem>>) dst(%dma_wait3A_205 : memref<10000x128xf32, #tpu.memory_space<vmem_shared>>)
      tpu.yield
    }) : () -> ()
    %dma_wait3A_113 = arith.constant 62 : i32
    %dma_wait3A_114 = arith.constant 0 : i32
    %dma_wait3A_115 = tpu.memref_slice %arg8[%dma_wait3A_113, %dma_wait3A_114] : memref<63x80xi32, #tpu.memory_space<vmem>> -> memref<1x80xi32, #tpu.memory_space<vmem>>
    %dma_wait3A_116 = tpu.memref_squeeze %dma_wait3A_115 : memref<1x80xi32, #tpu.memory_space<vmem>> -> memref<80xi32, #tpu.memory_space<vmem>>
    %dma_wait3A_117 = arith.constant 0 : i32
    %dma_wait3A_118 = arith.constant 0 : i32
    %dma_wait3A_119 = tpu.memref_slice %arg17[%dma_wait3A_117, %dma_wait3A_118] : memref<10000x16xf32, #tpu.memory_space<vmem_shared>> -> memref<10000x16xf32, #tpu.memory_space<vmem_shared>>
    tpu.wait_indirect_dma semaphore(%arg18 : memref<!tpu.dma_semaphore, #tpu.memory_space<semaphore_mem>>) src(%arg16 : memref<80x16xf32, #tpu.memory_space<vmem>>) dst(%dma_wait3A_119 : memref<10000x16xf32, #tpu.memory_space<vmem_shared>>)
    %dma_start3A_120 = arith.constant 62 : i32
    %dma_start3A_121 = arith.constant 0 : i32
    %dma_start3A_122 = tpu.memref_slice %arg8[%dma_start3A_120, %dma_start3A_121] : memref<63x80xi32, #tpu.memory_space<vmem>> -> memref<1x80xi32, #tpu.memory_space<vmem>>
    %dma_start3A_123 = tpu.memref_squeeze %dma_start3A_122 : memref<1x80xi32, #tpu.memory_space<vmem>> -> memref<80xi32, #tpu.memory_space<vmem>>
    %dma_start3A_124 = arith.constant 0 : i32
    %dma_start3A_125 = arith.constant 0 : i32
    %dma_start3A_126 = tpu.memref_slice %arg17[%dma_start3A_124, %dma_start3A_125] : memref<10000x16xf32, #tpu.memory_space<vmem_shared>> -> memref<10000x16xf32, #tpu.memory_space<vmem_shared>>
    tpu.enqueue_indirect_dma source(%arg16 : memref<80x16xf32, #tpu.memory_space<vmem>>) target(%dma_start3A_126 : memref<10000x16xf32, #tpu.memory_space<vmem_shared>>) offsets(%dma_start3A_123 : memref<80xi32, #tpu.memory_space<vmem>>) semaphore(%arg18 : memref<!tpu.dma_semaphore, #tpu.memory_space<semaphore_mem>>) {add = true}
    %dma_wait3A_127 = arith.constant 61 : i32
    %dma_wait3A_128 = arith.constant 0 : i32
    %dma_wait3A_129 = tpu.memref_slice %arg8[%dma_wait3A_127, %dma_wait3A_128] : memref<63x80xi32, #tpu.memory_space<vmem>> -> memref<1x80xi32, #tpu.memory_space<vmem>>
    %dma_wait3A_130 = tpu.memref_squeeze %dma_wait3A_129 : memref<1x80xi32, #tpu.memory_space<vmem>> -> memref<80xi32, #tpu.memory_space<vmem>>
    %dma_wait3A_131 = arith.constant 0 : i32
    %dma_wait3A_132 = arith.constant 0 : i32
    %dma_wait3A_133 = tpu.memref_slice %arg17[%dma_wait3A_131, %dma_wait3A_132] : memref<10000x16xf32, #tpu.memory_space<vmem_shared>> -> memref<10000x16xf32, #tpu.memory_space<vmem_shared>>
    tpu.wait_indirect_dma semaphore(%arg19 : memref<!tpu.dma_semaphore, #tpu.memory_space<semaphore_mem>>) src(%arg16 : memref<80x16xf32, #tpu.memory_space<vmem>>) dst(%dma_wait3A_133 : memref<10000x16xf32, #tpu.memory_space<vmem_shared>>)
    %dma_wait3A_134 = arith.constant 62 : i32
    %dma_wait3A_135 = arith.constant 0 : i32
    %dma_wait3A_136 = tpu.memref_slice %arg8[%dma_wait3A_134, %dma_wait3A_135] : memref<63x80xi32, #tpu.memory_space<vmem>> -> memref<1x80xi32, #tpu.memory_space<vmem>>
    %dma_wait3A_137 = tpu.memref_squeeze %dma_wait3A_136 : memref<1x80xi32, #tpu.memory_space<vmem>> -> memref<80xi32, #tpu.memory_space<vmem>>
    %dma_wait3A_138 = arith.constant 0 : i32
    %dma_wait3A_139 = arith.constant 0 : i32
    %dma_wait3A_140 = tpu.memref_slice %arg17[%dma_wait3A_138, %dma_wait3A_139] : memref<10000x16xf32, #tpu.memory_space<vmem_shared>> -> memref<10000x16xf32, #tpu.memory_space<vmem_shared>>
    tpu.wait_indirect_dma semaphore(%arg18 : memref<!tpu.dma_semaphore, #tpu.memory_space<semaphore_mem>>) src(%arg16 : memref<80x16xf32, #tpu.memory_space<vmem>>) dst(%dma_wait3A_140 : memref<10000x16xf32, #tpu.memory_space<vmem_shared>>)
    "tpu.region"() ({
      %run_scoped3A_193 = tpu.sem_alloc : memref<!tpu.dma_semaphore, #tpu.memory_space<semaphore_mem>>
      %dma_start3A_194 = arith.constant 0 : i32
      %dma_start3A_195 = arith.constant 0 : i32
      %dma_start3A_196 = tpu.memref_slice %arg7[%dma_start3A_194, %dma_start3A_195] : memref<63x80xi32, #tpu.memory_space<vmem>> -> memref<62x80xi32, #tpu.memory_space<vmem>>
      %dma_start3A_197 = arith.constant 63 : i32
      %dma_start3A_198 = arith.constant 0 : i32
      %dma_start3A_199 = tpu.memref_slice %arg3[%add3A, %dma_start3A_197, %dma_start3A_198] : memref<32x125x80xi32, #tpu.memory_space<hbm>> -> memref<1x62x80xi32, #tpu.memory_space<hbm>>
      %dma_start3A_200 = tpu.memref_squeeze %dma_start3A_199 : memref<1x62x80xi32, #tpu.memory_space<hbm>> -> memref<62x80xi32, #tpu.memory_space<hbm>>
      %dma_start3A_201 = arith.constant 0 : i32
      %dma_start3A_202 = arith.constant 0 : i32
      %dma_start3A_203 = tpu.memref_slice %arg7[%dma_start3A_201, %dma_start3A_202] : memref<63x80xi32, #tpu.memory_space<vmem>> -> memref<62x80xi32, #tpu.memory_space<vmem>>
      %dma_start3A_204 = arith.constant 63 : i32
      %dma_start3A_205 = arith.constant 0 : i32
      %dma_start3A_206 = tpu.memref_slice %arg3[%add3A, %dma_start3A_204, %dma_start3A_205] : memref<32x125x80xi32, #tpu.memory_space<hbm>> -> memref<1x62x80xi32, #tpu.memory_space<hbm>>
      %dma_start3A_207 = tpu.memref_squeeze %dma_start3A_206 : memref<1x62x80xi32, #tpu.memory_space<hbm>> -> memref<62x80xi32, #tpu.memory_space<hbm>>
      tpu.enqueue_dma source(%dma_start3A_207 : memref<62x80xi32, #tpu.memory_space<hbm>>) target(%dma_start3A_203 : memref<62x80xi32, #tpu.memory_space<vmem>>) target_semaphore(%run_scoped3A_193 : memref<!tpu.dma_semaphore, #tpu.memory_space<semaphore_mem>>)
      %dma_wait3A_208 = arith.constant 0 : i32
      %dma_wait3A_209 = arith.constant 0 : i32
      %dma_wait3A_210 = tpu.memref_slice %arg7[%dma_wait3A_208, %dma_wait3A_209] : memref<63x80xi32, #tpu.memory_space<vmem>> -> memref<62x80xi32, #tpu.memory_space<vmem>>
      %dma_wait3A_211 = arith.constant 63 : i32
      %dma_wait3A_212 = arith.constant 0 : i32
      %dma_wait3A_213 = tpu.memref_slice %arg3[%add3A, %dma_wait3A_211, %dma_wait3A_212] : memref<32x125x80xi32, #tpu.memory_space<hbm>> -> memref<1x62x80xi32, #tpu.memory_space<hbm>>
      %dma_wait3A_214 = tpu.memref_squeeze %dma_wait3A_213 : memref<1x62x80xi32, #tpu.memory_space<hbm>> -> memref<62x80xi32, #tpu.memory_space<hbm>>
      %dma_wait3A_215 = arith.constant 0 : i32
      %dma_wait3A_216 = arith.constant 0 : i32
      %dma_wait3A_217 = tpu.memref_slice %arg7[%dma_wait3A_215, %dma_wait3A_216] : memref<63x80xi32, #tpu.memory_space<vmem>> -> memref<62x80xi32, #tpu.memory_space<vmem>>
      %dma_wait3A_218 = arith.constant 63 : i32
      %dma_wait3A_219 = arith.constant 0 : i32
      %dma_wait3A_220 = tpu.memref_slice %arg3[%add3A, %dma_wait3A_218, %dma_wait3A_219] : memref<32x125x80xi32, #tpu.memory_space<hbm>> -> memref<1x62x80xi32, #tpu.memory_space<hbm>>
      %dma_wait3A_221 = tpu.memref_squeeze %dma_wait3A_220 : memref<1x62x80xi32, #tpu.memory_space<hbm>> -> memref<62x80xi32, #tpu.memory_space<hbm>>
      tpu.wait_dma2 semaphore(%run_scoped3A_193 : memref<!tpu.dma_semaphore, #tpu.memory_space<semaphore_mem>>) src(%dma_wait3A_221 : memref<62x80xi32, #tpu.memory_space<hbm>>) dst(%dma_wait3A_217 : memref<62x80xi32, #tpu.memory_space<vmem>>)
      tpu.yield
    }) : () -> ()
    "tpu.region"() ({
      %run_scoped3A_193 = tpu.sem_alloc : memref<!tpu.dma_semaphore, #tpu.memory_space<semaphore_mem>>
      %dma_start3A_194 = arith.constant 0 : i32
      %dma_start3A_195 = arith.constant 0 : i32
      %dma_start3A_196 = tpu.memref_slice %arg8[%dma_start3A_194, %dma_start3A_195] : memref<63x80xi32, #tpu.memory_space<vmem>> -> memref<62x80xi32, #tpu.memory_space<vmem>>
      %dma_start3A_197 = arith.constant 63 : i32
      %dma_start3A_198 = arith.constant 0 : i32
      %dma_start3A_199 = tpu.memref_slice %arg4[%add3A, %dma_start3A_197, %dma_start3A_198] : memref<32x125x80xi32, #tpu.memory_space<hbm>> -> memref<1x62x80xi32, #tpu.memory_space<hbm>>
      %dma_start3A_200 = tpu.memref_squeeze %dma_start3A_199 : memref<1x62x80xi32, #tpu.memory_space<hbm>> -> memref<62x80xi32, #tpu.memory_space<hbm>>
      %dma_start3A_201 = arith.constant 0 : i32
      %dma_start3A_202 = arith.constant 0 : i32
      %dma_start3A_203 = tpu.memref_slice %arg8[%dma_start3A_201, %dma_start3A_202] : memref<63x80xi32, #tpu.memory_space<vmem>> -> memref<62x80xi32, #tpu.memory_space<vmem>>
      %dma_start3A_204 = arith.constant 63 : i32
      %dma_start3A_205 = arith.constant 0 : i32
      %dma_start3A_206 = tpu.memref_slice %arg4[%add3A, %dma_start3A_204, %dma_start3A_205] : memref<32x125x80xi32, #tpu.memory_space<hbm>> -> memref<1x62x80xi32, #tpu.memory_space<hbm>>
      %dma_start3A_207 = tpu.memref_squeeze %dma_start3A_206 : memref<1x62x80xi32, #tpu.memory_space<hbm>> -> memref<62x80xi32, #tpu.memory_space<hbm>>
      tpu.enqueue_dma source(%dma_start3A_207 : memref<62x80xi32, #tpu.memory_space<hbm>>) target(%dma_start3A_203 : memref<62x80xi32, #tpu.memory_space<vmem>>) target_semaphore(%run_scoped3A_193 : memref<!tpu.dma_semaphore, #tpu.memory_space<semaphore_mem>>)
      %dma_wait3A_208 = arith.constant 0 : i32
      %dma_wait3A_209 = arith.constant 0 : i32
      %dma_wait3A_210 = tpu.memref_slice %arg8[%dma_wait3A_208, %dma_wait3A_209] : memref<63x80xi32, #tpu.memory_space<vmem>> -> memref<62x80xi32, #tpu.memory_space<vmem>>
      %dma_wait3A_211 = arith.constant 63 : i32
      %dma_wait3A_212 = arith.constant 0 : i32
      %dma_wait3A_213 = tpu.memref_slice %arg4[%add3A, %dma_wait3A_211, %dma_wait3A_212] : memref<32x125x80xi32, #tpu.memory_space<hbm>> -> memref<1x62x80xi32, #tpu.memory_space<hbm>>
      %dma_wait3A_214 = tpu.memref_squeeze %dma_wait3A_213 : memref<1x62x80xi32, #tpu.memory_space<hbm>> -> memref<62x80xi32, #tpu.memory_space<hbm>>
      %dma_wait3A_215 = arith.constant 0 : i32
      %dma_wait3A_216 = arith.constant 0 : i32
      %dma_wait3A_217 = tpu.memref_slice %arg8[%dma_wait3A_215, %dma_wait3A_216] : memref<63x80xi32, #tpu.memory_space<vmem>> -> memref<62x80xi32, #tpu.memory_space<vmem>>
      %dma_wait3A_218 = arith.constant 63 : i32
      %dma_wait3A_219 = arith.constant 0 : i32
      %dma_wait3A_220 = tpu.memref_slice %arg4[%add3A, %dma_wait3A_218, %dma_wait3A_219] : memref<32x125x80xi32, #tpu.memory_space<hbm>> -> memref<1x62x80xi32, #tpu.memory_space<hbm>>
      %dma_wait3A_221 = tpu.memref_squeeze %dma_wait3A_220 : memref<1x62x80xi32, #tpu.memory_space<hbm>> -> memref<62x80xi32, #tpu.memory_space<hbm>>
      tpu.wait_dma2 semaphore(%run_scoped3A_193 : memref<!tpu.dma_semaphore, #tpu.memory_space<semaphore_mem>>) src(%dma_wait3A_221 : memref<62x80xi32, #tpu.memory_space<hbm>>) dst(%dma_wait3A_217 : memref<62x80xi32, #tpu.memory_space<vmem>>)
      tpu.yield
    }) : () -> ()
    %dma_start3A_141 = arith.constant 0 : i32
    %dma_start3A_142 = arith.constant 0 : i32
    %dma_start3A_143 = tpu.memref_slice %arg7[%dma_start3A_141, %dma_start3A_142] : memref<63x80xi32, #tpu.memory_space<vmem>> -> memref<1x80xi32, #tpu.memory_space<vmem>>
    %dma_start3A_144 = tpu.memref_squeeze %dma_start3A_143 : memref<1x80xi32, #tpu.memory_space<vmem>> -> memref<80xi32, #tpu.memory_space<vmem>>
    %dma_start3A_145 = arith.constant 0 : i32
    %dma_start3A_146 = arith.constant 0 : i32
    %dma_start3A_147 = tpu.memref_slice %arg2[%dma_start3A_145, %dma_start3A_146] : memref<10000x128xf32, #tpu.memory_space<hbm>> -> memref<10000x128xf32, #tpu.memory_space<hbm>>
    tpu.enqueue_indirect_dma source(%dma_start3A_147 : memref<10000x128xf32, #tpu.memory_space<hbm>>) target(%arg9 : memref<80x128xf32, #tpu.memory_space<vmem>>) offsets(%dma_start3A_144 : memref<80xi32, #tpu.memory_space<vmem>>) semaphore(%arg12 : memref<!tpu.dma_semaphore, #tpu.memory_space<semaphore_mem>>)
    %dma_start3A_148 = arith.constant 1 : i32
    %dma_start3A_149 = arith.constant 0 : i32
    %dma_start3A_150 = tpu.memref_slice %arg7[%dma_start3A_148, %dma_start3A_149] : memref<63x80xi32, #tpu.memory_space<vmem>> -> memref<1x80xi32, #tpu.memory_space<vmem>>
    %dma_start3A_151 = tpu.memref_squeeze %dma_start3A_150 : memref<1x80xi32, #tpu.memory_space<vmem>> -> memref<80xi32, #tpu.memory_space<vmem>>
    %dma_start3A_152 = arith.constant 0 : i32
    %dma_start3A_153 = arith.constant 0 : i32
    %dma_start3A_154 = tpu.memref_slice %arg2[%dma_start3A_152, %dma_start3A_153] : memref<10000x128xf32, #tpu.memory_space<hbm>> -> memref<10000x128xf32, #tpu.memory_space<hbm>>
    tpu.enqueue_indirect_dma source(%dma_start3A_154 : memref<10000x128xf32, #tpu.memory_space<hbm>>) target(%arg10 : memref<80x128xf32, #tpu.memory_space<vmem>>) offsets(%dma_start3A_151 : memref<80xi32, #tpu.memory_space<vmem>>) semaphore(%arg13 : memref<!tpu.dma_semaphore, #tpu.memory_space<semaphore_mem>>)
    %scan3A_155 = arith.constant 0 : i32
    %scan3A_156 = arith.constant 31 : i32
    %scan3A_157 = arith.addi %scan3A_155, %scan3A_156 : i32
    %scan3A_158 = arith.constant 1 : i32
    scf.for %scan3A_193 = %scan3A_155 to %scan3A_157 step %scan3A_158  : i32 {
      %mul3A_194 = arith.constant 2 : i32
      %mul3A_195 = arith.muli %mul3A_194, %scan3A_193 : i32
      %add3A_196 = arith.constant 0 : i32
      %add3A_197 = arith.addi %mul3A_195, %add3A_196 : i32
      %dma_wait3A_198 = arith.constant 0 : i32
      %dma_wait3A_199 = tpu.memref_slice %arg7[%add3A_197, %dma_wait3A_198] : memref<63x80xi32, #tpu.memory_space<vmem>> -> memref<1x80xi32, #tpu.memory_space<vmem>>
      %dma_wait3A_200 = tpu.memref_squeeze %dma_wait3A_199 : memref<1x80xi32, #tpu.memory_space<vmem>> -> memref<80xi32, #tpu.memory_space<vmem>>
      %dma_wait3A_201 = arith.constant 0 : i32
      %dma_wait3A_202 = arith.constant 0 : i32
      %dma_wait3A_203 = tpu.memref_slice %arg2[%dma_wait3A_201, %dma_wait3A_202] : memref<10000x128xf32, #tpu.memory_space<hbm>> -> memref<10000x128xf32, #tpu.memory_space<hbm>>
      tpu.wait_indirect_dma semaphore(%arg12 : memref<!tpu.dma_semaphore, #tpu.memory_space<semaphore_mem>>) src(%dma_wait3A_203 : memref<10000x128xf32, #tpu.memory_space<hbm>>) dst(%arg9 : memref<80x128xf32, #tpu.memory_space<vmem>>)
      "tpu.region"() ({
        %run_scoped3A_248 = tpu.sem_alloc : memref<!tpu.dma_semaphore, #tpu.memory_space<semaphore_mem>>
        %dma_start3A_249 = arith.constant 0 : i32
        %dma_start3A_250 = tpu.memref_slice %arg8[%add3A_197, %dma_start3A_249] : memref<63x80xi32, #tpu.memory_space<vmem>> -> memref<1x80xi32, #tpu.memory_space<vmem>>
        %dma_start3A_251 = tpu.memref_squeeze %dma_start3A_250 : memref<1x80xi32, #tpu.memory_space<vmem>> -> memref<80xi32, #tpu.memory_space<vmem>>
        %dma_start3A_252 = arith.constant 0 : i32
        %dma_start3A_253 = arith.constant 0 : i32
        %dma_start3A_254 = tpu.memref_slice %arg11[%dma_start3A_252, %dma_start3A_253] : memref<10000x128xf32, #tpu.memory_space<vmem_shared>> -> memref<10000x128xf32, #tpu.memory_space<vmem_shared>>
        tpu.enqueue_indirect_dma source(%arg9 : memref<80x128xf32, #tpu.memory_space<vmem>>) target(%dma_start3A_254 : memref<10000x128xf32, #tpu.memory_space<vmem_shared>>) offsets(%dma_start3A_251 : memref<80xi32, #tpu.memory_space<vmem>>) semaphore(%run_scoped3A_248 : memref<!tpu.dma_semaphore, #tpu.memory_space<semaphore_mem>>) {add = true}
        %dma_wait3A_255 = arith.constant 0 : i32
        %dma_wait3A_256 = tpu.memref_slice %arg8[%add3A_197, %dma_wait3A_255] : memref<63x80xi32, #tpu.memory_space<vmem>> -> memref<1x80xi32, #tpu.memory_space<vmem>>
        %dma_wait3A_257 = tpu.memref_squeeze %dma_wait3A_256 : memref<1x80xi32, #tpu.memory_space<vmem>> -> memref<80xi32, #tpu.memory_space<vmem>>
        %dma_wait3A_258 = arith.constant 0 : i32
        %dma_wait3A_259 = arith.constant 0 : i32
        %dma_wait3A_260 = tpu.memref_slice %arg11[%dma_wait3A_258, %dma_wait3A_259] : memref<10000x128xf32, #tpu.memory_space<vmem_shared>> -> memref<10000x128xf32, #tpu.memory_space<vmem_shared>>
        tpu.wait_indirect_dma semaphore(%run_scoped3A_248 : memref<!tpu.dma_semaphore, #tpu.memory_space<semaphore_mem>>) src(%arg9 : memref<80x128xf32, #tpu.memory_space<vmem>>) dst(%dma_wait3A_260 : memref<10000x128xf32, #tpu.memory_space<vmem_shared>>)
        tpu.yield
      }) : () -> ()
      %gt3A = arith.constant 0 : i32
      %gt3A_204 = arith.cmpi sgt, %scan3A_193, %gt3A : i32
      %convert_element_type3A_205 = arith.extui %gt3A_204 : i1 to i32
      %cond3A_206 = arith.constant 0 : i32
      %cond3A_207 = arith.cmpi ne, %convert_element_type3A_205, %cond3A_206 : i32
      scf.if %cond3A_207 {
        %dma_wait3A_248 = arith.constant 0 : i32
        %dma_wait3A_249 = tpu.memref_slice %arg8[%add3A_197, %dma_wait3A_248] : memref<63x80xi32, #tpu.memory_space<vmem>> -> memref<1x80xi32, #tpu.memory_space<vmem>>
        %dma_wait3A_250 = tpu.memref_squeeze %dma_wait3A_249 : memref<1x80xi32, #tpu.memory_space<vmem>> -> memref<80xi32, #tpu.memory_space<vmem>>
        %dma_wait3A_251 = arith.constant 0 : i32
        %dma_wait3A_252 = arith.constant 0 : i32
        %dma_wait3A_253 = tpu.memref_slice %arg17[%dma_wait3A_251, %dma_wait3A_252] : memref<10000x16xf32, #tpu.memory_space<vmem_shared>> -> memref<10000x16xf32, #tpu.memory_space<vmem_shared>>
        tpu.wait_indirect_dma semaphore(%arg18 : memref<!tpu.dma_semaphore, #tpu.memory_space<semaphore_mem>>) src(%arg16 : memref<80x16xf32, #tpu.memory_space<vmem>>) dst(%dma_wait3A_253 : memref<10000x16xf32, #tpu.memory_space<vmem_shared>>)
      } else {
      }
      %dma_start3A_208 = arith.constant 0 : i32
      %dma_start3A_209 = tpu.memref_slice %arg8[%add3A_197, %dma_start3A_208] : memref<63x80xi32, #tpu.memory_space<vmem>> -> memref<1x80xi32, #tpu.memory_space<vmem>>
      %dma_start3A_210 = tpu.memref_squeeze %dma_start3A_209 : memref<1x80xi32, #tpu.memory_space<vmem>> -> memref<80xi32, #tpu.memory_space<vmem>>
      %dma_start3A_211 = arith.constant 0 : i32
      %dma_start3A_212 = arith.constant 0 : i32
      %dma_start3A_213 = tpu.memref_slice %arg17[%dma_start3A_211, %dma_start3A_212] : memref<10000x16xf32, #tpu.memory_space<vmem_shared>> -> memref<10000x16xf32, #tpu.memory_space<vmem_shared>>
      tpu.enqueue_indirect_dma source(%arg16 : memref<80x16xf32, #tpu.memory_space<vmem>>) target(%dma_start3A_213 : memref<10000x16xf32, #tpu.memory_space<vmem_shared>>) offsets(%dma_start3A_210 : memref<80xi32, #tpu.memory_space<vmem>>) semaphore(%arg18 : memref<!tpu.dma_semaphore, #tpu.memory_space<semaphore_mem>>) {add = true}
      %add3A_214 = arith.constant 2 : i32
      %add3A_215 = arith.addi %add3A_197, %add3A_214 : i32
      %lt3A = arith.constant 62 : i32
      %lt3A_216 = arith.cmpi slt, %add3A_215, %lt3A : i32
      %convert_element_type3A_217 = arith.extui %lt3A_216 : i1 to i32
      %cond3A_218 = arith.constant 0 : i32
      %cond3A_219 = arith.cmpi ne, %convert_element_type3A_217, %cond3A_218 : i32
      scf.if %cond3A_219 {
        %add3A_248 = arith.constant 2 : i32
        %add3A_249 = arith.addi %add3A_197, %add3A_248 : i32
        %dma_start3A_250 = arith.constant 0 : i32
        %dma_start3A_251 = tpu.memref_slice %arg7[%add3A_249, %dma_start3A_250] : memref<63x80xi32, #tpu.memory_space<vmem>> -> memref<1x80xi32, #tpu.memory_space<vmem>>
        %dma_start3A_252 = tpu.memref_squeeze %dma_start3A_251 : memref<1x80xi32, #tpu.memory_space<vmem>> -> memref<80xi32, #tpu.memory_space<vmem>>
        %dma_start3A_253 = arith.constant 0 : i32
        %dma_start3A_254 = arith.constant 0 : i32
        %dma_start3A_255 = tpu.memref_slice %arg2[%dma_start3A_253, %dma_start3A_254] : memref<10000x128xf32, #tpu.memory_space<hbm>> -> memref<10000x128xf32, #tpu.memory_space<hbm>>
        tpu.enqueue_indirect_dma source(%dma_start3A_255 : memref<10000x128xf32, #tpu.memory_space<hbm>>) target(%arg9 : memref<80x128xf32, #tpu.memory_space<vmem>>) offsets(%dma_start3A_252 : memref<80xi32, #tpu.memory_space<vmem>>) semaphore(%arg12 : memref<!tpu.dma_semaphore, #tpu.memory_space<semaphore_mem>>)
      } else {
      }
      %mul3A_220 = arith.constant 2 : i32
      %mul3A_221 = arith.muli %mul3A_220, %scan3A_193 : i32
      %add3A_222 = arith.constant 1 : i32
      %add3A_223 = arith.addi %mul3A_221, %add3A_222 : i32
      %dma_wait3A_224 = arith.constant 0 : i32
      %dma_wait3A_225 = tpu.memref_slice %arg7[%add3A_223, %dma_wait3A_224] : memref<63x80xi32, #tpu.memory_space<vmem>> -> memref<1x80xi32, #tpu.memory_space<vmem>>
      %dma_wait3A_226 = tpu.memref_squeeze %dma_wait3A_225 : memref<1x80xi32, #tpu.memory_space<vmem>> -> memref<80xi32, #tpu.memory_space<vmem>>
      %dma_wait3A_227 = arith.constant 0 : i32
      %dma_wait3A_228 = arith.constant 0 : i32
      %dma_wait3A_229 = tpu.memref_slice %arg2[%dma_wait3A_227, %dma_wait3A_228] : memref<10000x128xf32, #tpu.memory_space<hbm>> -> memref<10000x128xf32, #tpu.memory_space<hbm>>
      tpu.wait_indirect_dma semaphore(%arg13 : memref<!tpu.dma_semaphore, #tpu.memory_space<semaphore_mem>>) src(%dma_wait3A_229 : memref<10000x128xf32, #tpu.memory_space<hbm>>) dst(%arg10 : memref<80x128xf32, #tpu.memory_space<vmem>>)
      "tpu.region"() ({
        %run_scoped3A_248 = tpu.sem_alloc : memref<!tpu.dma_semaphore, #tpu.memory_space<semaphore_mem>>
        %dma_start3A_249 = arith.constant 0 : i32
        %dma_start3A_250 = tpu.memref_slice %arg8[%add3A_223, %dma_start3A_249] : memref<63x80xi32, #tpu.memory_space<vmem>> -> memref<1x80xi32, #tpu.memory_space<vmem>>
        %dma_start3A_251 = tpu.memref_squeeze %dma_start3A_250 : memref<1x80xi32, #tpu.memory_space<vmem>> -> memref<80xi32, #tpu.memory_space<vmem>>
        %dma_start3A_252 = arith.constant 0 : i32
        %dma_start3A_253 = arith.constant 0 : i32
        %dma_start3A_254 = tpu.memref_slice %arg11[%dma_start3A_252, %dma_start3A_253] : memref<10000x128xf32, #tpu.memory_space<vmem_shared>> -> memref<10000x128xf32, #tpu.memory_space<vmem_shared>>
        tpu.enqueue_indirect_dma source(%arg10 : memref<80x128xf32, #tpu.memory_space<vmem>>) target(%dma_start3A_254 : memref<10000x128xf32, #tpu.memory_space<vmem_shared>>) offsets(%dma_start3A_251 : memref<80xi32, #tpu.memory_space<vmem>>) semaphore(%run_scoped3A_248 : memref<!tpu.dma_semaphore, #tpu.memory_space<semaphore_mem>>) {add = true}
        %dma_wait3A_255 = arith.constant 0 : i32
        %dma_wait3A_256 = tpu.memref_slice %arg8[%add3A_223, %dma_wait3A_255] : memref<63x80xi32, #tpu.memory_space<vmem>> -> memref<1x80xi32, #tpu.memory_space<vmem>>
        %dma_wait3A_257 = tpu.memref_squeeze %dma_wait3A_256 : memref<1x80xi32, #tpu.memory_space<vmem>> -> memref<80xi32, #tpu.memory_space<vmem>>
        %dma_wait3A_258 = arith.constant 0 : i32
        %dma_wait3A_259 = arith.constant 0 : i32
        %dma_wait3A_260 = tpu.memref_slice %arg11[%dma_wait3A_258, %dma_wait3A_259] : memref<10000x128xf32, #tpu.memory_space<vmem_shared>> -> memref<10000x128xf32, #tpu.memory_space<vmem_shared>>
        tpu.wait_indirect_dma semaphore(%run_scoped3A_248 : memref<!tpu.dma_semaphore, #tpu.memory_space<semaphore_mem>>) src(%arg10 : memref<80x128xf32, #tpu.memory_space<vmem>>) dst(%dma_wait3A_260 : memref<10000x128xf32, #tpu.memory_space<vmem_shared>>)
        tpu.yield
      }) : () -> ()
      %gt3A_230 = arith.constant 0 : i32
      %gt3A_231 = arith.cmpi sgt, %scan3A_193, %gt3A_230 : i32
      %convert_element_type3A_232 = arith.extui %gt3A_231 : i1 to i32
      %cond3A_233 = arith.constant 0 : i32
      %cond3A_234 = arith.cmpi ne, %convert_element_type3A_232, %cond3A_233 : i32
      scf.if %cond3A_234 {
        %dma_wait3A_248 = arith.constant 0 : i32
        %dma_wait3A_249 = tpu.memref_slice %arg8[%add3A_223, %dma_wait3A_248] : memref<63x80xi32, #tpu.memory_space<vmem>> -> memref<1x80xi32, #tpu.memory_space<vmem>>
        %dma_wait3A_250 = tpu.memref_squeeze %dma_wait3A_249 : memref<1x80xi32, #tpu.memory_space<vmem>> -> memref<80xi32, #tpu.memory_space<vmem>>
        %dma_wait3A_251 = arith.constant 0 : i32
        %dma_wait3A_252 = arith.constant 0 : i32
        %dma_wait3A_253 = tpu.memref_slice %arg17[%dma_wait3A_251, %dma_wait3A_252] : memref<10000x16xf32, #tpu.memory_space<vmem_shared>> -> memref<10000x16xf32, #tpu.memory_space<vmem_shared>>
        tpu.wait_indirect_dma semaphore(%arg19 : memref<!tpu.dma_semaphore, #tpu.memory_space<semaphore_mem>>) src(%arg16 : memref<80x16xf32, #tpu.memory_space<vmem>>) dst(%dma_wait3A_253 : memref<10000x16xf32, #tpu.memory_space<vmem_shared>>)
      } else {
      }
      %dma_start3A_235 = arith.constant 0 : i32
      %dma_start3A_236 = tpu.memref_slice %arg8[%add3A_223, %dma_start3A_235] : memref<63x80xi32, #tpu.memory_space<vmem>> -> memref<1x80xi32, #tpu.memory_space<vmem>>
      %dma_start3A_237 = tpu.memref_squeeze %dma_start3A_236 : memref<1x80xi32, #tpu.memory_space<vmem>> -> memref<80xi32, #tpu.memory_space<vmem>>
      %dma_start3A_238 = arith.constant 0 : i32
      %dma_start3A_239 = arith.constant 0 : i32
      %dma_start3A_240 = tpu.memref_slice %arg17[%dma_start3A_238, %dma_start3A_239] : memref<10000x16xf32, #tpu.memory_space<vmem_shared>> -> memref<10000x16xf32, #tpu.memory_space<vmem_shared>>
      tpu.enqueue_indirect_dma source(%arg16 : memref<80x16xf32, #tpu.memory_space<vmem>>) target(%dma_start3A_240 : memref<10000x16xf32, #tpu.memory_space<vmem_shared>>) offsets(%dma_start3A_237 : memref<80xi32, #tpu.memory_space<vmem>>) semaphore(%arg19 : memref<!tpu.dma_semaphore, #tpu.memory_space<semaphore_mem>>) {add = true}
      %add3A_241 = arith.constant 2 : i32
      %add3A_242 = arith.addi %add3A_223, %add3A_241 : i32
      %lt3A_243 = arith.constant 62 : i32
      %lt3A_244 = arith.cmpi slt, %add3A_242, %lt3A_243 : i32
      %convert_element_type3A_245 = arith.extui %lt3A_244 : i1 to i32
      %cond3A_246 = arith.constant 0 : i32
      %cond3A_247 = arith.cmpi ne, %convert_element_type3A_245, %cond3A_246 : i32
      scf.if %cond3A_247 {
        %add3A_248 = arith.constant 2 : i32
        %add3A_249 = arith.addi %add3A_223, %add3A_248 : i32
        %dma_start3A_250 = arith.constant 0 : i32
        %dma_start3A_251 = tpu.memref_slice %arg7[%add3A_249, %dma_start3A_250] : memref<63x80xi32, #tpu.memory_space<vmem>> -> memref<1x80xi32, #tpu.memory_space<vmem>>
        %dma_start3A_252 = tpu.memref_squeeze %dma_start3A_251 : memref<1x80xi32, #tpu.memory_space<vmem>> -> memref<80xi32, #tpu.memory_space<vmem>>
        %dma_start3A_253 = arith.constant 0 : i32
        %dma_start3A_254 = arith.constant 0 : i32
        %dma_start3A_255 = tpu.memref_slice %arg2[%dma_start3A_253, %dma_start3A_254] : memref<10000x128xf32, #tpu.memory_space<hbm>> -> memref<10000x128xf32, #tpu.memory_space<hbm>>
        tpu.enqueue_indirect_dma source(%dma_start3A_255 : memref<10000x128xf32, #tpu.memory_space<hbm>>) target(%arg10 : memref<80x128xf32, #tpu.memory_space<vmem>>) offsets(%dma_start3A_252 : memref<80xi32, #tpu.memory_space<vmem>>) semaphore(%arg13 : memref<!tpu.dma_semaphore, #tpu.memory_space<semaphore_mem>>)
      } else {
      }
    }
    %scan3A_159 = arith.constant 31 : i32
    %dma_wait3A_160 = arith.constant 60 : i32
    %dma_wait3A_161 = arith.constant 0 : i32
    %dma_wait3A_162 = tpu.memref_slice %arg8[%dma_wait3A_160, %dma_wait3A_161] : memref<63x80xi32, #tpu.memory_space<vmem>> -> memref<1x80xi32, #tpu.memory_space<vmem>>
    %dma_wait3A_163 = tpu.memref_squeeze %dma_wait3A_162 : memref<1x80xi32, #tpu.memory_space<vmem>> -> memref<80xi32, #tpu.memory_space<vmem>>
    %dma_wait3A_164 = arith.constant 0 : i32
    %dma_wait3A_165 = arith.constant 0 : i32
    %dma_wait3A_166 = tpu.memref_slice %arg17[%dma_wait3A_164, %dma_wait3A_165] : memref<10000x16xf32, #tpu.memory_space<vmem_shared>> -> memref<10000x16xf32, #tpu.memory_space<vmem_shared>>
    tpu.wait_indirect_dma semaphore(%arg18 : memref<!tpu.dma_semaphore, #tpu.memory_space<semaphore_mem>>) src(%arg16 : memref<80x16xf32, #tpu.memory_space<vmem>>) dst(%dma_wait3A_166 : memref<10000x16xf32, #tpu.memory_space<vmem_shared>>)
    %dma_wait3A_167 = arith.constant 61 : i32
    %dma_wait3A_168 = arith.constant 0 : i32
    %dma_wait3A_169 = tpu.memref_slice %arg8[%dma_wait3A_167, %dma_wait3A_168] : memref<63x80xi32, #tpu.memory_space<vmem>> -> memref<1x80xi32, #tpu.memory_space<vmem>>
    %dma_wait3A_170 = tpu.memref_squeeze %dma_wait3A_169 : memref<1x80xi32, #tpu.memory_space<vmem>> -> memref<80xi32, #tpu.memory_space<vmem>>
    %dma_wait3A_171 = arith.constant 0 : i32
    %dma_wait3A_172 = arith.constant 0 : i32
    %dma_wait3A_173 = tpu.memref_slice %arg17[%dma_wait3A_171, %dma_wait3A_172] : memref<10000x16xf32, #tpu.memory_space<vmem_shared>> -> memref<10000x16xf32, #tpu.memory_space<vmem_shared>>
    tpu.wait_indirect_dma semaphore(%arg19 : memref<!tpu.dma_semaphore, #tpu.memory_space<semaphore_mem>>) src(%arg16 : memref<80x16xf32, #tpu.memory_space<vmem>>) dst(%dma_wait3A_173 : memref<10000x16xf32, #tpu.memory_space<vmem_shared>>)
    %barrier3A_174 = arith.constant 0 : index
    tpu.barrier barrier_id(%barrier3A_174)
    %mul3A_175 = arith.constant 624 : i32
    %mul3A_176 = arith.muli %arg1, %mul3A_175 : i32
    %mul3A_177 = arith.constant 624 : i32
    %mul3A_178 = arith.muli %arg1, %mul3A_177 : i32
    "tpu.region"() ({
      %run_scoped3A_193 = tpu.sem_alloc : memref<!tpu.dma_semaphore, #tpu.memory_space<semaphore_mem>>
      %dma_start3A_194 = arith.constant 0 : i32
      %dma_start3A_195 = tpu.memref_slice %arg5[%arg0, %mul3A_178, %dma_start3A_194] : memref<2x10000x128xf32, #tpu.memory_space<hbm>> -> memref<1x624x128xf32, #tpu.memory_space<hbm>>
      %dma_start3A_196 = tpu.memref_squeeze %dma_start3A_195 : memref<1x624x128xf32, #tpu.memory_space<hbm>> -> memref<624x128xf32, #tpu.memory_space<hbm>>
      %dma_start3A_197 = arith.constant 0 : i32
      %dma_start3A_198 = tpu.memref_slice %arg11[%mul3A_176, %dma_start3A_197] : memref<10000x128xf32, #tpu.memory_space<vmem_shared>> -> memref<624x128xf32, #tpu.memory_space<vmem_shared>>
      tpu.enqueue_dma source(%dma_start3A_198 : memref<624x128xf32, #tpu.memory_space<vmem_shared>>) target(%dma_start3A_196 : memref<624x128xf32, #tpu.memory_space<hbm>>) target_semaphore(%run_scoped3A_193 : memref<!tpu.dma_semaphore, #tpu.memory_space<semaphore_mem>>)
      %dma_wait3A_199 = arith.constant 0 : i32
      %dma_wait3A_200 = tpu.memref_slice %arg5[%arg0, %mul3A_178, %dma_wait3A_199] : memref<2x10000x128xf32, #tpu.memory_space<hbm>> -> memref<1x624x128xf32, #tpu.memory_space<hbm>>
      %dma_wait3A_201 = tpu.memref_squeeze %dma_wait3A_200 : memref<1x624x128xf32, #tpu.memory_space<hbm>> -> memref<624x128xf32, #tpu.memory_space<hbm>>
      %dma_wait3A_202 = arith.constant 0 : i32
      %dma_wait3A_203 = tpu.memref_slice %arg11[%mul3A_176, %dma_wait3A_202] : memref<10000x128xf32, #tpu.memory_space<vmem_shared>> -> memref<624x128xf32, #tpu.memory_space<vmem_shared>>
      tpu.wait_dma2 semaphore(%run_scoped3A_193 : memref<!tpu.dma_semaphore, #tpu.memory_space<semaphore_mem>>) src(%dma_wait3A_203 : memref<624x128xf32, #tpu.memory_space<vmem_shared>>) dst(%dma_wait3A_201 : memref<624x128xf32, #tpu.memory_space<hbm>>)
      tpu.yield
    }) : () -> ()
    %eq3A_179 = arith.constant 0 : i32
    %eq3A_180 = arith.cmpi eq, %arg1, %eq3A_179 : i32
    %convert_element_type3A_181 = arith.extui %eq3A_180 : i1 to i32
    %cond3A_182 = arith.constant 0 : i32
    %cond3A_183 = arith.cmpi ne, %convert_element_type3A_181, %cond3A_182 : i32
    scf.if %cond3A_183 {
      "tpu.region"() ({
        %run_scoped3A_193 = tpu.sem_alloc : memref<!tpu.dma_semaphore, #tpu.memory_space<semaphore_mem>>
        %dma_start3A_194 = arith.constant 9984 : i32
        %dma_start3A_195 = arith.constant 0 : i32
        %dma_start3A_196 = tpu.memref_slice %arg5[%arg0, %dma_start3A_194, %dma_start3A_195] : memref<2x10000x128xf32, #tpu.memory_space<hbm>> -> memref<1x16x128xf32, #tpu.memory_space<hbm>>
        %dma_start3A_197 = tpu.memref_squeeze %dma_start3A_196 : memref<1x16x128xf32, #tpu.memory_space<hbm>> -> memref<16x128xf32, #tpu.memory_space<hbm>>
        %dma_start3A_198 = arith.constant 9984 : i32
        %dma_start3A_199 = arith.constant 0 : i32
        %dma_start3A_200 = tpu.memref_slice %arg11[%dma_start3A_198, %dma_start3A_199] : memref<10000x128xf32, #tpu.memory_space<vmem_shared>> -> memref<16x128xf32, #tpu.memory_space<vmem_shared>>
        tpu.enqueue_dma source(%dma_start3A_200 : memref<16x128xf32, #tpu.memory_space<vmem_shared>>) target(%dma_start3A_197 : memref<16x128xf32, #tpu.memory_space<hbm>>) target_semaphore(%run_scoped3A_193 : memref<!tpu.dma_semaphore, #tpu.memory_space<semaphore_mem>>)
        %dma_wait3A_201 = arith.constant 9984 : i32
        %dma_wait3A_202 = arith.constant 0 : i32
        %dma_wait3A_203 = tpu.memref_slice %arg5[%arg0, %dma_wait3A_201, %dma_wait3A_202] : memref<2x10000x128xf32, #tpu.memory_space<hbm>> -> memref<1x16x128xf32, #tpu.memory_space<hbm>>
        %dma_wait3A_204 = tpu.memref_squeeze %dma_wait3A_203 : memref<1x16x128xf32, #tpu.memory_space<hbm>> -> memref<16x128xf32, #tpu.memory_space<hbm>>
        %dma_wait3A_205 = arith.constant 9984 : i32
        %dma_wait3A_206 = arith.constant 0 : i32
        %dma_wait3A_207 = tpu.memref_slice %arg11[%dma_wait3A_205, %dma_wait3A_206] : memref<10000x128xf32, #tpu.memory_space<vmem_shared>> -> memref<16x128xf32, #tpu.memory_space<vmem_shared>>
        tpu.wait_dma2 semaphore(%run_scoped3A_193 : memref<!tpu.dma_semaphore, #tpu.memory_space<semaphore_mem>>) src(%dma_wait3A_207 : memref<16x128xf32, #tpu.memory_space<vmem_shared>>) dst(%dma_wait3A_204 : memref<16x128xf32, #tpu.memory_space<hbm>>)
        tpu.yield
      }) : () -> ()
    } else {
    }
    %mul3A_184 = arith.constant 624 : i32
    %mul3A_185 = arith.muli %arg1, %mul3A_184 : i32
    %mul3A_186 = arith.constant 624 : i32
    %mul3A_187 = arith.muli %arg1, %mul3A_186 : i32
    "tpu.region"() ({
      %run_scoped3A_193 = tpu.sem_alloc : memref<!tpu.dma_semaphore, #tpu.memory_space<semaphore_mem>>
      %dma_start3A_194 = arith.constant 0 : i32
      %dma_start3A_195 = tpu.memref_slice %arg6[%arg0, %mul3A_187, %dma_start3A_194] : memref<2x10000x16xf32, #tpu.memory_space<hbm>> -> memref<1x624x16xf32, #tpu.memory_space<hbm>>
      %dma_start3A_196 = tpu.memref_squeeze %dma_start3A_195 : memref<1x624x16xf32, #tpu.memory_space<hbm>> -> memref<624x16xf32, #tpu.memory_space<hbm>>
      %dma_start3A_197 = arith.constant 0 : i32
      %dma_start3A_198 = tpu.memref_slice %arg17[%mul3A_185, %dma_start3A_197] : memref<10000x16xf32, #tpu.memory_space<vmem_shared>> -> memref<624x16xf32, #tpu.memory_space<vmem_shared>>
      tpu.enqueue_dma source(%dma_start3A_198 : memref<624x16xf32, #tpu.memory_space<vmem_shared>>) target(%dma_start3A_196 : memref<624x16xf32, #tpu.memory_space<hbm>>) target_semaphore(%run_scoped3A_193 : memref<!tpu.dma_semaphore, #tpu.memory_space<semaphore_mem>>)
      %dma_wait3A_199 = arith.constant 0 : i32
      %dma_wait3A_200 = tpu.memref_slice %arg6[%arg0, %mul3A_187, %dma_wait3A_199] : memref<2x10000x16xf32, #tpu.memory_space<hbm>> -> memref<1x624x16xf32, #tpu.memory_space<hbm>>
      %dma_wait3A_201 = tpu.memref_squeeze %dma_wait3A_200 : memref<1x624x16xf32, #tpu.memory_space<hbm>> -> memref<624x16xf32, #tpu.memory_space<hbm>>
      %dma_wait3A_202 = arith.constant 0 : i32
      %dma_wait3A_203 = tpu.memref_slice %arg17[%mul3A_185, %dma_wait3A_202] : memref<10000x16xf32, #tpu.memory_space<vmem_shared>> -> memref<624x16xf32, #tpu.memory_space<vmem_shared>>
      tpu.wait_dma2 semaphore(%run_scoped3A_193 : memref<!tpu.dma_semaphore, #tpu.memory_space<semaphore_mem>>) src(%dma_wait3A_203 : memref<624x16xf32, #tpu.memory_space<vmem_shared>>) dst(%dma_wait3A_201 : memref<624x16xf32, #tpu.memory_space<hbm>>)
      tpu.yield
    }) : () -> ()
    %eq3A_188 = arith.constant 0 : i32
    %eq3A_189 = arith.cmpi eq, %arg1, %eq3A_188 : i32
    %convert_element_type3A_190 = arith.extui %eq3A_189 : i1 to i32
    %cond3A_191 = arith.constant 0 : i32
    %cond3A_192 = arith.cmpi ne, %convert_element_type3A_190, %cond3A_191 : i32
    scf.if %cond3A_192 {
      "tpu.region"() ({
        %run_scoped3A_193 = tpu.sem_alloc : memref<!tpu.dma_semaphore, #tpu.memory_space<semaphore_mem>>
        %dma_start3A_194 = arith.constant 9984 : i32
        %dma_start3A_195 = arith.constant 0 : i32
        %dma_start3A_196 = tpu.memref_slice %arg6[%arg0, %dma_start3A_194, %dma_start3A_195] : memref<2x10000x16xf32, #tpu.memory_space<hbm>> -> memref<1x16x16xf32, #tpu.memory_space<hbm>>
        %dma_start3A_197 = tpu.memref_squeeze %dma_start3A_196 : memref<1x16x16xf32, #tpu.memory_space<hbm>> -> memref<16x16xf32, #tpu.memory_space<hbm>>
        %dma_start3A_198 = arith.constant 9984 : i32
        %dma_start3A_199 = arith.constant 0 : i32
        %dma_start3A_200 = tpu.memref_slice %arg17[%dma_start3A_198, %dma_start3A_199] : memref<10000x16xf32, #tpu.memory_space<vmem_shared>> -> memref<16x16xf32, #tpu.memory_space<vmem_shared>>
        tpu.enqueue_dma source(%dma_start3A_200 : memref<16x16xf32, #tpu.memory_space<vmem_shared>>) target(%dma_start3A_197 : memref<16x16xf32, #tpu.memory_space<hbm>>) target_semaphore(%run_scoped3A_193 : memref<!tpu.dma_semaphore, #tpu.memory_space<semaphore_mem>>)
        %dma_wait3A_201 = arith.constant 9984 : i32
        %dma_wait3A_202 = arith.constant 0 : i32
        %dma_wait3A_203 = tpu.memref_slice %arg6[%arg0, %dma_wait3A_201, %dma_wait3A_202] : memref<2x10000x16xf32, #tpu.memory_space<hbm>> -> memref<1x16x16xf32, #tpu.memory_space<hbm>>
        %dma_wait3A_204 = tpu.memref_squeeze %dma_wait3A_203 : memref<1x16x16xf32, #tpu.memory_space<hbm>> -> memref<16x16xf32, #tpu.memory_space<hbm>>
        %dma_wait3A_205 = arith.constant 9984 : i32
        %dma_wait3A_206 = arith.constant 0 : i32
        %dma_wait3A_207 = tpu.memref_slice %arg17[%dma_wait3A_205, %dma_wait3A_206] : memref<10000x16xf32, #tpu.memory_space<vmem_shared>> -> memref<16x16xf32, #tpu.memory_space<vmem_shared>>
        tpu.wait_dma2 semaphore(%run_scoped3A_193 : memref<!tpu.dma_semaphore, #tpu.memory_space<semaphore_mem>>) src(%dma_wait3A_207 : memref<16x16xf32, #tpu.memory_space<vmem_shared>>) dst(%dma_wait3A_204 : memref<16x16xf32, #tpu.memory_space<hbm>>)
        tpu.yield
      }) : () -> ()
    } else {
    }
    return
  }
}

module attributes {stable_mosaic.version = 14 : i64} {
  func.func @body(%arg0: i32, %arg1: memref<2x1000x128xf32, #tpu.memory_space<vmem>>, %arg2: memref<2x1000x16xf32, #tpu.memory_space<vmem>>, %arg3: memref<1000x128xf32, #tpu.memory_space<vmem>>) attributes {dimension_semantics = [#tpu.dimension_semantics<arbitrary>], iteration_bounds = array<i64: 10>, scalar_prefetch = 0 : i64, scratch_operands = 0 : i64, tpu.core_type = #tpu.core_type<tc>, window_params = [{transform_indices = @transform_0, window_bounds = array<i64: 2, 1000, 128>}, {transform_indices = @transform_1, window_bounds = array<i64: 2, 1000, 16>}, {transform_indices = @transform_2, window_bounds = array<i64: 1000, 128>}]} {
    %get3A = arith.constant 0 : index
    %get3A_0 = arith.constant 0 : index
    %get3A_1 = arith.constant 0 : index
    %get3A_2 = vector.load %arg2[%get3A, %get3A_0, %get3A_1] : memref<2x1000x16xf32, #tpu.memory_space<vmem>>, vector<1x1000x16xf32>
    %get3A_3 = vector.shape_cast %get3A_2 : vector<1x1000x16xf32> to vector<1000x16xf32>
    %get3A_4 = arith.constant 1 : index
    %get3A_5 = arith.constant 0 : index
    %get3A_6 = arith.constant 0 : index
    %get3A_7 = vector.load %arg2[%get3A_4, %get3A_5, %get3A_6] : memref<2x1000x16xf32, #tpu.memory_space<vmem>>, vector<1x1000x16xf32>
    %get3A_8 = vector.shape_cast %get3A_7 : vector<1x1000x16xf32> to vector<1000x16xf32>
    %add3A = arith.addf %get3A_3, %get3A_8 : vector<1000x16xf32>
    %reduce_sum3A = arith.constant dense<0.000000e+00> : vector<1000xf32>
    %reduce_sum3A_9 = vector.multi_reduction <add>, %add3A, %reduce_sum3A [1] : vector<1000x16xf32> to vector<1000xf32>
    %mul3A = arith.constant 6.250000e-02 : f32
    %mul3A_10 = vector.broadcast %mul3A : f32 to vector<1000xf32>
    %mul3A_11 = arith.mulf %reduce_sum3A_9, %mul3A_10 : vector<1000xf32>
    %get3A_12 = arith.constant 0 : index
    %get3A_13 = arith.constant 0 : index
    %get3A_14 = arith.constant 0 : index
    %get3A_15 = vector.load %arg1[%get3A_12, %get3A_13, %get3A_14] : memref<2x1000x128xf32, #tpu.memory_space<vmem>>, vector<1x1000x128xf32>
    %get3A_16 = vector.shape_cast %get3A_15 : vector<1x1000x128xf32> to vector<1000x128xf32>
    %get3A_17 = arith.constant 1 : index
    %get3A_18 = arith.constant 0 : index
    %get3A_19 = arith.constant 0 : index
    %get3A_20 = vector.load %arg1[%get3A_17, %get3A_18, %get3A_19] : memref<2x1000x128xf32, #tpu.memory_space<vmem>>, vector<1x1000x128xf32>
    %get3A_21 = vector.shape_cast %get3A_20 : vector<1x1000x128xf32> to vector<1000x128xf32>
    %add3A_22 = arith.addf %get3A_16, %get3A_21 : vector<1000x128xf32>
    %max3A = arith.constant 1.000000e+00 : f32
    %max3A_23 = vector.broadcast %max3A : f32 to vector<1000xf32>
    %max3A_24 = arith.maximumf %mul3A_11, %max3A_23 : vector<1000xf32>
    %broadcast_in_dim3A = vector.shape_cast %max3A_24 : vector<1000xf32> to vector<1000x1xf32>
    %div3A = vector.broadcast %broadcast_in_dim3A : vector<1000x1xf32> to vector<1000x128xf32>
    %div3A_25 = arith.divf %add3A_22, %div3A : vector<1000x128xf32>
    %swap3A = arith.constant 0 : index
    %swap3A_26 = arith.constant 0 : index
    %swap3A_27 = vector.load %arg3[%swap3A, %swap3A_26] : memref<1000x128xf32, #tpu.memory_space<vmem>>, vector<1000x128xf32>
    tpu.vector_store %arg3[%swap3A, %swap3A_26], %div3A_25 {strides = array<i32>} : memref<1000x128xf32, #tpu.memory_space<vmem>>, vector<1000x128xf32>,
    return
  }
  func.func @transform_0(%arg0: i32) -> (i32, i32, i32) {
    %c0_i32 = arith.constant 0 : i32
    %c0_i32_0 = arith.constant 0 : i32
    %c0_i32_1 = arith.constant 0 : i32
    return %c0_i32, %arg0, %c0_i32_0 : i32, i32, i32
  }
  func.func @transform_1(%arg0: i32) -> (i32, i32, i32) {
    %c0_i32 = arith.constant 0 : i32
    %c0_i32_0 = arith.constant 0 : i32
    %c0_i32_1 = arith.constant 0 : i32
    return %c0_i32, %arg0, %c0_i32_0 : i32, i32, i32
  }
  func.func @transform_2(%arg0: i32) -> (i32, i32) {
    %c0_i32 = arith.constant 0 : i32
    %c0_i32_0 = arith.constant 0 : i32
    return %arg0, %c0_i32 : i32, i32
  }
}

module attributes {stable_mosaic.version = 14 : i64} {
  func.func @body(%arg0: i32, %arg1: memref<1000x128xf32, #tpu.memory_space<vmem>>, %arg2: memref<128x128xf32, #tpu.memory_space<vmem>>, %arg3: memref<1000x128xf32, #tpu.memory_space<vmem>>) attributes {dimension_semantics = [#tpu.dimension_semantics<arbitrary>], iteration_bounds = array<i64: 10>, scalar_prefetch = 0 : i64, scratch_operands = 0 : i64, tpu.core_type = #tpu.core_type<tc>, window_params = [{transform_indices = @transform_0, window_bounds = array<i64: 1000, 128>}, {pipeline_mode = #tpu.pipeline_mode<synchronous>, transform_indices = @transform_1, window_bounds = array<i64: 128, 128>}, {transform_indices = @transform_2, window_bounds = array<i64: 1000, 128>}]} {
    %get3A = arith.constant 0 : index
    %get3A_0 = arith.constant 0 : index
    %get3A_1 = vector.load %arg1[%get3A, %get3A_0] : memref<1000x128xf32, #tpu.memory_space<vmem>>, vector<1000x128xf32>
    %get3A_2 = arith.constant 0 : index
    %get3A_3 = arith.constant 0 : index
    %get3A_4 = vector.load %arg2[%get3A_2, %get3A_3] : memref<128x128xf32, #tpu.memory_space<vmem>>, vector<128x128xf32>
    %dot_general3A = arith.constant dense<0.000000e+00> : vector<1000x128xf32>
    %dot_general3A_5 = tpu.matmul %get3A_1, %get3A_4, %dot_general3A {dimension_numbers = #tpu.dot_dimension_numbers<[1], [1], [0], [0], [0, 0, 1, 0], [], []>, transpose_lhs_hint = false} : vector<1000x128xf32>, vector<128x128xf32>, vector<1000x128xf32> -> vector<1000x128xf32>
    %swap3A = arith.constant 0 : index
    %swap3A_6 = arith.constant 0 : index
    %swap3A_7 = vector.load %arg3[%swap3A, %swap3A_6] : memref<1000x128xf32, #tpu.memory_space<vmem>>, vector<1000x128xf32>
    tpu.vector_store %arg3[%swap3A, %swap3A_6], %dot_general3A_5 {strides = array<i32>} : memref<1000x128xf32, #tpu.memory_space<vmem>>, vector<1000x128xf32>,
    return
  }
  func.func @transform_0(%arg0: i32) -> (i32, i32) {
    %c0_i32 = arith.constant 0 : i32
    %c0_i32_0 = arith.constant 0 : i32
    return %arg0, %c0_i32 : i32, i32
  }
  func.func @transform_1(%arg0: i32) -> (i32, i32) {
    %c0_i32 = arith.constant 0 : i32
    %c0_i32_0 = arith.constant 0 : i32
    %c0_i32_1 = arith.constant 0 : i32
    return %c0_i32, %c0_i32_0 : i32, i32
  }
  func.func @transform_2(%arg0: i32) -> (i32, i32) {
    %c0_i32 = arith.constant 0 : i32
    %c0_i32_0 = arith.constant 0 : i32
    return %arg0, %c0_i32 : i32, i32
  }
}

module attributes {stable_mosaic.version = 14 : i64} {
  func.func @body(%arg0: i32, %arg1: memref<1000x128xf32, #tpu.memory_space<vmem>>, %arg2: memref<2x1000x128xf32, #tpu.memory_space<vmem>>, %arg3: memref<1xf32, #tpu.memory_space<smem>>, %arg4: memref<1000x128xf32, #tpu.memory_space<vmem>>) attributes {dimension_semantics = [#tpu.dimension_semantics<arbitrary>], iteration_bounds = array<i64: 10>, scalar_prefetch = 0 : i64, scratch_operands = 0 : i64, tpu.core_type = #tpu.core_type<tc>, window_params = [{transform_indices = @transform_0, window_bounds = array<i64: 1000, 128>}, {transform_indices = @transform_1, window_bounds = array<i64: 2, 1000, 128>}, {transform_indices = @transform_2, window_bounds = array<i64: 1>}, {transform_indices = @transform_3, window_bounds = array<i64: 1000, 128>}]} {
    %get3A = arith.constant 0 : index
    %get3A_0 = memref.load %arg3[%get3A] : memref<1xf32, #tpu.memory_space<smem>>
    %add3A = arith.constant 1.000000e+00 : f32
    %add3A_1 = arith.addf %add3A, %get3A_0 : f32
    %get3A_2 = arith.constant 0 : index
    %get3A_3 = arith.constant 0 : index
    %get3A_4 = vector.load %arg1[%get3A_2, %get3A_3] : memref<1000x128xf32, #tpu.memory_space<vmem>>, vector<1000x128xf32>
    %mul3A = vector.broadcast %add3A_1 : f32 to vector<1000x128xf32>
    %mul3A_5 = arith.mulf %mul3A, %get3A_4 : vector<1000x128xf32>
    %get3A_6 = arith.constant 0 : index
    %get3A_7 = arith.constant 0 : index
    %get3A_8 = arith.constant 0 : index
    %get3A_9 = vector.load %arg2[%get3A_6, %get3A_7, %get3A_8] : memref<2x1000x128xf32, #tpu.memory_space<vmem>>, vector<1x1000x128xf32>
    %get3A_10 = vector.shape_cast %get3A_9 : vector<1x1000x128xf32> to vector<1000x128xf32>
    %add3A_11 = arith.addf %mul3A_5, %get3A_10 : vector<1000x128xf32>
    %get3A_12 = arith.constant 1 : index
    %get3A_13 = arith.constant 0 : index
    %get3A_14 = arith.constant 0 : index
    %get3A_15 = vector.load %arg2[%get3A_12, %get3A_13, %get3A_14] : memref<2x1000x128xf32, #tpu.memory_space<vmem>>, vector<1x1000x128xf32>
    %get3A_16 = vector.shape_cast %get3A_15 : vector<1x1000x128xf32> to vector<1000x128xf32>
    %add3A_17 = arith.addf %add3A_11, %get3A_16 : vector<1000x128xf32>
    %swap3A = arith.constant 0 : index
    %swap3A_18 = arith.constant 0 : index
    %swap3A_19 = vector.load %arg4[%swap3A, %swap3A_18] : memref<1000x128xf32, #tpu.memory_space<vmem>>, vector<1000x128xf32>
    tpu.vector_store %arg4[%swap3A, %swap3A_18], %add3A_17 {strides = array<i32>} : memref<1000x128xf32, #tpu.memory_space<vmem>>, vector<1000x128xf32>,
    return
  }
  func.func @transform_0(%arg0: i32) -> (i32, i32) {
    %c0_i32 = arith.constant 0 : i32
    %c0_i32_0 = arith.constant 0 : i32
    return %arg0, %c0_i32 : i32, i32
  }
  func.func @transform_1(%arg0: i32) -> (i32, i32, i32) {
    %c0_i32 = arith.constant 0 : i32
    %c0_i32_0 = arith.constant 0 : i32
    %c0_i32_1 = arith.constant 0 : i32
    return %c0_i32, %arg0, %c0_i32_0 : i32, i32, i32
  }
  func.func @transform_2(%arg0: i32) -> i32 {
    %c0_i32 = arith.constant 0 : i32
    %c0_i32_0 = arith.constant 0 : i32
    return %c0_i32 : i32
  }
  func.func @transform_3(%arg0: i32) -> (i32, i32) {
    %c0_i32 = arith.constant 0 : i32
    %c0_i32_0 = arith.constant 0 : i32
    return %arg0, %c0_i32 : i32, i32
  }
}

</mosaic_0001>

<sc_bundles>
// kernel: kernel.10.cloned.1.call-start
scs
__scs_entry_jumppad:
0x0: {  	(pc) =	sbr.rel $0x88, $3  }
0x1: {  	(tag) =	ssettag $0x0;
	lr =	simm.s32 $0x1  }
0x2: {  	[smem:$0x3F9C] =	sst lr;
	_ =	strace $0xD0000000  }
0x3: {  	_ = 	snop  }
0x4: {  	_ = 	snop  }
0x5: {  	_ = 	snop  }
0x6: {  	_ = 	snop  }
0x7: {  	_ = 	snop  }
__scs_overlays_trampoline_lowered:
0x8: {  	[smem:$0x3FAB] =	sst s0  }
0x9: {  	[smem:$0x3FAC] =	sst s1  }
0xa: {  	[smem:$0x3FAD] =	sst s2  }
0xb: {  	[smem:$0x3FAE] =	sst s3  }
0xc: {  	[smem:$0x3FAF] =	sst s4  }
0xd: {  	[smem:$0x3FB0] =	sst s5  }
0xe: {  	[smem:$0x3FB1] =	sst s6  }
0xf: {  	[smem:$0x3FB2] =	sst s7  }
0x10: {  	[smem:$0x3FB3] =	sst s8  }
0x11: {  	[smem:$0x3FB4] =	sst s9;
	s0 =	simm.s32 @!p0 $0x0  }
0x12: {  	s1 =	sld [smem:$0x3F9A];
	s0 =	simm.s32 @p0 $0x1  }
0x13: {  	[smem:$0x3FB5] =	sst s0;
	s0 =	simm.s32 @!p1 $0x0  }
0x14: {  	s2 =	sld [smem:$0x3F99];
	s0 =	simm.s32 @p1 $0x1  }
0x15: {  	[smem:$0x3FB6] =	sst s0;
	s0 =	simm.s32 @!p2 $0x0  }
0x16: {  	s3 =	sld [smem:$0x3FDB];
	s0 =	simm.s32 @p2 $0x1  }
0x17: {  	s4 =	simm.s32 $0x1BF5;
	[smem:$0x3FB8] =	sst s0  }
0x18: {  	s0 =	sld [smem:$0x3F9B];
	_ =	swait.ge [sflag:s4], $0x0  }
0x19: {  	s7 =	sld [smem:$0x3F9C]  }
0x1a: {  	s8 =	sadd.s32 $0xFFFFE003, lr  }
0x1b: {  	s9 =	sadd.s32 $0xFFFFFEF7, lr;
	s5 =	simm.s32 $0xFFFFFFFF;
	p2 =	slt.u32 s8, $0xFFFFF086  }
0x1c: {  	p1 =	slt.u32 s9, $0xF7A;
	s5 =	simm.s32 @!p2 $0x0  }
0x1d: {  	s5 =	simm.s32 @p1 $0x1;
	p0 =	seq.s32 s7, s2  }
0x1e: {  	s7 =	smul.u32 @!p0 $0xF7A, s2;
	p2 =	seq.s32 @!p0 s5, $0x0  }
0x1f: {  	s9 =	smul.u32 $0xF7A, s1;
	s8 =	simm.s32 @!p0 $0x1BF5;
	p2 =	por !p2, p0  }
0x20: {  	[sflag:s8] =	ssyncset.s32 @!p0 $0xFFFFF086;
	s6 =	sadd.s32 @!p0 s3, s7;
	s7 =	simm.s32 @!p0 $0x108  }
0x21: {  	s3 =	sadd.s32 s3, s9;
	s6 =	sadd.s32 @!p0 $0x88, s6;
	s7 =	simm.s32 @p2 $0x1082  }
0x22: {  	[simem:s7], [sflag:s8] =	dma.local @!p0 [hbm:s6], $0xF7A  }
0x23: {  	s9 =	sor.u32 $0xD0000000, s2;
	s6 =	simm.s32 $0x108;
	_ =	swait.ge @!p0 [sflag:s8], $0x0  }
0x24: {  	s3 =	sadd.s32 $0x88, s3;
	s6 =	simm.s32 @!p1 $0x1082;
	[sflag:s4] =	ssyncset.s32 $0xFFFFF086  }
0x25: {  	[simem:s6], [sflag:s4] =	dma.local [hbm:s3], $0xF7A  }
0x26: {  	[smem:$0x3F9C] =	sst s1;
	(tag) =	ssettag s2;
	_ =	strace s9  }
0x27: {  	s1 =	sld [smem:$0x3FAC]  }
0x28: {  	s2 =	sld [smem:$0x3FAD]  }
0x29: {  	s4 =	sld [smem:$0x3FAF]  }
0x2a: {  	p0 =	seq.s32 s5, $0x0;
	s5 =	sld [smem:$0x3FB0]  }
0x2b: {  	s6 =	sld [smem:$0x3FB1]  }
0x2c: {  	s7 =	sld [smem:$0x3FB2]  }
0x2d: {  	s3 =	simm.s32 $0x108;
	s8 =	sld [smem:$0x3FB3]  }
0x2e: {  	s3 =	simm.s32 @!p0 $0x1082;
	s9 =	sld [smem:$0x3FB4]  }
0x2f: {  	lr =	sadd.s32 s0, s3;
	s0 =	sld [smem:$0x3FAB]  }
0x30: {  	s3 =	sld [smem:$0x3FAE]  }
0x31: {  	[smem:$0x3FB7] =	sst s10  }
0x32: {  	s10 =	sld [smem:$0x3FB5];
	_ =	sdelay $0x3  }
0x33: {  	p0 =	seq.s32 s10, $0x1;
	s10 =	sld [smem:$0x3FB7];
	_ =	sdelay $0x3  }
0x34: {  	[smem:$0x3FB7] =	sst s10  }
0x35: {  	s10 =	sld [smem:$0x3FB6];
	_ =	sdelay $0x3  }
0x36: {  	p1 =	seq.s32 s10, $0x1;
	s10 =	sld [smem:$0x3FB7];
	_ =	sdelay $0x3  }
0x37: {  	[smem:$0x3FB7] =	sst s10  }
0x38: {  	s10 =	sld [smem:$0x3FB8]  }
0x39: {  	_ = 	snop;
	(pc) =	sbr.ind lr, $3  }
0x3a: {  	_ = 	snop  }
0x3b: {  	_ = 	snop  }
0x3c: {  	p2 =	seq.s32 s10, $0x1;
	s10 =	sld [smem:$0x3FB7]  }
0x3d: {  	_ =	shalt  }
0x3e: {  	_ =	shalt  }
0x3f: {  	_ =	shalt  }
0x40: {  	_ =	shalt  }
0x41: {  	_ =	shalt  }
0x42: {  	_ =	shalt  }
0x43: {  	_ =	shalt  }
0x44: {  	_ =	shalt  }
0x45: {  	_ =	shalt  }
0x46: {  	_ =	shalt  }
0x47: {  	_ =	shalt  }
0x48: {  	_ =	shalt  }
0x49: {  	_ =	shalt  }
0x4a: {  	_ =	shalt  }
0x4b: {  	_ =	shalt  }
0x4c: {  	_ =	shalt  }
0x4d: {  	_ =	shalt  }
0x4e: {  	_ =	shalt  }
0x4f: {  	_ =	shalt  }
0x50: {  	_ =	shalt  }
0x51: {  	_ =	shalt  }
0x52: {  	_ =	shalt  }
0x53: {  	_ =	shalt  }
0x54: {  	_ =	shalt  }
0x55: {  	_ =	shalt  }
0x56: {  	_ =	shalt  }
0x57: {  	_ =	shalt  }
0x58: {  	_ =	shalt  }
0x59: {  	_ =	shalt  }
0x5a: {  	_ =	shalt  }
0x5b: {  	_ =	shalt  }
0x5c: {  	_ =	shalt  }
0x5d: {  	_ =	shalt  }
0x5e: {  	_ =	shalt  }
0x5f: {  	_ =	shalt  }
0x60: {  	_ =	shalt  }
0x61: {  	_ =	shalt  }
0x62: {  	_ =	shalt  }
0x63: {  	_ =	shalt  }
0x64: {  	_ =	shalt  }
0x65: {  	_ =	shalt  }
0x66: {  	_ =	shalt  }
0x67: {  	_ =	shalt  }
0x68: {  	_ =	shalt  }
0x69: {  	_ =	shalt  }
0x6a: {  	_ =	shalt  }
0x6b: {  	_ =	shalt  }
0x6c: {  	_ =	shalt  }
0x6d: {  	_ =	shalt  }
0x6e: {  	_ =	shalt  }
0x6f: {  	_ =	shalt  }
0x70: {  	_ =	shalt  }
0x71: {  	_ =	shalt  }
0x72: {  	_ =	shalt  }
0x73: {  	_ =	shalt  }
0x74: {  	_ =	shalt  }
0x75: {  	_ =	shalt  }
0x76: {  	_ =	shalt  }
0x77: {  	_ =	shalt  }
0x78: {  	_ =	shalt  }
0x79: {  	_ =	shalt  }
0x7a: {  	_ =	shalt  }
0x7b: {  	_ =	shalt  }
0x7c: {  	_ =	shalt  }
0x7d: {  	_ =	shalt  }
0x7e: {  	_ =	shalt  }
0x7f: {  	_ =	shalt  }
0x80: {  	_ =	shalt  }
0x81: {  	_ =	shalt  }
0x82: {  	_ =	shalt  }
0x83: {  	_ =	shalt  }
0x84: {  	_ =	shalt  }
0x85: {  	_ =	shalt  }
0x86: {  	_ =	shalt  }
0x87: {  	_ =	shalt  }
.Lfunc_end0:
.L_simem_size_0:
called_computation.1_lowered:
.L_overlay_start_0:
0x88: {  	s2 =	sld [smem:$0x3FD9]  }
0x89: {  	s3 =	sld [smem:$0x3FFE];
	_ =	sdelay $0x1  }
0x8a: {  	s1 =	srdreg.scid  }
0x8b: {  	s0 =	sand.u32 $0x1, s1  }
0x8c: {  	s14 =	sshll.u32 s0, $0xA;
	s2 =	sadd.s32 s3, s2  }
0x8d: {  	s2 =	sadd.s32 s2, s14  }
0x8e: {  	[smem:$0x3FC3] =	sst s2  }
0x8f: {  	_ = 	snop  }
0x90: {  	s2 =	sld [smem:$0x3FD0];
	_ =	sdelay $0x1  }
0x91: {  	s15 =	sld [smem:$0x3FC8]  }
0x92: {  	s5 =	simm.s32 $0xA;
	s6 =	simm.s32 $0x10;
	s4 =	sld [smem:$0x3FC7]  }
0x93: {  	[smem:s6], [sflag:s5] =	dma.local [hbm:s2], $0x1  }
0x94: {  	_ =	swait.eq [sflag:s5], $0x1  }
0x95: {  	[sflag:s5] =	ssyncset.done $0x0  }
0x96: {  	[sflag:s5] =	ssyncadd.s32 $0xFFFFFFFF  }
0x97: {  	s16 =	sld [smem:$0x11];
	(tm) =	ssettm $0x1  }
0x98: {  	s17 =	sld [smem:$0x3FFB];
	_ =	sdelay $0x3  }
0x99: {  	_ =	strace s17  }
0x9a: {  	s5 =	sld [smem:$0x3FFC];
	_ =	sdelay $0x3  }
0x9b: {  	_ =	strace s5  }
0x9c: {  	s5 =	sld [smem:$0x3FFD];
	_ =	sdelay $0x3  }
0x9d: {  	_ =	strace s5  }
0x9e: {  	_ =	strace $0x8FFFFFFF  }
0x9f: {  	s18 =	sld [smem:$0x3FDB];
	_ =	sdelay $0x1  }
0xa0: {  	s19 =	simm.s32 $_scs_section_size  }
0xa1: {  	s7 =	simm.s32 $_size__tile_overlayer_lowered;
	s8 =	simm.s32 $_tile_overlayer_lowered  }
0xa2: {  	s22 =	simm.s32 $0x1BFF;
	s21 =	sshll.u32 s8, $0x1;
	s5 =	sadd.s32 s19, s18  }
0xa3: {  	s9 =	simm.s32 $0x0;
	s20 =	sshll.u32 s7, $0x1;
	s7 =	sadd.s32 s21, s5  }
0xa4: {  	[timem:s9], [sflag:s22] =	dma.local [hbm:s7], s20  }
0xa5: {  	_ =	swait.ge [sflag:s22], s20  }
0xa6: {  	s6 =	ssub.s32 $0x0, s20;
	[sflag:s22] =	ssyncset.done $0x0  }
0xa7: {  	[sflag:s22] =	ssyncadd.s32 s6;
	_ =	sdelay $0x1  }
0xa8: {  	s23 =	simm.s32 $0x1B8B  }
0xa9: {  	_ =	swait.ge [sflag:s23], $0x1  }
0xaa: {  	[sflag:s23] =	ssyncset.done $0x0  }
0xab: {  	s25 =	simm.s32 $0x1B8E;
	s24 =	sld [smem:$0x3FFE];
	[sflag:s23] =	ssyncadd.s32 $0xFFFFFFFF  }
0xac: {  	s26 =	simm.s32 $execute0_lowered;
	[smem:$0x3FD2] =	sst s25  }
0xad: {  	s7 =	sshll.u32 s26, $0x1;
	_ =	strace $0x80000049;
	[dreg:$0x1] =	wrdreg $0xFFFFFFFF  }
0xae: {  	s28 =	simm.s32 $_size_execute0_lowered;
	s5 =	sadd.s32 s5, s7;
	[dreg:$0x0] =	wrdreg $0x0  }
0xaf: {  	s7 =	sshll.u32 s28, $0x1;
	[dreg:$0x2] =	wrdreg s5  }
0xb0: {  	[dreg:$0x3] =	wrdreg s7  }
0xb1: {  	[dreg:$0x4] =	wrdreg $0xC0  }
0xb2: {  	_ =	task [dreg:s9], $0x5FFFF  }
0xb3: {  	[dreg:$0x1] =	wrdreg $0xFFFFFFFF  }
0xb4: {  	[dreg:$0x0] =	wrdreg $0x60  }
0xb5: {  	[dreg:$0x2] =	wrdreg s16  }
0xb6: {  	[dreg:$0x3] =	wrdreg s4  }
0xb7: {  	[dreg:$0x4] =	wrdreg s15  }
0xb8: {  	[dreg:$0x5] =	wrdreg s24  }
0xb9: {  	[dreg:$0x6] =	wrdreg $0x9F600  }
0xba: {  	[dreg:$0x7] =	wrdreg $0x9  }
0xbb: {  	_ =	task.clear_ibuf [dreg:s9], $0x8FFFF;
	_ =	strace $0x90000049  }
0xbc: {  	s29 =	simm.s32 $0x9;
	_ =	strace $0x8000004B  }
0xbd: {  	_ =	swait.ge [sflag:s29], $0x1  }
0xbe: {  	[sflag:s29] =	ssyncadd.s32 $0xFFFFFFFF  }
0xbf: {  	_ =	strace $0x9000004B  }
0xc0: {  	_ =	sfence  }
0xc1: {  	s30 =	sld [smem:$0x0];
	_ =	sdelay $0x2  }
0xc2: {  	s31 =	sshll.u32 s1, $0xD;
	s1 =	sshrl.u32 s1, $0x2  }
0xc3: {  	s3 =	sand.u32 $0x4000, s31;
	s1 =	sadd.s32 s1, s30  }
0xc4: {  	s0 =	sor.u32 s3, s0;
	s1 =	sshll.u32 s1, $0x11  }
0xc5: {  	s0 =	sor.u32 s1, s0  }
0xc6: {  	s0 =	sadd.s32 $0x8F2B, s0  }
0xc7: {  	[sflag:s0] =	ssyncadd.remote.s32 $0x1  }
0xc8: {  	_ =	sfence.sel $0xFFFF  }
0xc9: {  	[dreg:$0x0] =	wrdreg $0xFFFFFFFF;
	(pc) =	sbr.abs _section_cstart, $3  }
0xca: {  	[dreg:$0x1] =	wrdreg $0xFFFFFFFF  }
0xcb: {  	_ =	task.clear_ibuf [dreg:s9], $0x2FFFF;
	_ =	strace $0x9FFFFFFF  }
0xcc: {  	(tm) =	ssettm $0x7FFFFFFF  }
0xcd: {  	_ =	shalt  }
tec
execute0_lowered:
.L_overlay_start_1:
0x0: {  	(tag) =	ssettag $0x1  }
0x1: {  	s1 =	rddreg [dreg:$0x0]  }
0x2: {  	s0 =	rddreg [dreg:$0x1]  }
0x3: {  	s4 =	rddreg [dreg:$0x2]  }
0x4: {  	s5 =	rddreg [dreg:$0x3]  }
0x5: {  	s2 =	rddreg [dreg:$0x4];
	s3 =	simm.s32 $0x0  }
0x6: {  	s6 =	srdreg.scid;
	s12 =	stileid.u32;
	s28 =	simm.s32 $0x7760  }
0x7: {  	s29 =	simm.s32 $0x1;
	s30 =	simm.s32 $0x2;
	s31 =	simm.s32 $0x1400  }
0x8: {  	[smem:$0x7FF] =	sst s3;
	s6 =	sand.u32 $0x1, s6;
	s7 =	smul.u32 $0x4E000, s12  }
0x9: {  	s8 =	sadd.s32 $0x1E00, s5;
	s10 =	smul.u32 $0x13800, s12;
	s18 =	sshll.u32 s12, $0x1  }
0xa: {  	p0 =	sne.s32 s12, $0x0;
	_ =	strace $0x8000004A;
	s17 =	ssub.s32 $0x2, s6  }
0xb: {  	s11 =	sor.u32 s6, s18;
	s6 =	smul.u32 $0x138800, s6;
	s7 =	sshrl.u32 s7, $0x2  }
0xc: {  	s9 =	sshrl.u32 s17, $0x1;
	s5 =	sadd.s32 s10, s2;
	s7 =	sadd.s32 s7, s2  }
0xd: {  	s11 =	smul.u32 $0x2710, s11;
	s9 =	ssub.s32 s17, s9;
	s13 =	sadd.s32 $0x2800, s7  }
0xe: {  	s10 =	sadd.s32 s10, s6;
	s19 =	sadd.s32 $0x5000, s7;
	[dreg:$0x6] =	wrdreg s13  }
0xf: {  	s6 =	sshrl.u32 s6, $0x3;
	s20 =	sadd.s32 $0x7800, s7;
	[dreg:$0x7] =	wrdreg s19  }
0x10: {  	s21 =	sadd.s32 $0xA000, s7;
	s22 =	sadd.s32 $0xC800, s7;
	[dreg:$0x8] =	wrdreg s20  }
0x11: {  	s23 =	sadd.s32 $0xF000, s7;
	s7 =	sadd.s32 $0x11800, s7;
	[dreg:$0x9] =	wrdreg s21  }
0x12: {  	s24 =	sshrl.u32 s11, $0x3;
	s26 =	sshrl.u32 s10, $0x3;
	[dreg:$0xa] =	wrdreg s22  }
0x13: {  	s6 =	sadd.s32 s8, s6;
	s10 =	simm.s32 $0x6;
	[dreg:$0xb] =	wrdreg s23  }
0x14: {  	[dreg:$0xc] =	wrdreg s7;
	s13 =	sadd.s32 $0x138000, s2;
	s11 =	sadd.s32 s0, s24  }
0x15: {  	s25 =	sadd.s32 s4, s24;
	s7 =	sadd.s32 $0x276, s24;
	s18 =	sadd.s32 s8, s26  }
0x16: {  	s19 =	sadd.s32 $0x27000, s6;
	s20 =	smax.u32 s9, $0x1;
	s21 =	simm.s32 $0x2760  }
0x17: {  	s22 =	simm.s32 $0x7;
	s23 =	simm.s32 $0x13B0;
	s24 =	simm.s32 $0x50  }
0x18: {  	s26 =	simm.s32 $0xA0;
	s6 =	simm.s32 $0x3;
	[dreg:$0xd] =	wrdreg s11  }
0x19: {  	s8 =	simm.s32 $0x5;
	s9 =	simm.s32 $0x140;
	[dreg:$0xe] =	wrdreg s25  }
0x1a: {  	s16 =	sadd.s32 s0, s7;
	s17 =	sadd.s32 s4, s7;
	s25 =	simm.s32 $0x4F60  }
0x1b: {  	v0 =	vimm.f32 $0.0e+00;
	s0 =	simm.s32 $0x4;
	s4 =	simm.s32 $0xF0;
	s7 =	simm.s32 $0x1450  }
.LBB2_1:
0x1c: {  	s11 =	simm.s32 $0x0;
	s12 =	simm.s32 $0x200  }
.LBB2_2:
0x1d: {  	p1 =	sne.s32 s12, $0x9E00;
	[tilespmem:s11+$0x27D0] =	vst v0  }
0x1e: {  	[tilespmem:s11+$0x2760] =	vst v0  }
0x1f: {  	[tilespmem:s11+$0x2770] =	vst v0  }
.Ltmp0:
0x20: {  	[tilespmem:s11+$0x2780] =	vst v0;
	(pc) =	sbr.rel @p1 .LBB2_2-.Ltmp0, $4  }
0x21: {  	[tilespmem:s11+$0x2790] =	vst v0  }
0x22: {  	[tilespmem:s11+$0x27A0] =	vst v0  }
0x23: {  	[tilespmem:s11+$0x27B0] =	vst v0  }
0x24: {  	[tilespmem:s11+$0x27C0] =	vst v0;
	s11 =	sshra.s32 s12, $0x2;
	s12 =	sadd.s32 $0x200, s12  }
0x25: {  	[tilespmem:s11+$0x27D0] =	vst v0  }
0x26: {  	[tilespmem:s11+$0x2760] =	vst v0  }
0x27: {  	[tilespmem:s11+$0x2770] =	vst v0  }
0x28: {  	[tilespmem:s11+$0x2780] =	vst v0  }
0x29: {  	[tilespmem:s11+$0x2790] =	vst v0  }
0x2a: {  	[tilespmem:s11+$0x27A0] =	vst v0  }
0x2b: {  	[tilespmem:s11+$0x27B0] =	vst v0  }
0x2c: {  	[tilespmem:s11+$0x27C0] =	vst v0  }
0x2d: {  	[spmem:s5] =	stream.linear.scatter [tilespmem:s21], [sflag:$0x7], $0x2800, $0x38;
	[tilespmem:$0x1D7E0] =	vst v63  }
0x2e: {  	_ =	swait.ge [sflag:s22], $0x2800  }
0x2f: {  	[sflag:s22] =	ssyncset.done $0x0  }
0x30: {  	s14 =	rddreg [dreg:$0x6];
	[sflag:s22] =	ssyncadd.s32 $0xFFFFD800  }
0x31: {  	[spmem:s14] =	stream.linear.scatter [tilespmem:s21], [sflag:$0x7], $0x2800, $0x38;
	[tilespmem:$0x1D7E0] =	vst v63  }
0x32: {  	_ =	swait.ge [sflag:s22], $0x2800  }
0x33: {  	[sflag:s22] =	ssyncset.done $0x0  }
0x34: {  	s15 =	rddreg [dreg:$0x7];
	[sflag:s22] =	ssyncadd.s32 $0xFFFFD800  }
0x35: {  	[spmem:s15] =	stream.linear.scatter [tilespmem:s21], [sflag:$0x7], $0x2800, $0x38;
	[tilespmem:$0x1D7E0] =	vst v63  }
0x36: {  	_ =	swait.ge [sflag:s22], $0x2800  }
0x37: {  	[sflag:s22] =	ssyncset.done $0x0  }
0x38: {  	s12 =	rddreg [dreg:$0x8];
	[sflag:s22] =	ssyncadd.s32 $0xFFFFD800  }
0x39: {  	[spmem:s12] =	stream.linear.scatter [tilespmem:s21], [sflag:$0x7], $0x2800, $0x38;
	[tilespmem:$0x1D7E0] =	vst v63  }
0x3a: {  	_ =	swait.ge [sflag:s22], $0x2800  }
0x3b: {  	[sflag:s22] =	ssyncset.done $0x0  }
0x3c: {  	s14 =	rddreg [dreg:$0x9];
	[sflag:s22] =	ssyncadd.s32 $0xFFFFD800  }
0x3d: {  	[spmem:s14] =	stream.linear.scatter [tilespmem:s21], [sflag:$0x7], $0x2800, $0x38;
	[tilespmem:$0x1D7E0] =	vst v63  }
0x3e: {  	_ =	swait.ge [sflag:s22], $0x2800  }
0x3f: {  	[sflag:s22] =	ssyncset.done $0x0  }
0x40: {  	s15 =	rddreg [dreg:$0xa];
	[sflag:s22] =	ssyncadd.s32 $0xFFFFD800  }
0x41: {  	[spmem:s15] =	stream.linear.scatter [tilespmem:s21], [sflag:$0x7], $0x2800, $0x38;
	[tilespmem:$0x1D7E0] =	vst v63  }
0x42: {  	_ =	swait.ge [sflag:s22], $0x2800  }
0x43: {  	[sflag:s22] =	ssyncset.done $0x0  }
0x44: {  	s12 =	rddreg [dreg:$0xb];
	[sflag:s22] =	ssyncadd.s32 $0xFFFFD800  }
0x45: {  	[spmem:s12] =	stream.linear.scatter [tilespmem:s21], [sflag:$0x7], $0x2800, $0x38;
	[tilespmem:$0x1D7E0] =	vst v63  }
0x46: {  	_ =	swait.ge [sflag:s22], $0x2800  }
0x47: {  	[sflag:s22] =	ssyncset.done $0x0  }
0x48: {  	s14 =	rddreg [dreg:$0xc];
	[sflag:s22] =	ssyncadd.s32 $0xFFFFD800  }
0x49: {  	[spmem:s14] =	stream.linear.scatter [tilespmem:s21], [sflag:$0x7], $0x2000, $0x38;
	[tilespmem:$0x1D7E0] =	vst v63  }
0x4a: {  	_ =	swait.ge [sflag:s22], $0x2000  }
0x4b: {  	[sflag:s22] =	ssyncset.done $0x0  }
0x4c: {  	s11 =	simm.s32 @!p0 $0x2760;
	[sflag:s22] =	ssyncadd.s32 $0xFFFFE000  }
0x4d: {  	[spmem:s13] =	stream.linear.scatter @!p0 [tilespmem:s11], [sflag:$0x7], $0x800, $0x38;
	[tilespmem:$0x1D7E0] =	vst v63  }
0x4e: {  	s11 =	simm.s32 @!p0 $0x7  }
0x4f: {  	_ =	swait.ge @!p0 [sflag:s11], $0x800  }
0x50: {  	[sflag:s11] =	ssyncset.done @!p0 $0x0  }
0x51: {  	[sflag:s11] =	ssyncadd.s32 @!p0 $0xFFFFF800  }
0x52: {  	[bflag:$0x0] =	sbarrier.arrive $0xFFFF  }
0x53: {  	s11 =	simm.s32 $0x0;
	s12 =	rddreg [dreg:$0xd]  }
0x54: {  	[tilespmem:s11], [sflag:$0x7] =	stream.linear.gather [hbm4b:s12+s11], $0x13B0, $0x38;
	[tilespmem:$0x1D7E0] =	vst v63  }
0x55: {  	_ =	swait.ge [sflag:s22], $0x13B0  }
0x56: {  	[sflag:s22] =	ssyncset.done $0x0  }
0x57: {  	s15 =	rddreg [dreg:$0xe];
	[sflag:s22] =	ssyncadd.s32 $0xFFFFEC50  }
0x58: {  	[tilespmem:s23], [sflag:$0x7] =	stream.linear.gather [hbm4b:s15+s11], $0x13B0, $0x38;
	[tilespmem:$0x1D7E0] =	vst v63  }
0x59: {  	_ =	swait.ge [sflag:s22], $0x13B0  }
0x5a: {  	[sflag:s22] =	ssyncset.done $0x0  }
0x5b: {  	[sflag:s22] =	ssyncadd.s32 $0xFFFFEC50  }
0x5c: {  	[tilespmem:s21], [sflag:$0x1] =	stream.indirect.gather [hbm4b:s1+s24], $0x80, s11, s24, $0xb8;
	[tilespmem:$0x1D7E0] =	vst v63  }
0x5d: {  	_ = 	snop  }
0x5e: {  	[tilespmem:s25], [sflag:$0x2] =	stream.indirect.gather [hbm4b:s1+s24], $0x80, s24, s24, $0xb8;
	[tilespmem:$0x1D7E0] =	vst v63  }
0x5f: {  	_ = 	snop  }
0x60: {  	[tilespmem:s28], [sflag:$0x3] =	stream.indirect.gather [hbm4b:s1+s24], $0x80, s26, s24, $0xb8;
	[tilespmem:$0x1D7E0] =	vst v63  }
0x61: {  	_ =	swait.ge [sflag:s29], $0x2800  }
0x62: {  	[sflag:s29] =	ssyncset.done $0x0  }
0x63: {  	[sflag:s29] =	ssyncadd.s32 $0xFFFFD800  }
0x64: {  	[spmem:s2] =	stream.indirect.scatter.add.f32 [tilespmem:s21], [sflag:$0x4], $0x80, s23, s24, $0xb8;
	[tilespmem:$0x1D7E0] =	vst v63  }
0x65: {  	_ =	swait.ge [sflag:s30], $0x2800  }
0x66: {  	[sflag:s30] =	ssyncset.done $0x0  }
0x67: {  	[sflag:s30] =	ssyncadd.s32 $0xFFFFD800  }
0x68: {  	[spmem:s2] =	stream.indirect.scatter.add.f32 [tilespmem:s25], [sflag:$0x5], $0x80, s31, s24, $0xb8;
	[tilespmem:$0x1D7E0] =	vst v63  }
0x69: {  	_ =	swait.ge [sflag:s0], $0x2800  }
0x6a: {  	[sflag:s0] =	ssyncset.done $0x0  }
0x6b: {  	[sflag:s0] =	ssyncadd.s32 $0xFFFFD800  }
0x6c: {  	[tilespmem:s21], [sflag:$0x1] =	stream.indirect.gather [hbm4b:s1+s24], $0x80, s4, s24, $0xb8;
	[tilespmem:$0x1D7E0] =	vst v63  }
0x6d: {  	_ =	swait.ge [sflag:s6], $0x2800  }
0x6e: {  	[sflag:s6] =	ssyncset.done $0x0  }
0x6f: {  	[sflag:s6] =	ssyncadd.s32 $0xFFFFD800  }
0x70: {  	[spmem:s2] =	stream.indirect.scatter.add.f32 [tilespmem:s28], [sflag:$0x6], $0x80, s7, s24, $0xb8;
	[tilespmem:$0x1D7E0] =	vst v63  }
0x71: {  	_ =	swait.ge [sflag:s8], $0x2800  }
0x72: {  	[sflag:s8] =	ssyncset.done $0x0  }
0x73: {  	[sflag:s8] =	ssyncadd.s32 $0xFFFFD800  }
0x74: {  	[tilespmem:s25], [sflag:$0x2] =	stream.indirect.gather [hbm4b:s1+s24], $0x80, s9, s24, $0xb8;
	[tilespmem:$0x1D7E0] =	vst v63  }
.LBB2_4:
0x75: {  	_ =	swait.ge [sflag:s29], $0x2800  }
0x76: {  	s12 =	sshra.s32 s11, $0x2;
	[sflag:s29] =	ssyncset.done $0x0  }
0x77: {  	s14 =	sadd.s32 $0x14A0, s12;
	[sflag:s29] =	ssyncadd.s32 $0xFFFFD800  }
0x78: {  	[spmem:s2] =	stream.indirect.scatter.add.f32 [tilespmem:s21], [sflag:$0x4], $0x80, s14, s24, $0xb8;
	[tilespmem:$0x1D7E0] =	vst v63  }
0x79: {  	_ =	swait.ge [sflag:s10], $0x2800  }
0x7a: {  	[sflag:s10] =	ssyncset.done $0x0  }
0x7b: {  	p1 =	seq.s32 s11, $0x4740;
	s15 =	sadd.s32 $0x190, s12;
	[sflag:s10] =	ssyncadd.s32 $0xFFFFD800  }
0x7c: {  	[tilespmem:s28], [sflag:$0x3] =	stream.indirect.gather [hbm4b:s1+s24], $0x80, s15, s24, $0xb8;
	[tilespmem:$0x1D7E0] =	vst v63  }
.Ltmp1:
0x7d: {  	_ = 	snop;
	(pc) =	sbr.rel @p1 .LBB2_6-.Ltmp1, $4  }
0x7e: {  	_ =	swait.ge [sflag:s30], $0x2800  }
0x7f: {  	[sflag:s30] =	ssyncset.done $0x0  }
0x80: {  	s14 =	sadd.s32 $0x1540, s12;
	s15 =	sadd.s32 $0x14F0, s12;
	[sflag:s30] =	ssyncadd.s32 $0xFFFFD800  }
0x81: {  	[spmem:s2] =	stream.indirect.scatter.add.f32 [tilespmem:s25], [sflag:$0x5], $0x80, s15, s24, $0xb8;
	[tilespmem:$0x1D7E0] =	vst v63  }
0x82: {  	_ =	swait.ge [sflag:s0], $0x2800  }
0x83: {  	[sflag:s0] =	ssyncset.done $0x0  }
0x84: {  	s15 =	sadd.s32 $0x1E0, s12;
	[sflag:s0] =	ssyncadd.s32 $0xFFFFD800  }
0x85: {  	[tilespmem:s21], [sflag:$0x1] =	stream.indirect.gather [hbm4b:s1+s24], $0x80, s15, s24, $0xb8;
	[tilespmem:$0x1D7E0] =	vst v63  }
0x86: {  	_ =	swait.ge [sflag:s6], $0x2800  }
0x87: {  	[sflag:s6] =	ssyncset.done $0x0  }
0x88: {  	[sflag:s6] =	ssyncadd.s32 $0xFFFFD800  }
0x89: {  	[spmem:s2] =	stream.indirect.scatter.add.f32 [tilespmem:s28], [sflag:$0x6], $0x80, s14, s24, $0xb8;
	[tilespmem:$0x1D7E0] =	vst v63  }
.Ltmp2:
0x8a: {  	_ = 	snop;
	(pc) =	sbr.rel .LBB2_4-.Ltmp2, $4  }
0x8b: {  	_ =	swait.ge [sflag:s8], $0x2800  }
0x8c: {  	[sflag:s8] =	ssyncset.done $0x0  }
0x8d: {  	s11 =	sadd.s32 $0x3C0, s11;
	s15 =	sadd.s32 $0x230, s12;
	[sflag:s8] =	ssyncadd.s32 $0xFFFFD800  }
0x8e: {  	[tilespmem:s25], [sflag:$0x2] =	stream.indirect.gather [hbm4b:s1+s24], $0x80, s15, s24, $0xb8;
	[tilespmem:$0x1D7E0] =	vst v63  }
.LBB2_6:
0x8f: {  	_ =	swait.ge [sflag:s6], $0x2800  }
0x90: {  	[sflag:s6] =	ssyncset.done $0x0  }
0x91: {  	[sflag:s6] =	ssyncadd.s32 $0xFFFFD800  }
0x92: {  	[spmem:s2] =	stream.indirect.scatter.add.f32 [tilespmem:s28], [sflag:$0x6], $0x80, s14, s24, $0xb8;
	[tilespmem:$0x1D7E0] =	vst v63  }
0x93: {  	_ =	swait.ge [sflag:s0], $0x2800  }
0x94: {  	[sflag:s0] =	ssyncset.done $0x0  }
0x95: {  	[sflag:s0] =	ssyncadd.s32 $0xFFFFD800  }
0x96: {  	_ =	swait.ge [sflag:s8], $0x2800  }
0x97: {  	[sflag:s8] =	ssyncset.done $0x0  }
0x98: {  	[sflag:s8] =	ssyncadd.s32 $0xFFFFD800  }
0x99: {  	_ =	swait.ge [sflag:s10], $0x2800  }
0x9a: {  	[sflag:s10] =	ssyncset.done $0x0  }
0x9b: {  	s11 =	simm.s32 $0x0;
	[sflag:s10] =	ssyncadd.s32 $0xFFFFD800  }
0x9c: {  	[tilespmem:s11], [sflag:$0x7] =	stream.linear.gather [hbm4b:s16+s11], $0x1360, $0x38;
	[tilespmem:$0x1D7E0] =	vst v63  }
0x9d: {  	_ =	swait.ge [sflag:s22], $0x1360  }
0x9e: {  	[sflag:s22] =	ssyncset.done $0x0  }
0x9f: {  	[sflag:s22] =	ssyncadd.s32 $0xFFFFECA0  }
0xa0: {  	[tilespmem:s23], [sflag:$0x7] =	stream.linear.gather [hbm4b:s17+s11], $0x1360, $0x38;
	[tilespmem:$0x1D7E0] =	vst v63  }
0xa1: {  	_ =	swait.ge [sflag:s22], $0x1360  }
0xa2: {  	[sflag:s22] =	ssyncset.done $0x0  }
0xa3: {  	[sflag:s22] =	ssyncadd.s32 $0xFFFFECA0  }
0xa4: {  	[tilespmem:s21], [sflag:$0x1] =	stream.indirect.gather [hbm4b:s1+s24], $0x80, s11, s24, $0xb8;
	[tilespmem:$0x1D7E0] =	vst v63  }
0xa5: {  	_ = 	snop  }
0xa6: {  	[tilespmem:s25], [sflag:$0x2] =	stream.indirect.gather [hbm4b:s1+s24], $0x80, s24, s24, $0xb8;
	[tilespmem:$0x1D7E0] =	vst v63  }
0xa7: {  	_ = 	snop  }
0xa8: {  	[tilespmem:s28], [sflag:$0x3] =	stream.indirect.gather [hbm4b:s1+s24], $0x80, s26, s24, $0xb8;
	[tilespmem:$0x1D7E0] =	vst v63  }
0xa9: {  	_ =	swait.ge [sflag:s29], $0x2800  }
0xaa: {  	[sflag:s29] =	ssyncset.done $0x0  }
0xab: {  	[sflag:s29] =	ssyncadd.s32 $0xFFFFD800  }
0xac: {  	[spmem:s2] =	stream.indirect.scatter.add.f32 [tilespmem:s21], [sflag:$0x4], $0x80, s23, s24, $0xb8;
	[tilespmem:$0x1D7E0] =	vst v63  }
0xad: {  	_ =	swait.ge [sflag:s30], $0x2800  }
0xae: {  	[sflag:s30] =	ssyncset.done $0x0  }
0xaf: {  	[sflag:s30] =	ssyncadd.s32 $0xFFFFD800  }
0xb0: {  	[spmem:s2] =	stream.indirect.scatter.add.f32 [tilespmem:s25], [sflag:$0x5], $0x80, s31, s24, $0xb8;
	[tilespmem:$0x1D7E0] =	vst v63  }
0xb1: {  	_ =	swait.ge [sflag:s0], $0x2800  }
0xb2: {  	[sflag:s0] =	ssyncset.done $0x0  }
0xb3: {  	[sflag:s0] =	ssyncadd.s32 $0xFFFFD800  }
0xb4: {  	[tilespmem:s21], [sflag:$0x1] =	stream.indirect.gather [hbm4b:s1+s24], $0x80, s4, s24, $0xb8;
	[tilespmem:$0x1D7E0] =	vst v63  }
0xb5: {  	_ =	swait.ge [sflag:s6], $0x2800  }
0xb6: {  	[sflag:s6] =	ssyncset.done $0x0  }
0xb7: {  	[sflag:s6] =	ssyncadd.s32 $0xFFFFD800  }
0xb8: {  	[spmem:s2] =	stream.indirect.scatter.add.f32 [tilespmem:s28], [sflag:$0x6], $0x80, s7, s24, $0xb8;
	[tilespmem:$0x1D7E0] =	vst v63  }
0xb9: {  	_ =	swait.ge [sflag:s8], $0x2800  }
0xba: {  	[sflag:s8] =	ssyncset.done $0x0  }
0xbb: {  	[sflag:s8] =	ssyncadd.s32 $0xFFFFD800  }
0xbc: {  	[tilespmem:s25], [sflag:$0x2] =	stream.indirect.gather [hbm4b:s1+s24], $0x80, s9, s24, $0xb8;
	[tilespmem:$0x1D7E0] =	vst v63  }
0xbd: {  	_ =	swait.ge [sflag:s29], $0x2800  }
0xbe: {  	[sflag:s29] =	ssyncset.done $0x0  }
0xbf: {  	s14 =	simm.s32 $0x14A0;
	[sflag:s29] =	ssyncadd.s32 $0xFFFFD800  }
0xc0: {  	[spmem:s2] =	stream.indirect.scatter.add.f32 [tilespmem:s21], [sflag:$0x4], $0x80, s14, s24, $0xb8;
	[tilespmem:$0x1D7E0] =	vst v63  }
0xc1: {  	_ =	swait.ge [sflag:s10], $0x2800  }
0xc2: {  	[sflag:s10] =	ssyncset.done $0x0  }
0xc3: {  	s15 =	simm.s32 $0x190;
	[sflag:s10] =	ssyncadd.s32 $0xFFFFD800  }
0xc4: {  	[tilespmem:s28], [sflag:$0x3] =	stream.indirect.gather [hbm4b:s1+s24], $0x80, s15, s24, $0xb8;
	[tilespmem:$0x1D7E0] =	vst v63  }
0xc5: {  	_ =	swait.ge [sflag:s30], $0x2800  }
0xc6: {  	[sflag:s30] =	ssyncset.done $0x0  }
0xc7: {  	s12 =	simm.s32 $0x14F0;
	[sflag:s30] =	ssyncadd.s32 $0xFFFFD800  }
0xc8: {  	[spmem:s2] =	stream.indirect.scatter.add.f32 [tilespmem:s25], [sflag:$0x5], $0x80, s12, s24, $0xb8;
	[tilespmem:$0x1D7E0] =	vst v63  }
0xc9: {  	_ =	swait.ge [sflag:s0], $0x2800  }
0xca: {  	[sflag:s0] =	ssyncset.done $0x0  }
0xcb: {  	s14 =	simm.s32 $0x1E0;
	[sflag:s0] =	ssyncadd.s32 $0xFFFFD800  }
0xcc: {  	[tilespmem:s21], [sflag:$0x1] =	stream.indirect.gather [hbm4b:s1+s24], $0x80, s14, s24, $0xb8;
	[tilespmem:$0x1D7E0] =	vst v63  }
0xcd: {  	_ =	swait.ge [sflag:s6], $0x2800  }
0xce: {  	[sflag:s6] =	ssyncset.done $0x0  }
0xcf: {  	s15 =	simm.s32 $0x1540;
	[sflag:s6] =	ssyncadd.s32 $0xFFFFD800  }
0xd0: {  	[spmem:s2] =	stream.indirect.scatter.add.f32 [tilespmem:s28], [sflag:$0x6], $0x80, s15, s24, $0xb8;
	[tilespmem:$0x1D7E0] =	vst v63  }
0xd1: {  	_ =	swait.ge [sflag:s8], $0x2800  }
0xd2: {  	[sflag:s8] =	ssyncset.done $0x0  }
0xd3: {  	s11 =	simm.s32 $0x3C0;
	s12 =	simm.s32 $0x230;
	[sflag:s8] =	ssyncadd.s32 $0xFFFFD800  }
.LBB2_7:
0xd4: {  	[tilespmem:s25], [sflag:$0x2] =	stream.indirect.gather [hbm4b:s1+s24], $0x80, s12, s24, $0xb8;
	[tilespmem:$0x1D7E0] =	vst v63  }
0xd5: {  	s12 =	smov.u32 s11  }
0xd6: {  	p1 =	sne.s32 s11, $0x4380;
	s11 =	sadd.s32 $0x3C0, s11;
	_ =	swait.ge [sflag:s29], $0x2800  }
0xd7: {  	s12 =	sshra.s32 s12, $0x2;
	[sflag:s29] =	ssyncset.done $0x0  }
0xd8: {  	s14 =	sadd.s32 $0x14A0, s12;
	[sflag:s29] =	ssyncadd.s32 $0xFFFFD800  }
0xd9: {  	[spmem:s2] =	stream.indirect.scatter.add.f32 [tilespmem:s21], [sflag:$0x4], $0x80, s14, s24, $0xb8;
	[tilespmem:$0x1D7E0] =	vst v63  }
0xda: {  	_ =	swait.ge [sflag:s10], $0x2800  }
0xdb: {  	[sflag:s10] =	ssyncset.done $0x0  }
0xdc: {  	s14 =	sadd.s32 $0x190, s12;
	[sflag:s10] =	ssyncadd.s32 $0xFFFFD800  }
0xdd: {  	[tilespmem:s28], [sflag:$0x3] =	stream.indirect.gather [hbm4b:s1+s24], $0x80, s14, s24, $0xb8;
	[tilespmem:$0x1D7E0] =	vst v63  }
0xde: {  	_ =	swait.ge [sflag:s30], $0x2800  }
0xdf: {  	[sflag:s30] =	ssyncset.done $0x0  }
0xe0: {  	s14 =	sadd.s32 $0x14F0, s12;
	[sflag:s30] =	ssyncadd.s32 $0xFFFFD800  }
0xe1: {  	[spmem:s2] =	stream.indirect.scatter.add.f32 [tilespmem:s25], [sflag:$0x5], $0x80, s14, s24, $0xb8;
	[tilespmem:$0x1D7E0] =	vst v63  }
0xe2: {  	_ =	swait.ge [sflag:s0], $0x2800  }
0xe3: {  	[sflag:s0] =	ssyncset.done $0x0  }
0xe4: {  	s14 =	sadd.s32 $0x1E0, s12;
	[sflag:s0] =	ssyncadd.s32 $0xFFFFD800  }
0xe5: {  	[tilespmem:s21], [sflag:$0x1] =	stream.indirect.gather [hbm4b:s1+s24], $0x80, s14, s24, $0xb8;
	[tilespmem:$0x1D7E0] =	vst v63  }
0xe6: {  	_ =	swait.ge [sflag:s6], $0x2800  }
0xe7: {  	[sflag:s6] =	ssyncset.done $0x0  }
.Ltmp3:
0xe8: {  	s14 =	sadd.s32 $0x1540, s12;
	[sflag:s6] =	ssyncadd.s32 $0xFFFFD800;
	(pc) =	sbr.rel @p1 .LBB2_7-.Ltmp3, $4  }
0xe9: {  	[spmem:s2] =	stream.indirect.scatter.add.f32 [tilespmem:s28], [sflag:$0x6], $0x80, s14, s24, $0xb8;
	[tilespmem:$0x1D7E0] =	vst v63  }
0xea: {  	_ =	swait.ge [sflag:s8], $0x2800  }
0xeb: {  	[sflag:s8] =	ssyncset.done $0x0  }
0xec: {  	s12 =	sadd.s32 $0x230, s12;
	[sflag:s8] =	ssyncadd.s32 $0xFFFFD800  }
0xed: {  	[tilespmem:s25], [sflag:$0x2] =	stream.indirect.gather [hbm4b:s1+s24], $0x80, s12, s24, $0xb8;
	[tilespmem:$0x1D7E0] =	vst v63  }
0xee: {  	_ =	swait.ge [sflag:s29], $0x2800  }
0xef: {  	[sflag:s29] =	ssyncset.done $0x0  }
0xf0: {  	s11 =	simm.s32 $0x2670;
	[sflag:s29] =	ssyncadd.s32 $0xFFFFD800  }
0xf1: {  	[spmem:s2] =	stream.indirect.scatter.add.f32 [tilespmem:s21], [sflag:$0x4], $0x80, s11, s24, $0xb8;
	[tilespmem:$0x1D7E0] =	vst v63  }
0xf2: {  	_ =	swait.ge [sflag:s30], $0x2800  }
0xf3: {  	[sflag:s30] =	ssyncset.done $0x0  }
0xf4: {  	s12 =	simm.s32 $0x26C0;
	[sflag:s30] =	ssyncadd.s32 $0xFFFFD800  }
0xf5: {  	[spmem:s2] =	stream.indirect.scatter.add.f32 [tilespmem:s25], [sflag:$0x5], $0x80, s12, s24, $0xb8;
	[tilespmem:$0x1D7E0] =	vst v63  }
0xf6: {  	_ =	swait.ge [sflag:s10], $0x2800  }
0xf7: {  	[sflag:s10] =	ssyncset.done $0x0  }
0xf8: {  	[sflag:s10] =	ssyncadd.s32 $0xFFFFD800  }
0xf9: {  	_ =	swait.ge [sflag:s0], $0x2800  }
0xfa: {  	[sflag:s0] =	ssyncset.done $0x0  }
0xfb: {  	[sflag:s0] =	ssyncadd.s32 $0xFFFFD800  }
0xfc: {  	_ =	swait.ge [sflag:s8], $0x2800  }
0xfd: {  	s14 =	stileid.u32;
	[sflag:s8] =	ssyncset.done $0x0  }
0xfe: {  	s11 =	sshll.u32 s14, $0x6;
	[sflag:s8] =	ssyncadd.s32 $0xFFFFD800  }
0xff: {  	s15 =	sshrl.u32 s5, $0x3;
	s11 =	sor.u32 $0x1C07, s11;
	[bflag:$0x0] =	sbarrier.arrive $0xFFFF  }
0x100: {  	[hbm:s18], [sflag:s11] =	dma.local [spmem:s15], $0x2700  }
0x101: {  	_ =	swait.ge [sflag:s22], $0x2700  }
0x102: {  	s3 =	sadd.s32 $0x1, s3;
	[sflag:s22] =	ssyncset.done $0x0  }
0x103: {  	p1 =	sne.s32 s3, s20;
	s12 =	sshrl.u32 @!p0 s13, $0x3;
	[sflag:s22] =	ssyncadd.s32 $0xFFFFD900  }
0x104: {  	[hbm:s19], [sflag:s11] =	dma.local @!p0 [spmem:s12], $0x100  }
.Ltmp4:
0x105: {  	_ = 	snop;
	(pc) =	sbr.rel @p1 .LBB2_1-.Ltmp4, $4  }
0x106: {  	s11 =	simm.s32 @!p0 $0x7  }
0x107: {  	_ =	swait.ge @!p0 [sflag:s11], $0x100  }
0x108: {  	[sflag:s11] =	ssyncset.done @!p0 $0x0  }
0x109: {  	[sflag:s11] =	ssyncadd.s32 @!p0 $0xFFFFFF00  }
0x10a: {  	_ =	sfence.sel $0x180000  }
0x10b: {  	[bflag:$0x0] =	sbarrier.arrive $0xFFFF  }
0x10c: {  	_ =	strace $0x9000004A  }
0x10d: {  	[bflag:$0x2] =	sbarrier.arrive $0xFFFF  }
0x10e: {  	s0 =	rddreg [dreg:$0x5]  }
0x10f: {  	s0 =	sadd.s32 @!p0 $0x100000, s0  }
0x110: {  	[sflag:s0] =	ssyncadd.tile.s32 @!p0 $0x1;
	_ =	shalt  }
.Lfunc_end2:
_tile_overlayer_lowered:
.L_overlay_start_2:
0x111: {  	(tag) =	ssettag $0x2  }
0x112: {  	s0 =	rddreg [dreg:$0x0];
	s2 =	stileid.u32  }
0x113: {  	s1 =	rddreg [dreg:$0x1];
	p0 =	sne.s32 s2, $0x0  }
0x114: {  	s3 =	rddreg [dreg:$0x2];
	[bflag:$0x3] =	sbarrier.arrive $0xFFFF;
	s2 =	simm.s32 @!p0 $0x1C07  }
0x115: {  	[timem:s3], [sflag:s2] =	dma.local @!p0 [hbm:s0], s1  }
0x116: {  	s0 =	simm.s32 @!p0 $0x7  }
0x117: {  	_ =	swait.ge @!p0 [sflag:s0], s1  }
0x118: {  	s1 =	ssub.s32 @!p0 $0x0, s1;
	[sflag:s0] =	ssyncset.done @!p0 $0x0  }
0x119: {  	[sflag:s0] =	ssyncadd.s32 @!p0 s1  }
0x11a: {  	[bflag:$0x3] =	sbarrier.arrive $0xFFFF  }
0x11b: {  	_ =	shalt  }

// kernel: kernel.7.cloned.1.call-start
scs
__scs_entry_jumppad:
0x0: {  	(pc) =	sbr.rel $0x88, $3  }
0x1: {  	(tag) =	ssettag $0x0;
	lr =	simm.s32 $0x1  }
0x2: {  	[smem:$0x3F9C] =	sst lr;
	_ =	strace $0xD0000000  }
0x3: {  	_ = 	snop  }
0x4: {  	_ = 	snop  }
0x5: {  	_ = 	snop  }
0x6: {  	_ = 	snop  }
0x7: {  	_ = 	snop  }
__scs_overlays_trampoline_lowered:
0x8: {  	[smem:$0x3FAB] =	sst s0  }
0x9: {  	[smem:$0x3FAC] =	sst s1  }
0xa: {  	[smem:$0x3FAD] =	sst s2  }
0xb: {  	[smem:$0x3FAE] =	sst s3  }
0xc: {  	[smem:$0x3FAF] =	sst s4  }
0xd: {  	[smem:$0x3FB0] =	sst s5  }
0xe: {  	[smem:$0x3FB1] =	sst s6  }
0xf: {  	[smem:$0x3FB2] =	sst s7  }
0x10: {  	[smem:$0x3FB3] =	sst s8  }
0x11: {  	[smem:$0x3FB4] =	sst s9;
	s0 =	simm.s32 @!p0 $0x0  }
0x12: {  	s1 =	sld [smem:$0x3F9A];
	s0 =	simm.s32 @p0 $0x1  }
0x13: {  	[smem:$0x3FB5] =	sst s0;
	s0 =	simm.s32 @!p1 $0x0  }
0x14: {  	s2 =	sld [smem:$0x3F99];
	s0 =	simm.s32 @p1 $0x1  }
0x15: {  	[smem:$0x3FB6] =	sst s0;
	s0 =	simm.s32 @!p2 $0x0  }
0x16: {  	s3 =	sld [smem:$0x3FDB];
	s0 =	simm.s32 @p2 $0x1  }
0x17: {  	s4 =	simm.s32 $0x1BF5;
	[smem:$0x3FB8] =	sst s0  }
0x18: {  	s0 =	sld [smem:$0x3F9B];
	_ =	swait.ge [sflag:s4], $0x0  }
0x19: {  	s7 =	sld [smem:$0x3F9C]  }
0x1a: {  	s8 =	sadd.s32 $0xFFFFE003, lr  }
0x1b: {  	s9 =	sadd.s32 $0xFFFFFEF7, lr;
	s5 =	simm.s32 $0xFFFFFFFF;
	p2 =	slt.u32 s8, $0xFFFFF086  }
0x1c: {  	p1 =	slt.u32 s9, $0xF7A;
	s5 =	simm.s32 @!p2 $0x0  }
0x1d: {  	s5 =	simm.s32 @p1 $0x1;
	p0 =	seq.s32 s7, s2  }
0x1e: {  	s7 =	smul.u32 @!p0 $0xF7A, s2;
	p2 =	seq.s32 @!p0 s5, $0x0  }
0x1f: {  	s9 =	smul.u32 $0xF7A, s1;
	s8 =	simm.s32 @!p0 $0x1BF5;
	p2 =	por !p2, p0  }
0x20: {  	[sflag:s8] =	ssyncset.s32 @!p0 $0xFFFFF086;
	s6 =	sadd.s32 @!p0 s3, s7;
	s7 =	simm.s32 @!p0 $0x108  }
0x21: {  	s3 =	sadd.s32 s3, s9;
	s6 =	sadd.s32 @!p0 $0x88, s6;
	s7 =	simm.s32 @p2 $0x1082  }
0x22: {  	[simem:s7], [sflag:s8] =	dma.local @!p0 [hbm:s6], $0xF7A  }
0x23: {  	s9 =	sor.u32 $0xD0000000, s2;
	s6 =	simm.s32 $0x108;
	_ =	swait.ge @!p0 [sflag:s8], $0x0  }
0x24: {  	s3 =	sadd.s32 $0x88, s3;
	s6 =	simm.s32 @!p1 $0x1082;
	[sflag:s4] =	ssyncset.s32 $0xFFFFF086  }
0x25: {  	[simem:s6], [sflag:s4] =	dma.local [hbm:s3], $0xF7A  }
0x26: {  	[smem:$0x3F9C] =	sst s1;
	(tag) =	ssettag s2;
	_ =	strace s9  }
0x27: {  	s1 =	sld [smem:$0x3FAC]  }
0x28: {  	s2 =	sld [smem:$0x3FAD]  }
0x29: {  	s4 =	sld [smem:$0x3FAF]  }
0x2a: {  	p0 =	seq.s32 s5, $0x0;
	s5 =	sld [smem:$0x3FB0]  }
0x2b: {  	s6 =	sld [smem:$0x3FB1]  }
0x2c: {  	s7 =	sld [smem:$0x3FB2]  }
0x2d: {  	s3 =	simm.s32 $0x108;
	s8 =	sld [smem:$0x3FB3]  }
0x2e: {  	s3 =	simm.s32 @!p0 $0x1082;
	s9 =	sld [smem:$0x3FB4]  }
0x2f: {  	lr =	sadd.s32 s0, s3;
	s0 =	sld [smem:$0x3FAB]  }
0x30: {  	s3 =	sld [smem:$0x3FAE]  }
0x31: {  	[smem:$0x3FB7] =	sst s10  }
0x32: {  	s10 =	sld [smem:$0x3FB5];
	_ =	sdelay $0x3  }
0x33: {  	p0 =	seq.s32 s10, $0x1;
	s10 =	sld [smem:$0x3FB7];
	_ =	sdelay $0x3  }
0x34: {  	[smem:$0x3FB7] =	sst s10  }
0x35: {  	s10 =	sld [smem:$0x3FB6];
	_ =	sdelay $0x3  }
0x36: {  	p1 =	seq.s32 s10, $0x1;
	s10 =	sld [smem:$0x3FB7];
	_ =	sdelay $0x3  }
0x37: {  	[smem:$0x3FB7] =	sst s10  }
0x38: {  	s10 =	sld [smem:$0x3FB8]  }
0x39: {  	_ = 	snop;
	(pc) =	sbr.ind lr, $3  }
0x3a: {  	_ = 	snop  }
0x3b: {  	_ = 	snop  }
0x3c: {  	p2 =	seq.s32 s10, $0x1;
	s10 =	sld [smem:$0x3FB7]  }
0x3d: {  	_ =	shalt  }
0x3e: {  	_ =	shalt  }
0x3f: {  	_ =	shalt  }
0x40: {  	_ =	shalt  }
0x41: {  	_ =	shalt  }
0x42: {  	_ =	shalt  }
0x43: {  	_ =	shalt  }
0x44: {  	_ =	shalt  }
0x45: {  	_ =	shalt  }
0x46: {  	_ =	shalt  }
0x47: {  	_ =	shalt  }
0x48: {  	_ =	shalt  }
0x49: {  	_ =	shalt  }
0x4a: {  	_ =	shalt  }
0x4b: {  	_ =	shalt  }
0x4c: {  	_ =	shalt  }
0x4d: {  	_ =	shalt  }
0x4e: {  	_ =	shalt  }
0x4f: {  	_ =	shalt  }
0x50: {  	_ =	shalt  }
0x51: {  	_ =	shalt  }
0x52: {  	_ =	shalt  }
0x53: {  	_ =	shalt  }
0x54: {  	_ =	shalt  }
0x55: {  	_ =	shalt  }
0x56: {  	_ =	shalt  }
0x57: {  	_ =	shalt  }
0x58: {  	_ =	shalt  }
0x59: {  	_ =	shalt  }
0x5a: {  	_ =	shalt  }
0x5b: {  	_ =	shalt  }
0x5c: {  	_ =	shalt  }
0x5d: {  	_ =	shalt  }
0x5e: {  	_ =	shalt  }
0x5f: {  	_ =	shalt  }
0x60: {  	_ =	shalt  }
0x61: {  	_ =	shalt  }
0x62: {  	_ =	shalt  }
0x63: {  	_ =	shalt  }
0x64: {  	_ =	shalt  }
0x65: {  	_ =	shalt  }
0x66: {  	_ =	shalt  }
0x67: {  	_ =	shalt  }
0x68: {  	_ =	shalt  }
0x69: {  	_ =	shalt  }
0x6a: {  	_ =	shalt  }
0x6b: {  	_ =	shalt  }
0x6c: {  	_ =	shalt  }
0x6d: {  	_ =	shalt  }
0x6e: {  	_ =	shalt  }
0x6f: {  	_ =	shalt  }
0x70: {  	_ =	shalt  }
0x71: {  	_ =	shalt  }
0x72: {  	_ =	shalt  }
0x73: {  	_ =	shalt  }
0x74: {  	_ =	shalt  }
0x75: {  	_ =	shalt  }
0x76: {  	_ =	shalt  }
0x77: {  	_ =	shalt  }
0x78: {  	_ =	shalt  }
0x79: {  	_ =	shalt  }
0x7a: {  	_ =	shalt  }
0x7b: {  	_ =	shalt  }
0x7c: {  	_ =	shalt  }
0x7d: {  	_ =	shalt  }
0x7e: {  	_ =	shalt  }
0x7f: {  	_ =	shalt  }
0x80: {  	_ =	shalt  }
0x81: {  	_ =	shalt  }
0x82: {  	_ =	shalt  }
0x83: {  	_ =	shalt  }
0x84: {  	_ =	shalt  }
0x85: {  	_ =	shalt  }
0x86: {  	_ =	shalt  }
0x87: {  	_ =	shalt  }
.Lfunc_end0:
.L_simem_size_0:
called_computation_lowered:
.L_overlay_start_0:
0x88: {  	s2 =	sld [smem:$0x3FD9]  }
0x89: {  	s3 =	sld [smem:$0x3FFE];
	_ =	sdelay $0x1  }
0x8a: {  	s1 =	srdreg.scid  }
0x8b: {  	s0 =	sand.u32 $0x1, s1  }
0x8c: {  	s14 =	sshll.u32 s0, $0xA;
	s2 =	sadd.s32 s3, s2  }
0x8d: {  	s2 =	sadd.s32 s2, s14  }
0x8e: {  	[smem:$0x3FC3] =	sst s2  }
0x8f: {  	_ = 	snop  }
0x90: {  	s2 =	sld [smem:$0x3FD0];
	_ =	sdelay $0x1  }
0x91: {  	s15 =	sld [smem:$0x3FC8]  }
0x92: {  	s5 =	simm.s32 $0xA;
	s6 =	simm.s32 $0x10;
	s4 =	sld [smem:$0x3FC7]  }
0x93: {  	[smem:s6], [sflag:s5] =	dma.local [hbm:s2], $0x1  }
0x94: {  	_ =	swait.eq [sflag:s5], $0x1  }
0x95: {  	[sflag:s5] =	ssyncset.done $0x0  }
0x96: {  	s16 =	sld [smem:$0x10];
	[sflag:s5] =	ssyncadd.s32 $0xFFFFFFFF  }
0x97: {  	s17 =	sld [smem:$0x11];
	(tm) =	ssettm $0x1  }
0x98: {  	s18 =	sld [smem:$0x3FFB];
	_ =	sdelay $0x3  }
0x99: {  	_ =	strace s18  }
0x9a: {  	s6 =	sld [smem:$0x3FFC];
	_ =	sdelay $0x3  }
0x9b: {  	_ =	strace s6  }
0x9c: {  	s6 =	sld [smem:$0x3FFD];
	_ =	sdelay $0x3  }
0x9d: {  	_ =	strace s6  }
0x9e: {  	_ =	strace $0x8FFFFFFF  }
0x9f: {  	s19 =	sld [smem:$0x3FDB];
	_ =	sdelay $0x1  }
0xa0: {  	s7 =	simm.s32 $_scs_section_size  }
0xa1: {  	s8 =	simm.s32 $_size__tile_overlayer_lowered;
	s9 =	simm.s32 $_tile_overlayer_lowered  }
0xa2: {  	s22 =	simm.s32 $0x1BFF;
	s21 =	sshll.u32 s9, $0x1;
	s6 =	sadd.s32 s7, s19  }
0xa3: {  	s10 =	simm.s32 $0x0;
	s20 =	sshll.u32 s8, $0x1;
	s8 =	sadd.s32 s21, s6  }
0xa4: {  	[timem:s10], [sflag:s22] =	dma.local [hbm:s8], s20  }
0xa5: {  	_ =	swait.ge [sflag:s22], s20  }
0xa6: {  	s7 =	ssub.s32 $0x0, s20;
	[sflag:s22] =	ssyncset.done $0x0  }
0xa7: {  	[sflag:s22] =	ssyncadd.s32 s7;
	_ =	sdelay $0x1  }
0xa8: {  	s23 =	simm.s32 $0x1B8B  }
0xa9: {  	_ =	swait.ge [sflag:s23], $0x1  }
0xaa: {  	[sflag:s23] =	ssyncset.done $0x0  }
0xab: {  	s25 =	simm.s32 $0x1B8E;
	s24 =	sld [smem:$0x3FFE];
	[sflag:s23] =	ssyncadd.s32 $0xFFFFFFFF  }
0xac: {  	s26 =	simm.s32 $execute0_lowered;
	[smem:$0x3FD2] =	sst s25  }
0xad: {  	s8 =	sshll.u32 s26, $0x1;
	_ =	strace $0x80000046;
	[dreg:$0x1] =	wrdreg $0xFFFFFFFF  }
0xae: {  	s28 =	simm.s32 $_size_execute0_lowered;
	s6 =	sadd.s32 s6, s8;
	[dreg:$0x0] =	wrdreg $0x0  }
0xaf: {  	s8 =	sshll.u32 s28, $0x1;
	[dreg:$0x2] =	wrdreg s6  }
0xb0: {  	[dreg:$0x3] =	wrdreg s8  }
0xb1: {  	[dreg:$0x4] =	wrdreg $0xC0  }
0xb2: {  	_ =	task [dreg:s10], $0x5FFFF  }
0xb3: {  	[dreg:$0x1] =	wrdreg $0xFFFFFFFF  }
0xb4: {  	[dreg:$0x0] =	wrdreg $0x60  }
0xb5: {  	[dreg:$0x2] =	wrdreg s16  }
0xb6: {  	[dreg:$0x3] =	wrdreg s15  }
0xb7: {  	[dreg:$0x4] =	wrdreg s4  }
0xb8: {  	[dreg:$0x5] =	wrdreg s24  }
0xb9: {  	[dreg:$0x6] =	wrdreg s17  }
0xba: {  	[dreg:$0x7] =	wrdreg $0x77600  }
0xbb: {  	[dreg:$0x8] =	wrdreg $0x1B4E00  }
0xbc: {  	[dreg:$0x9] =	wrdreg $0x9  }
0xbd: {  	_ =	task.clear_ibuf [dreg:s10], $0xAFFFF;
	_ =	strace $0x90000046  }
0xbe: {  	s29 =	simm.s32 $0x9;
	_ =	strace $0x80000048  }
0xbf: {  	_ =	swait.ge [sflag:s29], $0x1  }
0xc0: {  	[sflag:s29] =	ssyncadd.s32 $0xFFFFFFFF  }
0xc1: {  	_ =	strace $0x90000048  }
0xc2: {  	_ =	sfence  }
0xc3: {  	s30 =	sld [smem:$0x0];
	_ =	sdelay $0x2  }
0xc4: {  	s31 =	sshll.u32 s1, $0xD;
	s1 =	sshrl.u32 s1, $0x2  }
0xc5: {  	s3 =	sand.u32 $0x4000, s31;
	s1 =	sadd.s32 s1, s30  }
0xc6: {  	s0 =	sor.u32 s3, s0;
	s1 =	sshll.u32 s1, $0x11  }
0xc7: {  	s0 =	sor.u32 s1, s0  }
0xc8: {  	s0 =	sadd.s32 $0x8F2B, s0  }
0xc9: {  	[sflag:s0] =	ssyncadd.remote.s32 $0x1  }
0xca: {  	_ =	sfence.sel $0xFFFF  }
0xcb: {  	[dreg:$0x0] =	wrdreg $0xFFFFFFFF;
	(pc) =	sbr.abs _section_cstart, $3  }
0xcc: {  	[dreg:$0x1] =	wrdreg $0xFFFFFFFF  }
0xcd: {  	_ =	task.clear_ibuf [dreg:s10], $0x2FFFF;
	_ =	strace $0x9FFFFFFF  }
0xce: {  	(tm) =	ssettm $0x7FFFFFFF  }
0xcf: {  	_ =	shalt  }
tec
execute0_lowered:
.L_overlay_start_1:
0x0: {  	(tag) =	ssettag $0x1  }
0x1: {  	s0 =	rddreg [dreg:$0x0]  }
0x2: {  	s1 =	rddreg [dreg:$0x1]  }
0x3: {  	s5 =	rddreg [dreg:$0x2]  }
0x4: {  	s6 =	rddreg [dreg:$0x3]  }
0x5: {  	s7 =	rddreg [dreg:$0x4]  }
0x6: {  	s2 =	rddreg [dreg:$0x5]  }
0x7: {  	s3 =	rddreg [dreg:$0x6];
	s19 =	stileid.u32  }
0x8: {  	s4 =	simm.s32 $0x0;
	s8 =	srdreg.scid;
	s10 =	smul.u32 $0x270, s19  }
0x9: {  	[smem:$0x7FF] =	sst s4;
	s8 =	sand.u32 $0x1, s8;
	s13 =	smul.u32 $0x13800, s19  }
0xa: {  	s12 =	sshll.u32 s19, $0x1;
	s14 =	sadd.s32 $0x1E00, s6;
	s18 =	smul.u32 $0x2700, s19  }
0xb: {  	p0 =	sne.s32 s19, $0x0;
	s19 =	simm.s32 $0xF0;
	_ =	strace $0x80000047  }
0xc: {  	s9 =	ssub.s32 $0x2, s8;
	s24 =	sor.u32 s8, s12;
	s29 =	smul.u32 $0x138800, s8  }
0xd: {  	s8 =	smul.u32 $0x27100, s8;
	s11 =	sshrl.u32 s9, $0x1;
	s6 =	sadd.s32 s13, s2  }
0xe: {  	s12 =	sadd.s32 $0x50, s10;
	s15 =	sadd.s32 $0xA0, s10;
	s9 =	ssub.s32 s9, s11  }
0xf: {  	s16 =	sshll.u32 s12, $0x7;
	s17 =	sshll.u32 s15, $0x7;
	s11 =	smul.u32 $0x2710, s24  }
0x10: {  	s22 =	sadd.s32 s13, s29;
	s23 =	sadd.s32 s18, s8;
	s24 =	sshrl.u32 s29, $0x3  }
0x11: {  	s29 =	sshrl.u32 s8, $0x3;
	s8 =	sadd.s32 $0x190, s10;
	s16 =	sadd.s32 s16, s2  }
0x12: {  	s25 =	sadd.s32 s17, s2;
	s13 =	sadd.s32 s7, s29;
	s29 =	sadd.s32 $0x1E0, s10  }
0x13: {  	s31 =	smax.u32 s9, $0x1;
	s9 =	simm.s32 $0x5;
	[dreg:$0x8] =	wrdreg s16  }
0x14: {  	[dreg:$0x9] =	wrdreg s25;
	s16 =	sadd.s32 $0xF0, s10;
	s11 =	sshrl.u32 s11, $0x3  }
0x15: {  	s25 =	sshrl.u32 s23, $0x3;
	s23 =	sshll.u32 s15, $0x4;
	s30 =	smov.u32 s13  }
0x16: {  	s15 =	simm.s32 $0xA0;
	s26 =	sshll.u32 s16, $0x7;
	s28 =	sadd.s32 s1, s11  }
0x17: {  	s20 =	sadd.s32 s5, s11;
	s11 =	sadd.s32 $0x276, s11;
	[dreg:$0xb] =	wrdreg s28  }
0x18: {  	s17 =	sadd.s32 s26, s2;
	[dreg:$0xc] =	wrdreg s20;
	s1 =	sadd.s32 s1, s11  }
0x19: {  	s21 =	sadd.s32 s5, s11;
	s5 =	sadd.s32 s14, s24;
	s26 =	sadd.s32 $0x140, s10  }
0x1a: {  	s28 =	sshll.u32 s8, $0x7;
	s20 =	sshll.u32 s12, $0x4;
	[dreg:$0xa] =	wrdreg s17  }
0x1b: {  	s24 =	sshll.u32 s16, $0x4;
	s16 =	simm.s32 $0x4;
	[dreg:$0xd] =	wrdreg s1  }
0x1c: {  	[dreg:$0xe] =	wrdreg s21;
	s1 =	sshrl.u32 s22, $0x3;
	s17 =	sshll.u32 s29, $0x7  }
0x1d: {  	s21 =	sadd.s32 s18, s3;
	s11 =	sshll.u32 s26, $0x4;
	s18 =	simm.s32 $0x1400  }
0x1e: {  	s1 =	sadd.s32 s14, s1;
	s14 =	sadd.s32 $0x230, s10;
	s10 =	sadd.s32 s17, s2  }
0x1f: {  	s17 =	simm.s32 $0x2;
	[dreg:$0xf] =	wrdreg s1;
	s1 =	sadd.s32 s7, s25  }
0x20: {  	s7 =	sshll.u32 s26, $0x7;
	[dreg:$0x13] =	wrdreg s10;
	s22 =	sshll.u32 s14, $0x7  }
0x21: {  	s10 =	sadd.s32 s20, s3;
	s25 =	sadd.s32 s24, s3;
	[dreg:$0x10] =	wrdreg s1  }
0x22: {  	s26 =	sadd.s32 s11, s3;
	s11 =	simm.s32 $0x13B0;
	[dreg:$0x15] =	wrdreg s10  }
0x23: {  	s20 =	simm.s32 $0x3;
	s1 =	sadd.s32 s7, s2;
	[dreg:$0x17] =	wrdreg s25  }
0x24: {  	s12 =	sadd.s32 s22, s2;
	s10 =	sadd.s32 s23, s3;
	[dreg:$0x18] =	wrdreg s26  }
0x25: {  	s7 =	sshll.u32 s8, $0x4;
	s8 =	sshll.u32 s29, $0x4;
	[dreg:$0x11] =	wrdreg s1  }
0x26: {  	s29 =	sadd.s32 $0x27000, s5;
	s5 =	sadd.s32 $0x27000, s3;
	[dreg:$0x14] =	wrdreg s12  }
0x27: {  	s22 =	simm.s32 $0x2710;
	s23 =	simm.s32 $0x0;
	[dreg:$0x16] =	wrdreg s10  }
0x28: {  	s1 =	sadd.s32 s28, s2;
	s7 =	sadd.s32 s7, s3;
	[dreg:$0x1c] =	wrdreg s29  }
.Ltmp0:
0x29: {  	s28 =	sadd.s32 s8, s3;
	[dreg:$0x12] =	wrdreg s1;
	(pc) =	sbr.rel .LBB2_1-.Ltmp0, $4  }
0x2a: {  	s8 =	simm.s32 $0x2760;
	s10 =	simm.s32 $0x1AFE0;
	[dreg:$0x19] =	wrdreg s7  }
0x2b: {  	s12 =	simm.s32 $0x50;
	s1 =	sshll.u32 s14, $0x4;
	[dreg:$0x1a] =	wrdreg s28  }
0x2c: {  	s7 =	sadd.s32 $0x4E00, s13;
	s13 =	simm.s32 $0x4F60;
	s1 =	sadd.s32 s1, s3  }
0x2d: {  	v0 =	vimm.f32 $0.0e+00;
	v1 =	vimm.f32 $1.000000000e+00;
	s14 =	simm.s32 $0x1;
	[dreg:$0x1b] =	wrdreg s1;
	s1 =	sadd.s32 $0x138000, s2  }
.LBB2_13:
0x2e: {  	_ =	swait.ge [sflag:s20], $0x500  }
0x2f: {  	[sflag:s20] =	ssyncset.done $0x0  }
0x30: {  	[sflag:s20] =	ssyncadd.s32 $0xFFFFFB00  }
0x31: {  	_ =	swait.ge [sflag:s16], $0x500  }
0x32: {  	[sflag:s16] =	ssyncset.done $0x0  }
0x33: {  	s24 =	stileid.u32;
	[sflag:s16] =	ssyncadd.s32 $0xFFFFFB00  }
0x34: {  	s24 =	sshll.u32 s24, $0x6;
	[bflag:$0x0] =	sbarrier.arrive $0xFFFF  }
0x35: {  	s25 =	sshrl.u32 s6, $0x3;
	s24 =	sor.u32 $0x1C05, s24;
	s26 =	rddreg [dreg:$0xf]  }
0x36: {  	[hbm:s26], [sflag:s24] =	dma.local [spmem:s25], $0x2700  }
0x37: {  	_ =	swait.ge [sflag:s9], $0x2700  }
0x38: {  	[sflag:s9] =	ssyncset.done $0x0  }
0x39: {  	s25 =	sshrl.u32 @p0 s21, $0x3;
	s26 =	rddreg [dreg:$0x10];
	[sflag:s9] =	ssyncadd.s32 $0xFFFFD900  }
0x3a: {  	[hbm:s26], [sflag:s24] =	dma.local @p0 [spmem:s25], $0x4E0  }
0x3b: {  	s25 =	simm.s32 @p0 $0x5  }
0x3c: {  	_ =	swait.ge @p0 [sflag:s25], $0x4E0  }
0x3d: {  	[sflag:s25] =	ssyncset.done @p0 $0x0  }
0x3e: {  	s26 =	rddreg [dreg:$0x1c];
	[sflag:s25] =	ssyncadd.s32 @p0 $0xFFFFFB20;
	s25 =	sshrl.u32 @!p0 s1, $0x3  }
0x3f: {  	[hbm:s26], [sflag:s24] =	dma.local @!p0 [spmem:s25], $0x100  }
0x40: {  	s25 =	simm.s32 @!p0 $0x5  }
0x41: {  	_ =	swait.ge @!p0 [sflag:s25], $0x100  }
0x42: {  	[sflag:s25] =	ssyncset.done @!p0 $0x0  }
0x43: {  	s26 =	sshrl.u32 @!p0 s21, $0x3;
	[sflag:s25] =	ssyncadd.s32 @!p0 $0xFFFFFF00  }
0x44: {  	[hbm:s30], [sflag:s24] =	dma.local @!p0 [spmem:s26], $0x4E0  }
0x45: {  	s23 =	sadd.s32 $0x1, s23;
	_ =	swait.ge @!p0 [sflag:s25], $0x4E0  }
0x46: {  	p1 =	sne.s32 s23, s31;
	[sflag:s25] =	ssyncset.done @!p0 $0x0  }
.Ltmp1:
0x47: {  	s26 =	sshrl.u32 @!p0 s5, $0x3;
	[sflag:s25] =	ssyncadd.s32 @!p0 $0xFFFFFB20;
	(pc) =	sbr.rel @!p1 .LBB2_14-.Ltmp1, $4  }
0x48: {  	[hbm:s7], [sflag:s24] =	dma.local @!p0 [spmem:s26], $0x20  }
0x49: {  	_ =	swait.ge @!p0 [sflag:s25], $0x20  }
0x4a: {  	[sflag:s25] =	ssyncset.done @!p0 $0x0  }
0x4b: {  	[sflag:s25] =	ssyncadd.s32 @!p0 $0xFFFFFFE0  }
.LBB2_1:
0x4c: {  	s24 =	simm.s32 $0x0;
	s25 =	simm.s32 $0x200  }
.LBB2_2:
0x4d: {  	p1 =	sne.s32 s25, $0x9E00;
	[tilespmem:s24+$0x27D0] =	vst v0  }
0x4e: {  	[tilespmem:s24+$0x2760] =	vst v0  }
0x4f: {  	[tilespmem:s24+$0x2770] =	vst v0  }
.Ltmp2:
0x50: {  	[tilespmem:s24+$0x2780] =	vst v0;
	(pc) =	sbr.rel @p1 .LBB2_2-.Ltmp2, $4  }
0x51: {  	[tilespmem:s24+$0x2790] =	vst v0  }
0x52: {  	[tilespmem:s24+$0x27A0] =	vst v0  }
0x53: {  	[tilespmem:s24+$0x27B0] =	vst v0  }
0x54: {  	[tilespmem:s24+$0x27C0] =	vst v0;
	s24 =	sshra.s32 s25, $0x2;
	s25 =	sadd.s32 $0x200, s25  }
0x55: {  	[tilespmem:s24+$0x27D0] =	vst v0  }
0x56: {  	[tilespmem:s24+$0x2760] =	vst v0  }
0x57: {  	[tilespmem:s24+$0x2770] =	vst v0  }
0x58: {  	[tilespmem:s24+$0x2780] =	vst v0  }
0x59: {  	[tilespmem:s24+$0x2790] =	vst v0  }
0x5a: {  	[tilespmem:s24+$0x27A0] =	vst v0  }
0x5b: {  	[tilespmem:s24+$0x27B0] =	vst v0  }
0x5c: {  	[tilespmem:s24+$0x27C0] =	vst v0  }
0x5d: {  	[spmem:s6] =	stream.linear.scatter [tilespmem:s8], [sflag:$0x5], $0x2800, $0x38;
	[tilespmem:$0x1DBF0] =	vst v63  }
0x5e: {  	_ =	swait.ge [sflag:s9], $0x2800  }
0x5f: {  	[sflag:s9] =	ssyncset.done $0x0  }
0x60: {  	s26 =	rddreg [dreg:$0x8];
	[sflag:s9] =	ssyncadd.s32 $0xFFFFD800  }
0x61: {  	[spmem:s26] =	stream.linear.scatter [tilespmem:s8], [sflag:$0x5], $0x2800, $0x38;
	[tilespmem:$0x1DBF0] =	vst v63  }
0x62: {  	_ =	swait.ge [sflag:s9], $0x2800  }
0x63: {  	[sflag:s9] =	ssyncset.done $0x0  }
0x64: {  	s28 =	rddreg [dreg:$0x9];
	[sflag:s9] =	ssyncadd.s32 $0xFFFFD800  }
0x65: {  	[spmem:s28] =	stream.linear.scatter [tilespmem:s8], [sflag:$0x5], $0x2800, $0x38;
	[tilespmem:$0x1DBF0] =	vst v63  }
0x66: {  	_ =	swait.ge [sflag:s9], $0x2800  }
0x67: {  	[sflag:s9] =	ssyncset.done $0x0  }
0x68: {  	s29 =	rddreg [dreg:$0xa];
	[sflag:s9] =	ssyncadd.s32 $0xFFFFD800  }
0x69: {  	[spmem:s29] =	stream.linear.scatter [tilespmem:s8], [sflag:$0x5], $0x2800, $0x38;
	[tilespmem:$0x1DBF0] =	vst v63  }
0x6a: {  	_ =	swait.ge [sflag:s9], $0x2800  }
0x6b: {  	[sflag:s9] =	ssyncset.done $0x0  }
0x6c: {  	s25 =	rddreg [dreg:$0x11];
	[sflag:s9] =	ssyncadd.s32 $0xFFFFD800  }
0x6d: {  	[spmem:s25] =	stream.linear.scatter [tilespmem:s8], [sflag:$0x5], $0x2800, $0x38;
	[tilespmem:$0x1DBF0] =	vst v63  }
0x6e: {  	_ =	swait.ge [sflag:s9], $0x2800  }
0x6f: {  	[sflag:s9] =	ssyncset.done $0x0  }
0x70: {  	s26 =	rddreg [dreg:$0x12];
	[sflag:s9] =	ssyncadd.s32 $0xFFFFD800  }
0x71: {  	[spmem:s26] =	stream.linear.scatter [tilespmem:s8], [sflag:$0x5], $0x2800, $0x38;
	[tilespmem:$0x1DBF0] =	vst v63  }
0x72: {  	_ =	swait.ge [sflag:s9], $0x2800  }
0x73: {  	[sflag:s9] =	ssyncset.done $0x0  }
0x74: {  	s28 =	rddreg [dreg:$0x13];
	[sflag:s9] =	ssyncadd.s32 $0xFFFFD800  }
0x75: {  	[spmem:s28] =	stream.linear.scatter [tilespmem:s8], [sflag:$0x5], $0x2800, $0x38;
	[tilespmem:$0x1DBF0] =	vst v63  }
0x76: {  	_ =	swait.ge [sflag:s9], $0x2800  }
0x77: {  	[sflag:s9] =	ssyncset.done $0x0  }
0x78: {  	s29 =	rddreg [dreg:$0x14];
	[sflag:s9] =	ssyncadd.s32 $0xFFFFD800  }
0x79: {  	[spmem:s29] =	stream.linear.scatter [tilespmem:s8], [sflag:$0x5], $0x2000, $0x38;
	[tilespmem:$0x1DBF0] =	vst v63  }
0x7a: {  	_ =	swait.ge [sflag:s9], $0x2000  }
0x7b: {  	[sflag:s9] =	ssyncset.done $0x0  }
0x7c: {  	s24 =	simm.s32 @!p0 $0x2760;
	[sflag:s9] =	ssyncadd.s32 $0xFFFFE000  }
0x7d: {  	[spmem:s1] =	stream.linear.scatter @!p0 [tilespmem:s24], [sflag:$0x5], $0x800, $0x38;
	[tilespmem:$0x1DBF0] =	vst v63  }
0x7e: {  	s24 =	simm.s32 @!p0 $0x5  }
0x7f: {  	_ =	swait.ge @!p0 [sflag:s24], $0x800  }
0x80: {  	[sflag:s24] =	ssyncset.done @!p0 $0x0  }
0x81: {  	s25 =	simm.s32 $0x0;
	[sflag:s24] =	ssyncadd.s32 @!p0 $0xFFFFF800;
	s24 =	simm.s32 $0x40  }
.LBB2_4:
0x82: {  	p1 =	sne.s32 s24, $0x13C0;
	[tilespmem:s25+$0x1AFE0] =	vst v0;
	s25 =	smov.u32 s24;
	s24 =	sadd.s32 $0x40, s24  }
.Ltmp3:
0x83: {  	(pc) =	sbr.rel @p1 .LBB2_4-.Ltmp3, $2  }
0x84: {  	_ =	sdelay $0x2  }
0x85: {  	s25 =	sshra.s32 s25, $0x2  }
0x86: {  	[tilespmem:s25+$0x1AFE0] =	vst v0  }
0x87: {  	[spmem:s21] =	stream.linear.scatter [tilespmem:s10], [sflag:$0x5], $0x500, $0x38;
	[tilespmem:$0x1DBF0] =	vst v63  }
0x88: {  	_ =	swait.ge [sflag:s9], $0x500  }
0x89: {  	[sflag:s9] =	ssyncset.done $0x0  }
0x8a: {  	s24 =	rddreg [dreg:$0x15];
	[sflag:s9] =	ssyncadd.s32 $0xFFFFFB00  }
0x8b: {  	[spmem:s24] =	stream.linear.scatter [tilespmem:s10], [sflag:$0x5], $0x500, $0x38;
	[tilespmem:$0x1DBF0] =	vst v63  }
0x8c: {  	_ =	swait.ge [sflag:s9], $0x500  }
0x8d: {  	[sflag:s9] =	ssyncset.done $0x0  }
0x8e: {  	s28 =	rddreg [dreg:$0x16];
	[sflag:s9] =	ssyncadd.s32 $0xFFFFFB00  }
0x8f: {  	[spmem:s28] =	stream.linear.scatter [tilespmem:s10], [sflag:$0x5], $0x500, $0x38;
	[tilespmem:$0x1DBF0] =	vst v63  }
0x90: {  	_ =	swait.ge [sflag:s9], $0x500  }
0x91: {  	[sflag:s9] =	ssyncset.done $0x0  }
0x92: {  	s29 =	rddreg [dreg:$0x17];
	[sflag:s9] =	ssyncadd.s32 $0xFFFFFB00  }
0x93: {  	[spmem:s29] =	stream.linear.scatter [tilespmem:s10], [sflag:$0x5], $0x500, $0x38;
	[tilespmem:$0x1DBF0] =	vst v63  }
0x94: {  	_ =	swait.ge [sflag:s9], $0x500  }
0x95: {  	[sflag:s9] =	ssyncset.done $0x0  }
0x96: {  	s25 =	rddreg [dreg:$0x18];
	[sflag:s9] =	ssyncadd.s32 $0xFFFFFB00  }
0x97: {  	[spmem:s25] =	stream.linear.scatter [tilespmem:s10], [sflag:$0x5], $0x500, $0x38;
	[tilespmem:$0x1DBF0] =	vst v63  }
0x98: {  	_ =	swait.ge [sflag:s9], $0x500  }
0x99: {  	[sflag:s9] =	ssyncset.done $0x0  }
0x9a: {  	s26 =	rddreg [dreg:$0x19];
	[sflag:s9] =	ssyncadd.s32 $0xFFFFFB00  }
0x9b: {  	[spmem:s26] =	stream.linear.scatter [tilespmem:s10], [sflag:$0x5], $0x500, $0x38;
	[tilespmem:$0x1DBF0] =	vst v63  }
0x9c: {  	_ =	swait.ge [sflag:s9], $0x500  }
0x9d: {  	[sflag:s9] =	ssyncset.done $0x0  }
0x9e: {  	s28 =	rddreg [dreg:$0x1a];
	[sflag:s9] =	ssyncadd.s32 $0xFFFFFB00  }
0x9f: {  	[spmem:s28] =	stream.linear.scatter [tilespmem:s10], [sflag:$0x5], $0x500, $0x38;
	[tilespmem:$0x1DBF0] =	vst v63  }
0xa0: {  	_ =	swait.ge [sflag:s9], $0x500  }
0xa1: {  	[sflag:s9] =	ssyncset.done $0x0  }
0xa2: {  	s29 =	rddreg [dreg:$0x1b];
	[sflag:s9] =	ssyncadd.s32 $0xFFFFFB00  }
0xa3: {  	[spmem:s29] =	stream.linear.scatter [tilespmem:s10], [sflag:$0x5], $0x400, $0x38;
	[tilespmem:$0x1DBF0] =	vst v63  }
0xa4: {  	_ =	swait.ge [sflag:s9], $0x400  }
0xa5: {  	[sflag:s9] =	ssyncset.done $0x0  }
0xa6: {  	s24 =	simm.s32 @!p0 $0x1AFE0;
	[sflag:s9] =	ssyncadd.s32 $0xFFFFFC00  }
0xa7: {  	[spmem:s5] =	stream.linear.scatter @!p0 [tilespmem:s24], [sflag:$0x5], $0x100, $0x38;
	[tilespmem:$0x1DBF0] =	vst v63  }
0xa8: {  	s24 =	simm.s32 @!p0 $0x5  }
0xa9: {  	_ =	swait.ge @!p0 [sflag:s24], $0x100  }
0xaa: {  	[sflag:s24] =	ssyncset.done @!p0 $0x0  }
0xab: {  	s25 =	simm.s32 $0x0;
	[sflag:s24] =	ssyncadd.s32 @!p0 $0xFFFFFF00;
	s24 =	simm.s32 $0x40  }
.LBB2_6:
0xac: {  	p1 =	sne.s32 s24, $0x13C0;
	[tilespmem:s25+$0x1AFE0] =	vst v1;
	s25 =	smov.u32 s24;
	s24 =	sadd.s32 $0x40, s24  }
.Ltmp4:
0xad: {  	(pc) =	sbr.rel @p1 .LBB2_6-.Ltmp4, $2  }
0xae: {  	_ =	sdelay $0x2  }
0xaf: {  	s25 =	sshra.s32 s25, $0x2  }
0xb0: {  	[tilespmem:s25+$0x1AFE0] =	vst v1  }
0xb1: {  	[bflag:$0x0] =	sbarrier.arrive $0xFFFF  }
0xb2: {  	s24 =	rddreg [dreg:$0xb]  }
0xb3: {  	[tilespmem:s4], [sflag:$0x5] =	stream.linear.gather [hbm4b:s24+s4], $0x13B0, $0x38;
	[tilespmem:$0x1DBF0] =	vst v63  }
0xb4: {  	_ =	swait.ge [sflag:s9], $0x13B0  }
0xb5: {  	[sflag:s9] =	ssyncset.done $0x0  }
0xb6: {  	s29 =	rddreg [dreg:$0xc];
	[sflag:s9] =	ssyncadd.s32 $0xFFFFEC50  }
0xb7: {  	[tilespmem:s11], [sflag:$0x5] =	stream.linear.gather [hbm4b:s29+s4], $0x13B0, $0x38;
	[tilespmem:$0x1DBF0] =	vst v63  }
0xb8: {  	_ =	swait.ge [sflag:s9], $0x13B0  }
0xb9: {  	[sflag:s9] =	ssyncset.done $0x0  }
0xba: {  	[sflag:s9] =	ssyncadd.s32 $0xFFFFEC50  }
0xbb: {  	[tilespmem:s8], [sflag:$0x1] =	stream.indirect.gather [hbm4b:s0+s12], $0x80, s4, s12, $0xb8;
	[tilespmem:$0x1DBF0] =	vst v63  }
0xbc: {  	_ = 	snop  }
0xbd: {  	[tilespmem:s13], [sflag:$0x2] =	stream.indirect.gather [hbm4b:s0+s12], $0x80, s12, s12, $0xb8;
	[tilespmem:$0x1DBF0] =	vst v63  }
0xbe: {  	_ =	swait.ge [sflag:s14], $0x2800  }
0xbf: {  	[sflag:s14] =	ssyncset.done $0x0  }
0xc0: {  	[sflag:s14] =	ssyncadd.s32 $0xFFFFD800  }
0xc1: {  	[spmem:s2] =	stream.indirect.scatter.add.f32 [tilespmem:s8], [sflag:$0x5], $0x80, s11, s12, $0xb8;
	[tilespmem:$0x1DBF0] =	vst v63  }
0xc2: {  	_ =	swait.ge [sflag:s9], $0x2800  }
0xc3: {  	[sflag:s9] =	ssyncset.done $0x0  }
0xc4: {  	[sflag:s9] =	ssyncadd.s32 $0xFFFFD800  }
0xc5: {  	[spmem:s3] =	stream.indirect.scatter.add.f32 [tilespmem:s10], [sflag:$0x3], $0x10, s11, s12, $0xb8;
	[tilespmem:$0x1DBF0] =	vst v63  }
0xc6: {  	_ = 	snop  }
0xc7: {  	[tilespmem:s8], [sflag:$0x1] =	stream.indirect.gather [hbm4b:s0+s12], $0x80, s15, s12, $0xb8;
	[tilespmem:$0x1DBF0] =	vst v63  }
0xc8: {  	_ =	swait.ge [sflag:s17], $0x2800  }
0xc9: {  	[sflag:s17] =	ssyncset.done $0x0  }
0xca: {  	[sflag:s17] =	ssyncadd.s32 $0xFFFFD800  }
0xcb: {  	[spmem:s2] =	stream.indirect.scatter.add.f32 [tilespmem:s13], [sflag:$0x5], $0x80, s18, s12, $0xb8;
	[tilespmem:$0x1DBF0] =	vst v63  }
0xcc: {  	_ =	swait.ge [sflag:s9], $0x2800  }
0xcd: {  	[sflag:s9] =	ssyncset.done $0x0  }
0xce: {  	[sflag:s9] =	ssyncadd.s32 $0xFFFFD800  }
0xcf: {  	[spmem:s3] =	stream.indirect.scatter.add.f32 [tilespmem:s10], [sflag:$0x4], $0x10, s18, s12, $0xb8;
	[tilespmem:$0x1DBF0] =	vst v63  }
0xd0: {  	s24 =	simm.s32 $0xFFFFB780  }
0xd1: {  	[tilespmem:s13], [sflag:$0x2] =	stream.indirect.gather [hbm4b:s0+s12], $0x80, s19, s12, $0xb8;
	[tilespmem:$0x1DBF0] =	vst v63  }
.LBB2_8:
0xd2: {  	_ =	swait.ge [sflag:s14], $0x2800  }
0xd3: {  	s25 =	sshra.s32 s24, $0x2;
	[sflag:s14] =	ssyncset.done $0x0  }
0xd4: {  	s26 =	sadd.s32 $0x2670, s25;
	[sflag:s14] =	ssyncadd.s32 $0xFFFFD800  }
0xd5: {  	[spmem:s2] =	stream.indirect.scatter.add.f32 [tilespmem:s8], [sflag:$0x5], $0x80, s26, s12, $0xb8;
	[tilespmem:$0x1DBF0] =	vst v63  }
0xd6: {  	_ =	swait.ge [sflag:s9], $0x2800  }
0xd7: {  	[sflag:s9] =	ssyncset.done $0x0  }
0xd8: {  	[sflag:s9] =	ssyncadd.s32 $0xFFFFD800  }
0xd9: {  	_ =	swait.ge [sflag:s20], $0x500  }
0xda: {  	[sflag:s20] =	ssyncset.done $0x0  }
0xdb: {  	[sflag:s20] =	ssyncadd.s32 $0xFFFFFB00  }
0xdc: {  	[spmem:s3] =	stream.indirect.scatter.add.f32 [tilespmem:s10], [sflag:$0x3], $0x10, s26, s12, $0xb8;
	[tilespmem:$0x1DBF0] =	vst v63  }
0xdd: {  	s28 =	sadd.s32 $0x1360, s25  }
0xde: {  	[tilespmem:s8], [sflag:$0x1] =	stream.indirect.gather [hbm4b:s0+s12], $0x80, s28, s12, $0xb8;
	[tilespmem:$0x1DBF0] =	vst v63  }
0xdf: {  	_ =	swait.ge [sflag:s17], $0x2800  }
0xe0: {  	[sflag:s17] =	ssyncset.done $0x0  }
0xe1: {  	s29 =	sadd.s32 $0x26C0, s25;
	[sflag:s17] =	ssyncadd.s32 $0xFFFFD800  }
0xe2: {  	[spmem:s2] =	stream.indirect.scatter.add.f32 [tilespmem:s13], [sflag:$0x5], $0x80, s29, s12, $0xb8;
	[tilespmem:$0x1DBF0] =	vst v63  }
0xe3: {  	_ =	swait.ge [sflag:s9], $0x2800  }
0xe4: {  	p1 =	seq.s32 s24, $0x0;
	[sflag:s9] =	ssyncset.done $0x0  }
.Ltmp5:
0xe5: {  	[sflag:s9] =	ssyncadd.s32 $0xFFFFD800;
	(pc) =	sbr.rel @p1 .LBB2_10-.Ltmp5, $4  }
0xe6: {  	_ =	swait.ge [sflag:s16], $0x500  }
0xe7: {  	[sflag:s16] =	ssyncset.done $0x0  }
0xe8: {  	[sflag:s16] =	ssyncadd.s32 $0xFFFFFB00  }
0xe9: {  	[spmem:s3] =	stream.indirect.scatter.add.f32 [tilespmem:s10], [sflag:$0x4], $0x10, s29, s12, $0xb8;
	[tilespmem:$0x1DBF0] =	vst v63  }
.Ltmp6:
0xea: {  	(pc) =	sbr.rel .LBB2_8-.Ltmp6, $3  }
0xeb: {  	_ =	sdelay $0x1  }
0xec: {  	s25 =	sadd.s32 $0x13B0, s25;
	s24 =	sadd.s32 $0x280, s24  }
0xed: {  	[tilespmem:s13], [sflag:$0x2] =	stream.indirect.gather [hbm4b:s0+s12], $0x80, s25, s12, $0xb8;
	[tilespmem:$0x1DBF0] =	vst v63  }
.LBB2_10:
0xee: {  	_ =	swait.ge [sflag:s14], $0x2800  }
0xef: {  	[sflag:s14] =	ssyncset.done $0x0  }
0xf0: {  	[sflag:s14] =	ssyncadd.s32 $0xFFFFD800  }
0xf1: {  	[spmem:s2] =	stream.indirect.scatter.add.f32 [tilespmem:s8], [sflag:$0x5], $0x80, s22, s12, $0xb8;
	[tilespmem:$0x1DBF0] =	vst v63  }
0xf2: {  	_ =	swait.ge [sflag:s9], $0x2800  }
0xf3: {  	[sflag:s9] =	ssyncset.done $0x0  }
0xf4: {  	[sflag:s9] =	ssyncadd.s32 $0xFFFFD800  }
0xf5: {  	_ =	swait.ge [sflag:s20], $0x500  }
0xf6: {  	[sflag:s20] =	ssyncset.done $0x0  }
0xf7: {  	[sflag:s20] =	ssyncadd.s32 $0xFFFFFB00  }
0xf8: {  	[spmem:s3] =	stream.indirect.scatter.add.f32 [tilespmem:s10], [sflag:$0x3], $0x10, s22, s12, $0xb8;
	[tilespmem:$0x1DBF0] =	vst v63  }
0xf9: {  	_ =	swait.ge [sflag:s16], $0x500  }
0xfa: {  	[sflag:s16] =	ssyncset.done $0x0  }
0xfb: {  	[sflag:s16] =	ssyncadd.s32 $0xFFFFFB00  }
0xfc: {  	_ =	swait.ge [sflag:s20], $0x500  }
0xfd: {  	[sflag:s20] =	ssyncset.done $0x0  }
0xfe: {  	s24 =	rddreg [dreg:$0xd];
	[sflag:s20] =	ssyncadd.s32 $0xFFFFFB00  }
0xff: {  	[tilespmem:s4], [sflag:$0x5] =	stream.linear.gather [hbm4b:s24+s4], $0x1360, $0x38;
	[tilespmem:$0x1DBF0] =	vst v63  }
0x100: {  	_ =	swait.ge [sflag:s9], $0x1360  }
0x101: {  	[sflag:s9] =	ssyncset.done $0x0  }
0x102: {  	s29 =	rddreg [dreg:$0xe];
	[sflag:s9] =	ssyncadd.s32 $0xFFFFECA0  }
0x103: {  	[tilespmem:s11], [sflag:$0x5] =	stream.linear.gather [hbm4b:s29+s4], $0x1360, $0x38;
	[tilespmem:$0x1DBF0] =	vst v63  }
0x104: {  	_ =	swait.ge [sflag:s9], $0x1360  }
0x105: {  	[sflag:s9] =	ssyncset.done $0x0  }
0x106: {  	[sflag:s9] =	ssyncadd.s32 $0xFFFFECA0  }
0x107: {  	[tilespmem:s8], [sflag:$0x1] =	stream.indirect.gather [hbm4b:s0+s12], $0x80, s4, s12, $0xb8;
	[tilespmem:$0x1DBF0] =	vst v63  }
0x108: {  	_ = 	snop  }
0x109: {  	[tilespmem:s13], [sflag:$0x2] =	stream.indirect.gather [hbm4b:s0+s12], $0x80, s12, s12, $0xb8;
	[tilespmem:$0x1DBF0] =	vst v63  }
0x10a: {  	_ =	swait.ge [sflag:s14], $0x2800  }
0x10b: {  	[sflag:s14] =	ssyncset.done $0x0  }
0x10c: {  	[sflag:s14] =	ssyncadd.s32 $0xFFFFD800  }
0x10d: {  	[spmem:s2] =	stream.indirect.scatter.add.f32 [tilespmem:s8], [sflag:$0x5], $0x80, s11, s12, $0xb8;
	[tilespmem:$0x1DBF0] =	vst v63  }
0x10e: {  	_ =	swait.ge [sflag:s9], $0x2800  }
0x10f: {  	[sflag:s9] =	ssyncset.done $0x0  }
0x110: {  	[sflag:s9] =	ssyncadd.s32 $0xFFFFD800  }
0x111: {  	[spmem:s3] =	stream.indirect.scatter.add.f32 [tilespmem:s10], [sflag:$0x3], $0x10, s11, s12, $0xb8;
	[tilespmem:$0x1DBF0] =	vst v63  }
0x112: {  	_ = 	snop  }
0x113: {  	[tilespmem:s8], [sflag:$0x1] =	stream.indirect.gather [hbm4b:s0+s12], $0x80, s15, s12, $0xb8;
	[tilespmem:$0x1DBF0] =	vst v63  }
0x114: {  	_ =	swait.ge [sflag:s17], $0x2800  }
0x115: {  	[sflag:s17] =	ssyncset.done $0x0  }
0x116: {  	[sflag:s17] =	ssyncadd.s32 $0xFFFFD800  }
0x117: {  	[spmem:s2] =	stream.indirect.scatter.add.f32 [tilespmem:s13], [sflag:$0x5], $0x80, s18, s12, $0xb8;
	[tilespmem:$0x1DBF0] =	vst v63  }
0x118: {  	_ =	swait.ge [sflag:s9], $0x2800  }
0x119: {  	[sflag:s9] =	ssyncset.done $0x0  }
0x11a: {  	[sflag:s9] =	ssyncadd.s32 $0xFFFFD800  }
0x11b: {  	[spmem:s3] =	stream.indirect.scatter.add.f32 [tilespmem:s10], [sflag:$0x4], $0x10, s18, s12, $0xb8;
	[tilespmem:$0x1DBF0] =	vst v63  }
0x11c: {  	s24 =	simm.s32 $0xFFFFB780  }
0x11d: {  	[tilespmem:s13], [sflag:$0x2] =	stream.indirect.gather [hbm4b:s0+s12], $0x80, s19, s12, $0xb8;
	[tilespmem:$0x1DBF0] =	vst v63  }
.LBB2_11:
0x11e: {  	_ =	swait.ge [sflag:s14], $0x2800  }
0x11f: {  	s25 =	sshra.s32 s24, $0x2;
	[sflag:s14] =	ssyncset.done $0x0  }
0x120: {  	s26 =	sadd.s32 $0x2670, s25;
	[sflag:s14] =	ssyncadd.s32 $0xFFFFD800  }
0x121: {  	[spmem:s2] =	stream.indirect.scatter.add.f32 [tilespmem:s8], [sflag:$0x5], $0x80, s26, s12, $0xb8;
	[tilespmem:$0x1DBF0] =	vst v63  }
0x122: {  	_ =	swait.ge [sflag:s9], $0x2800  }
0x123: {  	[sflag:s9] =	ssyncset.done $0x0  }
0x124: {  	[sflag:s9] =	ssyncadd.s32 $0xFFFFD800  }
0x125: {  	_ =	swait.ge [sflag:s20], $0x500  }
0x126: {  	[sflag:s20] =	ssyncset.done $0x0  }
0x127: {  	p1 =	seq.s32 s24, $0x0;
	[sflag:s20] =	ssyncadd.s32 $0xFFFFFB00  }
0x128: {  	[spmem:s3] =	stream.indirect.scatter.add.f32 [tilespmem:s10], [sflag:$0x3], $0x10, s26, s12, $0xb8;
	[tilespmem:$0x1DBF0] =	vst v63  }
0x129: {  	s26 =	sshra.s32 @!p1 s24, $0x2  }
0x12a: {  	s28 =	simm.s32 @!p1 $0x50;
	s29 =	simm.s32 @!p1 $0x2760;
	s26 =	sadd.s32 @!p1 $0x1360, s26  }
0x12b: {  	[tilespmem:s29], [sflag:$0x1] =	stream.indirect.gather @!p1 [hbm4b:s0+s28], $0x80, s26, s28, $0xb8;
	[tilespmem:$0x1DBF0] =	vst v63  }
0x12c: {  	_ =	swait.ge [sflag:s17], $0x2800  }
0x12d: {  	[sflag:s17] =	ssyncset.done $0x0  }
0x12e: {  	s29 =	sadd.s32 $0x26C0, s25;
	[sflag:s17] =	ssyncadd.s32 $0xFFFFD800  }
0x12f: {  	[spmem:s2] =	stream.indirect.scatter.add.f32 [tilespmem:s13], [sflag:$0x5], $0x80, s29, s12, $0xb8;
	[tilespmem:$0x1DBF0] =	vst v63  }
0x130: {  	_ =	swait.ge [sflag:s9], $0x2800  }
0x131: {  	[sflag:s9] =	ssyncset.done $0x0  }
.Ltmp7:
0x132: {  	[sflag:s9] =	ssyncadd.s32 $0xFFFFD800;
	(pc) =	sbr.rel @p1 .LBB2_13-.Ltmp7, $4  }
0x133: {  	_ =	swait.ge [sflag:s16], $0x500  }
0x134: {  	[sflag:s16] =	ssyncset.done $0x0  }
0x135: {  	[sflag:s16] =	ssyncadd.s32 $0xFFFFFB00  }
0x136: {  	[spmem:s3] =	stream.indirect.scatter.add.f32 [tilespmem:s10], [sflag:$0x4], $0x10, s29, s12, $0xb8;
	[tilespmem:$0x1DBF0] =	vst v63  }
.Ltmp8:
0x137: {  	(pc) =	sbr.rel .LBB2_11-.Ltmp8, $3  }
0x138: {  	_ =	sdelay $0x1  }
0x139: {  	s25 =	sadd.s32 $0x13B0, s25;
	s24 =	sadd.s32 $0x280, s24  }
0x13a: {  	[tilespmem:s13], [sflag:$0x2] =	stream.indirect.gather [hbm4b:s0+s12], $0x80, s25, s12, $0xb8;
	[tilespmem:$0x1DBF0] =	vst v63  }
.LBB2_14:
0x13b: {  	_ =	sfence.sel $0x180000  }
0x13c: {  	[bflag:$0x0] =	sbarrier.arrive $0xFFFF  }
0x13d: {  	_ =	strace $0x90000047  }
0x13e: {  	[bflag:$0x2] =	sbarrier.arrive $0xFFFF  }
0x13f: {  	s0 =	rddreg [dreg:$0x7]  }
0x140: {  	s0 =	sadd.s32 @!p0 $0x100000, s0  }
0x141: {  	[sflag:s0] =	ssyncadd.tile.s32 @!p0 $0x1;
	_ =	shalt  }
.Lfunc_end2:
_tile_overlayer_lowered:
.L_overlay_start_2:
0x142: {  	(tag) =	ssettag $0x2  }
0x143: {  	s0 =	rddreg [dreg:$0x0];
	s2 =	stileid.u32  }
0x144: {  	s1 =	rddreg [dreg:$0x1];
	p0 =	sne.s32 s2, $0x0  }
0x145: {  	s3 =	rddreg [dreg:$0x2];
	[bflag:$0x3] =	sbarrier.arrive $0xFFFF;
	s2 =	simm.s32 @!p0 $0x1C05  }
0x146: {  	[timem:s3], [sflag:s2] =	dma.local @!p0 [hbm:s0], s1  }
0x147: {  	s0 =	simm.s32 @!p0 $0x5  }
0x148: {  	_ =	swait.ge @!p0 [sflag:s0], s1  }
0x149: {  	s1 =	ssub.s32 @!p0 $0x0, s1;
	[sflag:s0] =	ssyncset.done @!p0 $0x0  }
0x14a: {  	[sflag:s0] =	ssyncadd.s32 @!p0 s1  }
0x14b: {  	[bflag:$0x3] =	sbarrier.arrive $0xFFFF  }
0x14c: {  	_ =	shalt  }

</sc_bundles>
